<compile_context>
chip_gen: v7x
topology: tpu7x:2x2x1
jax: 0.10.2.dev20260603
libtpu: 0.0.44.dev20260713+nightly
codegen_flags: <defaults>
</compile_context>

<pallas_src>
import functools

import jax
import jax.numpy as jnp
from jax import lax
from jax.experimental import pallas as pl
from jax.experimental.pallas import tpu as pltpu, tpu_sc as plsc

_NDOF = 7_200_000
_NUPD = 2_400_000
_WIN = 112_640
_NWIN = 64
_LAST_WIN = _NDOF - 63 * _WIN
_UC = 3_200
_NCHUNK = _NUPD // _UC

_NROW = 800_000
_RPW = _NROW // 32
_WPW = _RPW * 3
_UC2 = 3_200
_NCHUNK2 = _NROW // _UC2

_mesh = plsc.VectorSubcoreMesh(core_axis_name="c", subcore_axis_name="s")
_sc_params = pltpu.CompilerParams(needs_layout_passes=False)


def _proc_chunk(idxr, valr, win, base):

    def vreg_body(u, carry):
        off0 = pl.multiple_of(u * 128, 128)
        for s in range(8):
            off = off0 + 16 * s
            iv = idxr[pl.ds(off, 16)]
            local = iv - base
            um = plsc.bitcast(local, jnp.uint32) < jnp.uint32(_WIN)
            vv = valr[pl.ds(off, 16)]
            plsc.store_scatter(win, [local], vv, mask=um)
        return carry

    lax.fori_loop(0, _UC // 128, vreg_body, 0)


def _scan_updates(idx_hbm, val_hbm, bufs, win, base):

    def _start(c, slot):
        idxr, valr, si, sv = bufs[slot]
        coff = pl.multiple_of(c * _UC, _UC)
        pltpu.async_copy(idx_hbm.at[pl.ds(coff, _UC)], idxr, si)
        pltpu.async_copy(val_hbm.at[pl.ds(coff, _UC)], valr, sv)

    def _wait(c, slot):
        idxr, valr, si, sv = bufs[slot]
        coff = pl.multiple_of(c * _UC, _UC)
        pltpu.make_async_copy(idx_hbm.at[pl.ds(coff, _UC)], idxr, si).wait()
        pltpu.make_async_copy(val_hbm.at[pl.ds(coff, _UC)], valr, sv).wait()

    npair = _NCHUNK // 2
    _start(0, 0)

    def pair_body(i, carry):
        c0 = i * 2
        _wait(c0, 0)
        _start(c0 + 1, 1)
        _proc_chunk(bufs[0][0], bufs[0][1], win, base)
        _wait(c0 + 1, 1)

        @pl.when(i < npair - 1)
        def _():
            _start(c0 + 2, 0)

        _proc_chunk(bufs[1][0], bufs[1][1], win, base)
        return carry

    lax.fori_loop(0, npair, pair_body, 0)


@functools.partial(
    pl.kernel, mesh=_mesh,
    out_type=jax.ShapeDtypeStruct((_NDOF,), jnp.float32),
    scratch_types=[
        pltpu.VMEM((_WIN,), jnp.float32),
        pltpu.VMEM((_UC,), jnp.int32),
        pltpu.VMEM((_UC,), jnp.float32),
        pltpu.VMEM((_UC,), jnp.int32),
        pltpu.VMEM((_UC,), jnp.float32),
        pltpu.SemaphoreType.DMA,
        pltpu.SemaphoreType.DMA,
        pltpu.SemaphoreType.DMA,
        pltpu.SemaphoreType.DMA,
    ],
    compiler_params=_sc_params,
)
def _sc_dof_scatter(dofs_in, idx_hbm, val_hbm, dofs_out, win, idxv0, valv0,
                    idxv1, valv1, si0, sv0, si1, sv1):
    bufs = ((idxv0, valv0, si0, sv0), (idxv1, valv1, si1, sv1))
    wid = lax.axis_index("s") * 2 + lax.axis_index("c")

    base0 = wid * _WIN
    pltpu.sync_copy(dofs_in.at[pl.ds(base0, _WIN)], win)
    _scan_updates(idx_hbm, val_hbm, bufs, win, base0)
    pltpu.sync_copy(win, dofs_out.at[pl.ds(base0, _WIN)])

    base1 = (32 + wid) * _WIN

    @pl.when(wid != 31)
    def _():
        pltpu.sync_copy(dofs_in.at[pl.ds(base1, _WIN)], win)
        _scan_updates(idx_hbm, val_hbm, bufs, win, base1)
        pltpu.sync_copy(win, dofs_out.at[pl.ds(base1, _WIN)])

    @pl.when(wid == 31)
    def _():
        pltpu.sync_copy(dofs_in.at[pl.ds(63 * _WIN, _LAST_WIN)],
                        win.at[pl.ds(0, _LAST_WIN)])
        _scan_updates(idx_hbm, val_hbm, bufs, win, base1)
        pltpu.sync_copy(win.at[pl.ds(0, _LAST_WIN)],
                        dofs_out.at[pl.ds(63 * _WIN, _LAST_WIN)])


@functools.partial(
    pl.kernel, mesh=_mesh,
    out_type=jax.ShapeDtypeStruct((_NROW * 3,), jnp.float32),
    scratch_types=[
        pltpu.VMEM((_WPW,), jnp.float32),
        pltpu.VMEM((_UC2,), jnp.int32),
        pltpu.VMEM((_UC2,), jnp.float32),
        pltpu.VMEM((_UC2,), jnp.float32),
        pltpu.VMEM((_UC2,), jnp.float32),
        pltpu.VMEM((_UC2,), jnp.int32),
        pltpu.VMEM((_UC2,), jnp.float32),
        pltpu.VMEM((_UC2,), jnp.float32),
        pltpu.VMEM((_UC2,), jnp.float32),
        pltpu.SemaphoreType.DMA,
        pltpu.SemaphoreType.DMA,
    ],
    compiler_params=_sc_params,
)
def _sc_coord_scatter(coords_in, kin_hbm, kx_hbm, ky_hbm, kz_hbm, coords_out,
                      win, kinv0, kxv0, kyv0, kzv0, kinv1, kxv1, kyv1, kzv1,
                      s0, s1):
    wid = lax.axis_index("s") * 2 + lax.axis_index("c")
    base_row = wid * _RPW
    wbase = wid * _WPW
    pltpu.sync_copy(coords_in.at[pl.ds(wbase, _WPW)], win)
    sems = (s0, s1)
    srcs = (kin_hbm, kx_hbm, ky_hbm, kz_hbm)
    slot_bufs = ((kinv0, kxv0, kyv0, kzv0), (kinv1, kxv1, kyv1, kzv1))

    def _bufs(slot):
        return slot_bufs[slot]

    def _start(c, slot):
        coff = pl.multiple_of(c * _UC2, _UC2)
        for src, dst in zip(srcs, _bufs(slot)):
            pltpu.async_copy(src.at[pl.ds(coff, _UC2)], dst, sems[slot])

    def _wait(c, slot):
        coff = pl.multiple_of(c * _UC2, _UC2)
        for src, dst in zip(srcs, _bufs(slot)):
            pltpu.make_async_copy(src.at[pl.ds(coff, _UC2)], dst,
                                  sems[slot]).wait()

    def _proc(slot):
        kinr, kxr, kyr, kzr = _bufs(slot)

        def vreg_body(u, carry):
            off0 = pl.multiple_of(u * 128, 128)
            for s in range(8):
                off = off0 + 16 * s
                kid = kinr[pl.ds(off, 16)]
                lr = kid - base_row
                um = plsc.bitcast(lr, jnp.uint32) < jnp.uint32(_RPW)
                b3 = lr * 3
                plsc.store_scatter(win, [b3], kxr[pl.ds(off, 16)], mask=um)
                plsc.store_scatter(win, [b3 + 1], kyr[pl.ds(off, 16)], mask=um)
                plsc.store_scatter(win, [b3 + 2], kzr[pl.ds(off, 16)], mask=um)
            return carry

        lax.fori_loop(0, _UC2 // 128, vreg_body, 0)

    npair = _NCHUNK2 // 2
    _start(0, 0)

    def pair_body(i, carry):
        c0 = i * 2
        _wait(c0, 0)
        _start(c0 + 1, 1)
        _proc(0)
        _wait(c0 + 1, 1)

        @pl.when(i < npair - 1)
        def _():
            _start(c0 + 2, 0)

        _proc(1)
        return carry

    lax.fori_loop(0, npair, pair_body, 0)
    pltpu.sync_copy(win, coords_out.at[pl.ds(wbase, _WPW)])


def _fkin_body(d_ref, x_ref, y_ref, z_ref):
    d = d_ref[...]
    x_ref[...] = d[:, 0] * jnp.cos(d[:, 3]) + jnp.sin(d[:, 6])
    y_ref[...] = d[:, 1] * jnp.cos(d[:, 4]) + jnp.sin(d[:, 7])
    z_ref[...] = d[:, 2] * jnp.cos(d[:, 5]) + jnp.sin(d[:, 8])


def kernel(masked_dofs, full_dofs, pose_coords, w, mask_idx, kin_id):
    dofs_flat = _sc_dof_scatter(full_dofs.reshape(-1), mask_idx, masked_dofs)
    dofs = dofs_flat.reshape(-1, 9)
    knodes = dofs.shape[0]
    blk = 8192
    kcx, kcy, kcz = pl.pallas_call(
        _fkin_body,
        grid=((knodes + blk - 1) // blk,),
        in_specs=[pl.BlockSpec((blk, 9), lambda i: (i, 0))],
        out_specs=[pl.BlockSpec((blk,), lambda i: (i,))] * 3,
        out_shape=[jax.ShapeDtypeStruct((knodes,), jnp.float32)] * 3,
    )(dofs)
    coords_flat = _sc_coord_scatter(
        pose_coords.reshape(-1), kin_id, kcx, kcy, kcz)
    coords = coords_flat.reshape(pose_coords.shape)
    coords = lax.optimization_barrier(coords)
    return jnp.einsum("pad,d->p", coords * coords, w)

# --- scband reference (transcript-rebuilt; emitter-appended) ---
"""Pipeline reference for scband-kinematic-sfxn-network-15436112462614 (READ-ONLY COPY).

The authoritative reference and input builder live on the scoring server;
editing this copy changes nothing except your own understanding.
"""

import jax, jax.numpy as jnp
import numpy as np

N_POSES = 16
N_ATOMS = 50000
K_NODES = 800000
N_MASKED = 2400000
N_DOFS_FLAT = K_NODES * 9


def setup_inputs(seed: int = 0) -> dict:
    key = jax.random.key(seed)
    k1, k2, k3, k4, k5, k6 = jax.random.split(key, 6)
    masked_dofs = jax.random.normal(k1, (N_MASKED,), dtype=jnp.float32)
    full_dofs = jax.random.normal(k2, (K_NODES, 9), dtype=jnp.float32)
    pose_coords = jax.random.normal(k3, (N_POSES, N_ATOMS, 3), dtype=jnp.float32)
    w = jax.random.normal(k4, (3,), dtype=jnp.float32)
    mask_idx = jax.random.randint(k5, (N_MASKED,), 0, N_DOFS_FLAT, dtype=jnp.int32)
    kin_id = jax.random.randint(k6, (K_NODES,), 0, N_POSES * N_ATOMS, dtype=jnp.int32)
    return {"masked_dofs": masked_dofs, "full_dofs": full_dofs, "pose_coords": pose_coords, "w": w, "mask_idx": mask_idx, "kin_id": kin_id}


def _forward_kin(dofs):
    # simplified stand-in for tmol forwardKin: per-node nonlinear map from 9 DOFs to xyz
    return dofs[:, 0:3] * jnp.cos(dofs[:, 3:6]) + jnp.sin(dofs[:, 6:9])


def reference(masked_dofs, full_dofs, pose_coords, w, mask_idx, kin_id):
    # full_dofs[dof_mask] = masked_dofs  (scatter-overwrite into flat DOF buffer)
    dofs_flat = full_dofs.reshape(-1)
    dofs_flat = dofs_flat.at[mask_idx].set(masked_dofs)
    dofs = dofs_flat.reshape(-1, 9)
    # kincoords = forwardKin(kinforest, dofs)
    kincoords = _forward_kin(dofs)
    # pose_stack_coords.view(-1, 3)[kinforest.id] = kincoords  (scatter-overwrite)
    coords_flat = pose_coords.reshape(-1, 3)
    coords_flat = coords_flat.at[kin_id].set(kincoords)
    coords = coords_flat.reshape(pose_coords.shape)
    # whole_pose_scoring_module: per-pose weighted quadratic energy
    score = jnp.einsum("pad,d->p", coords * coords, w)
    return score

if __name__ == "__main__":
    import jax
    _d = setup_inputs()
    print(jax.jit(kernel)(*tuple(_d.values())))

</pallas_src>

<mosaic_0001>
#map = affine_map<(d0, d1) -> (0)>
module attributes {stable_mosaic.version = 14 : i64} {
  func.func @_sc_coord_scatter(%arg0: i32, %arg1: i32, %arg2: memref<2400000xf32, #tpu.memory_space<hbm>>, %arg3: memref<800000xi32, #tpu.memory_space<hbm>>, %arg4: memref<800000xf32, #tpu.memory_space<hbm>>, %arg5: memref<800000xf32, #tpu.memory_space<hbm>>, %arg6: memref<800000xf32, #tpu.memory_space<hbm>>, %arg7: memref<2400000xf32, #tpu.memory_space<hbm>>, %arg8: memref<75000xf32, #tpu.memory_space<vmem>>, %arg9: memref<3200xi32, #tpu.memory_space<vmem>>, %arg10: memref<3200xf32, #tpu.memory_space<vmem>>, %arg11: memref<3200xf32, #tpu.memory_space<vmem>>, %arg12: memref<3200xf32, #tpu.memory_space<vmem>>, %arg13: memref<3200xi32, #tpu.memory_space<vmem>>, %arg14: memref<3200xf32, #tpu.memory_space<vmem>>, %arg15: memref<3200xf32, #tpu.memory_space<vmem>>, %arg16: memref<3200xf32, #tpu.memory_space<vmem>>, %arg17: memref<!tpu.dma_semaphore, #tpu.memory_space<semaphore_mem>>, %arg18: memref<!tpu.dma_semaphore, #tpu.memory_space<semaphore_mem>>) attributes {dimension_semantics = [#tpu.dimension_semantics<core_parallel>, #tpu.dimension_semantics<subcore_parallel>], iteration_bounds = array<i64: 2, 16>, scalar_prefetch = 0 : i64, scratch_operands = 11 : i64, tpu.core_type = #tpu.core_type<sc_vector_subcore>, window_params = [{transform_indices = #map}, {transform_indices = #map}, {transform_indices = #map}, {transform_indices = #map}, {transform_indices = #map}, {transform_indices = #map}]} {
    %mul3A = arith.constant 2 : i32
    %mul3A_0 = arith.muli %arg1, %mul3A : i32
    %add3A = arith.addi %mul3A_0, %arg0 : i32
    %mul3A_1 = arith.constant 25000 : i32
    %mul3A_2 = arith.muli %add3A, %mul3A_1 : i32
    %mul3A_3 = arith.constant 75000 : i32
    %mul3A_4 = arith.muli %add3A, %mul3A_3 : i32
    "tpu.region"() ({
      %run_scoped3A = tpu.sem_alloc : memref<!tpu.dma_semaphore, #tpu.memory_space<semaphore_mem>>
      %dma_start3A_18 = tpu.memref_slice %arg2[%mul3A_4] : memref<2400000xf32, #tpu.memory_space<hbm>> -> memref<75000xf32, #tpu.memory_space<hbm>>
      %dma_start3A_19 = tpu.memref_slice %arg2[%mul3A_4] : memref<2400000xf32, #tpu.memory_space<hbm>> -> memref<75000xf32, #tpu.memory_space<hbm>>
      tpu.enqueue_dma source(%dma_start3A_19 : memref<75000xf32, #tpu.memory_space<hbm>>) target(%arg8 : memref<75000xf32, #tpu.memory_space<vmem>>) target_semaphore(%run_scoped3A : memref<!tpu.dma_semaphore, #tpu.memory_space<semaphore_mem>>)
      %dma_wait3A = tpu.memref_slice %arg2[%mul3A_4] : memref<2400000xf32, #tpu.memory_space<hbm>> -> memref<75000xf32, #tpu.memory_space<hbm>>
      %dma_wait3A_20 = tpu.memref_slice %arg2[%mul3A_4] : memref<2400000xf32, #tpu.memory_space<hbm>> -> memref<75000xf32, #tpu.memory_space<hbm>>
      tpu.wait_dma2 semaphore(%run_scoped3A : memref<!tpu.dma_semaphore, #tpu.memory_space<semaphore_mem>>) src(%dma_wait3A_20 : memref<75000xf32, #tpu.memory_space<hbm>>) dst(%arg8 : memref<75000xf32, #tpu.memory_space<vmem>>)
      tpu.yield
    }) : () -> ()
    %multiple_of3A = arith.constant 0 : i32
    %multiple_of3A_5 = tpu.assume_multiple %multiple_of3A, 3200 : i32
    %dma_start3A = tpu.memref_slice %arg3[%multiple_of3A_5] : memref<800000xi32, #tpu.memory_space<hbm>> -> memref<3200xi32, #tpu.memory_space<hbm>>
    %dma_start3A_6 = tpu.memref_slice %arg3[%multiple_of3A_5] : memref<800000xi32, #tpu.memory_space<hbm>> -> memref<3200xi32, #tpu.memory_space<hbm>>
    tpu.enqueue_dma source(%dma_start3A_6 : memref<3200xi32, #tpu.memory_space<hbm>>) target(%arg9 : memref<3200xi32, #tpu.memory_space<vmem>>) target_semaphore(%arg17 : memref<!tpu.dma_semaphore, #tpu.memory_space<semaphore_mem>>)
    %dma_start3A_7 = tpu.memref_slice %arg4[%multiple_of3A_5] : memref<800000xf32, #tpu.memory_space<hbm>> -> memref<3200xf32, #tpu.memory_space<hbm>>
    %dma_start3A_8 = tpu.memref_slice %arg4[%multiple_of3A_5] : memref<800000xf32, #tpu.memory_space<hbm>> -> memref<3200xf32, #tpu.memory_space<hbm>>
    tpu.enqueue_dma source(%dma_start3A_8 : memref<3200xf32, #tpu.memory_space<hbm>>) target(%arg10 : memref<3200xf32, #tpu.memory_space<vmem>>) target_semaphore(%arg17 : memref<!tpu.dma_semaphore, #tpu.memory_space<semaphore_mem>>)
    %dma_start3A_9 = tpu.memref_slice %arg5[%multiple_of3A_5] : memref<800000xf32, #tpu.memory_space<hbm>> -> memref<3200xf32, #tpu.memory_space<hbm>>
    %dma_start3A_10 = tpu.memref_slice %arg5[%multiple_of3A_5] : memref<800000xf32, #tpu.memory_space<hbm>> -> memref<3200xf32, #tpu.memory_space<hbm>>
    tpu.enqueue_dma source(%dma_start3A_10 : memref<3200xf32, #tpu.memory_space<hbm>>) target(%arg11 : memref<3200xf32, #tpu.memory_space<vmem>>) target_semaphore(%arg17 : memref<!tpu.dma_semaphore, #tpu.memory_space<semaphore_mem>>)
    %dma_start3A_11 = tpu.memref_slice %arg6[%multiple_of3A_5] : memref<800000xf32, #tpu.memory_space<hbm>> -> memref<3200xf32, #tpu.memory_space<hbm>>
    %dma_start3A_12 = tpu.memref_slice %arg6[%multiple_of3A_5] : memref<800000xf32, #tpu.memory_space<hbm>> -> memref<3200xf32, #tpu.memory_space<hbm>>
    tpu.enqueue_dma source(%dma_start3A_12 : memref<3200xf32, #tpu.memory_space<hbm>>) target(%arg12 : memref<3200xf32, #tpu.memory_space<vmem>>) target_semaphore(%arg17 : memref<!tpu.dma_semaphore, #tpu.memory_space<semaphore_mem>>)
    %scan3A = arith.constant 0 : i32
    %scan3A_13 = arith.constant 0 : i32
    %scan3A_14 = arith.constant 125 : i32
    %scan3A_15 = arith.addi %scan3A_13, %scan3A_14 : i32
    %scan3A_16 = arith.constant 1 : i32
    scf.for %scan3A_18 = %scan3A_13 to %scan3A_15 step %scan3A_16  : i32 {
      %mul3A_19 = arith.constant 2 : i32
      %mul3A_20 = arith.muli %scan3A_18, %mul3A_19 : i32
      %mul3A_21 = arith.constant 3200 : i32
      %mul3A_22 = arith.muli %mul3A_20, %mul3A_21 : i32
      %multiple_of3A_23 = tpu.assume_multiple %mul3A_22, 3200 : i32
      %dma_wait3A = tpu.memref_slice %arg3[%multiple_of3A_23] : memref<800000xi32, #tpu.memory_space<hbm>> -> memref<3200xi32, #tpu.memory_space<hbm>>
      %dma_wait3A_24 = tpu.memref_slice %arg3[%multiple_of3A_23] : memref<800000xi32, #tpu.memory_space<hbm>> -> memref<3200xi32, #tpu.memory_space<hbm>>
      tpu.wait_dma2 semaphore(%arg17 : memref<!tpu.dma_semaphore, #tpu.memory_space<semaphore_mem>>) src(%dma_wait3A_24 : memref<3200xi32, #tpu.memory_space<hbm>>) dst(%arg9 : memref<3200xi32, #tpu.memory_space<vmem>>)
      %dma_wait3A_25 = tpu.memref_slice %arg4[%multiple_of3A_23] : memref<800000xf32, #tpu.memory_space<hbm>> -> memref<3200xf32, #tpu.memory_space<hbm>>
      %dma_wait3A_26 = tpu.memref_slice %arg4[%multiple_of3A_23] : memref<800000xf32, #tpu.memory_space<hbm>> -> memref<3200xf32, #tpu.memory_space<hbm>>
      tpu.wait_dma2 semaphore(%arg17 : memref<!tpu.dma_semaphore, #tpu.memory_space<semaphore_mem>>) src(%dma_wait3A_26 : memref<3200xf32, #tpu.memory_space<hbm>>) dst(%arg10 : memref<3200xf32, #tpu.memory_space<vmem>>)
      %dma_wait3A_27 = tpu.memref_slice %arg5[%multiple_of3A_23] : memref<800000xf32, #tpu.memory_space<hbm>> -> memref<3200xf32, #tpu.memory_space<hbm>>
      %dma_wait3A_28 = tpu.memref_slice %arg5[%multiple_of3A_23] : memref<800000xf32, #tpu.memory_space<hbm>> -> memref<3200xf32, #tpu.memory_space<hbm>>
      tpu.wait_dma2 semaphore(%arg17 : memref<!tpu.dma_semaphore, #tpu.memory_space<semaphore_mem>>) src(%dma_wait3A_28 : memref<3200xf32, #tpu.memory_space<hbm>>) dst(%arg11 : memref<3200xf32, #tpu.memory_space<vmem>>)
      %dma_wait3A_29 = tpu.memref_slice %arg6[%multiple_of3A_23] : memref<800000xf32, #tpu.memory_space<hbm>> -> memref<3200xf32, #tpu.memory_space<hbm>>
      %dma_wait3A_30 = tpu.memref_slice %arg6[%multiple_of3A_23] : memref<800000xf32, #tpu.memory_space<hbm>> -> memref<3200xf32, #tpu.memory_space<hbm>>
      tpu.wait_dma2 semaphore(%arg17 : memref<!tpu.dma_semaphore, #tpu.memory_space<semaphore_mem>>) src(%dma_wait3A_30 : memref<3200xf32, #tpu.memory_space<hbm>>) dst(%arg12 : memref<3200xf32, #tpu.memory_space<vmem>>)
      %add3A_31 = arith.constant 1 : i32
      %add3A_32 = arith.addi %mul3A_20, %add3A_31 : i32
      %mul3A_33 = arith.constant 3200 : i32
      %mul3A_34 = arith.muli %add3A_32, %mul3A_33 : i32
      %multiple_of3A_35 = tpu.assume_multiple %mul3A_34, 3200 : i32
      %dma_start3A_36 = tpu.memref_slice %arg3[%multiple_of3A_35] : memref<800000xi32, #tpu.memory_space<hbm>> -> memref<3200xi32, #tpu.memory_space<hbm>>
      %dma_start3A_37 = tpu.memref_slice %arg3[%multiple_of3A_35] : memref<800000xi32, #tpu.memory_space<hbm>> -> memref<3200xi32, #tpu.memory_space<hbm>>
      tpu.enqueue_dma source(%dma_start3A_37 : memref<3200xi32, #tpu.memory_space<hbm>>) target(%arg13 : memref<3200xi32, #tpu.memory_space<vmem>>) target_semaphore(%arg18 : memref<!tpu.dma_semaphore, #tpu.memory_space<semaphore_mem>>)
      %dma_start3A_38 = tpu.memref_slice %arg4[%multiple_of3A_35] : memref<800000xf32, #tpu.memory_space<hbm>> -> memref<3200xf32, #tpu.memory_space<hbm>>
      %dma_start3A_39 = tpu.memref_slice %arg4[%multiple_of3A_35] : memref<800000xf32, #tpu.memory_space<hbm>> -> memref<3200xf32, #tpu.memory_space<hbm>>
      tpu.enqueue_dma source(%dma_start3A_39 : memref<3200xf32, #tpu.memory_space<hbm>>) target(%arg14 : memref<3200xf32, #tpu.memory_space<vmem>>) target_semaphore(%arg18 : memref<!tpu.dma_semaphore, #tpu.memory_space<semaphore_mem>>)
      %dma_start3A_40 = tpu.memref_slice %arg5[%multiple_of3A_35] : memref<800000xf32, #tpu.memory_space<hbm>> -> memref<3200xf32, #tpu.memory_space<hbm>>
      %dma_start3A_41 = tpu.memref_slice %arg5[%multiple_of3A_35] : memref<800000xf32, #tpu.memory_space<hbm>> -> memref<3200xf32, #tpu.memory_space<hbm>>
      tpu.enqueue_dma source(%dma_start3A_41 : memref<3200xf32, #tpu.memory_space<hbm>>) target(%arg15 : memref<3200xf32, #tpu.memory_space<vmem>>) target_semaphore(%arg18 : memref<!tpu.dma_semaphore, #tpu.memory_space<semaphore_mem>>)
      %dma_start3A_42 = tpu.memref_slice %arg6[%multiple_of3A_35] : memref<800000xf32, #tpu.memory_space<hbm>> -> memref<3200xf32, #tpu.memory_space<hbm>>
      %dma_start3A_43 = tpu.memref_slice %arg6[%multiple_of3A_35] : memref<800000xf32, #tpu.memory_space<hbm>> -> memref<3200xf32, #tpu.memory_space<hbm>>
      tpu.enqueue_dma source(%dma_start3A_43 : memref<3200xf32, #tpu.memory_space<hbm>>) target(%arg16 : memref<3200xf32, #tpu.memory_space<vmem>>) target_semaphore(%arg18 : memref<!tpu.dma_semaphore, #tpu.memory_space<semaphore_mem>>)
      %scan3A_44 = arith.constant 0 : i32
      %scan3A_45 = arith.constant 0 : i32
      %scan3A_46 = arith.constant 25 : i32
      %scan3A_47 = arith.addi %scan3A_45, %scan3A_46 : i32
      %scan3A_48 = arith.constant 1 : i32
      scf.for %scan3A_71 = %scan3A_45 to %scan3A_47 step %scan3A_48  : i32 {
        %mul3A_72 = arith.constant 128 : i32
        %mul3A_73 = arith.muli %scan3A_71, %mul3A_72 : i32
        %multiple_of3A_74 = tpu.assume_multiple %mul3A_73, 128 : i32
        %add3A_75 = arith.constant 0 : i32
        %add3A_76 = arith.addi %multiple_of3A_74, %add3A_75 : i32
        %get3A = arith.index_cast %add3A_76 : i32 to index
        %get3A_77 = tpu.vector_load %arg9[%get3A] {strides = array<i32>} : memref<3200xi32, #tpu.memory_space<vmem>>, vector<16xi32>,
        %sub3A = vector.broadcast %mul3A_2 : i32 to vector<16xi32>
        %sub3A_78 = arith.subi %get3A_77, %sub3A : vector<16xi32>
        %bitcast3A = vector.bitcast %sub3A_78 : vector<16xi32> to vector<16xi32>
        %lt3A_79 = arith.constant 25000 : i32
        %lt3A_80 = vector.broadcast %lt3A_79 : i32 to vector<16xi32>
        %lt3A_81 = arith.cmpi ult, %bitcast3A, %lt3A_80 : vector<16xi32>
        %mul3A_82 = arith.constant 3 : i32
        %mul3A_83 = vector.broadcast %mul3A_82 : i32 to vector<16xi32>
        %mul3A_84 = arith.muli %sub3A_78, %mul3A_83 : vector<16xi32>
        %get3A_85 = arith.index_cast %add3A_76 : i32 to index
        %get3A_86 = tpu.vector_load %arg10[%get3A_85] {strides = array<i32>} : memref<3200xf32, #tpu.memory_space<vmem>>, vector<16xf32>,
        tpu.vector_store_idx %arg8[%mul3A_84], %get3A_86 masked %lt3A_81 : memref<75000xf32, #tpu.memory_space<vmem>>[vector<16xi32>], vector<16xf32>, vector<16xi1>
        %add3A_87 = arith.constant 1 : i32
        %add3A_88 = vector.broadcast %add3A_87 : i32 to vector<16xi32>
        %add3A_89 = arith.addi %mul3A_84, %add3A_88 : vector<16xi32>
        %get3A_90 = arith.index_cast %add3A_76 : i32 to index
        %get3A_91 = tpu.vector_load %arg11[%get3A_90] {strides = array<i32>} : memref<3200xf32, #tpu.memory_space<vmem>>, vector<16xf32>,
        tpu.vector_store_idx %arg8[%add3A_89], %get3A_91 masked %lt3A_81 : memref<75000xf32, #tpu.memory_space<vmem>>[vector<16xi32>], vector<16xf32>, vector<16xi1>
        %add3A_92 = arith.constant 2 : i32
        %add3A_93 = vector.broadcast %add3A_92 : i32 to vector<16xi32>
        %add3A_94 = arith.addi %mul3A_84, %add3A_93 : vector<16xi32>
        %get3A_95 = arith.index_cast %add3A_76 : i32 to index
        %get3A_96 = tpu.vector_load %arg12[%get3A_95] {strides = array<i32>} : memref<3200xf32, #tpu.memory_space<vmem>>, vector<16xf32>,
        tpu.vector_store_idx %arg8[%add3A_94], %get3A_96 masked %lt3A_81 : memref<75000xf32, #tpu.memory_space<vmem>>[vector<16xi32>], vector<16xf32>, vector<16xi1>
        %add3A_97 = arith.constant 16 : i32
        %add3A_98 = arith.addi %multiple_of3A_74, %add3A_97 : i32
        %get3A_99 = arith.index_cast %add3A_98 : i32 to index
        %get3A_100 = tpu.vector_load %arg9[%get3A_99] {strides = array<i32>} : memref<3200xi32, #tpu.memory_space<vmem>>, vector<16xi32>,
        %sub3A_101 = vector.broadcast %mul3A_2 : i32 to vector<16xi32>
        %sub3A_102 = arith.subi %get3A_100, %sub3A_101 : vector<16xi32>
        %bitcast3A_103 = vector.bitcast %sub3A_102 : vector<16xi32> to vector<16xi32>
        %lt3A_104 = arith.constant 25000 : i32
        %lt3A_105 = vector.broadcast %lt3A_104 : i32 to vector<16xi32>
        %lt3A_106 = arith.cmpi ult, %bitcast3A_103, %lt3A_105 : vector<16xi32>
        %mul3A_107 = arith.constant 3 : i32
        %mul3A_108 = vector.broadcast %mul3A_107 : i32 to vector<16xi32>
        %mul3A_109 = arith.muli %sub3A_102, %mul3A_108 : vector<16xi32>
        %get3A_110 = arith.index_cast %add3A_98 : i32 to index
        %get3A_111 = tpu.vector_load %arg10[%get3A_110] {strides = array<i32>} : memref<3200xf32, #tpu.memory_space<vmem>>, vector<16xf32>,
        tpu.vector_store_idx %arg8[%mul3A_109], %get3A_111 masked %lt3A_106 : memref<75000xf32, #tpu.memory_space<vmem>>[vector<16xi32>], vector<16xf32>, vector<16xi1>
        %add3A_112 = arith.constant 1 : i32
        %add3A_113 = vector.broadcast %add3A_112 : i32 to vector<16xi32>
        %add3A_114 = arith.addi %mul3A_109, %add3A_113 : vector<16xi32>
        %get3A_115 = arith.index_cast %add3A_98 : i32 to index
        %get3A_116 = tpu.vector_load %arg11[%get3A_115] {strides = array<i32>} : memref<3200xf32, #tpu.memory_space<vmem>>, vector<16xf32>,
        tpu.vector_store_idx %arg8[%add3A_114], %get3A_116 masked %lt3A_106 : memref<75000xf32, #tpu.memory_space<vmem>>[vector<16xi32>], vector<16xf32>, vector<16xi1>
        %add3A_117 = arith.constant 2 : i32
        %add3A_118 = vector.broadcast %add3A_117 : i32 to vector<16xi32>
        %add3A_119 = arith.addi %mul3A_109, %add3A_118 : vector<16xi32>
        %get3A_120 = arith.index_cast %add3A_98 : i32 to index
        %get3A_121 = tpu.vector_load %arg12[%get3A_120] {strides = array<i32>} : memref<3200xf32, #tpu.memory_space<vmem>>, vector<16xf32>,
        tpu.vector_store_idx %arg8[%add3A_119], %get3A_121 masked %lt3A_106 : memref<75000xf32, #tpu.memory_space<vmem>>[vector<16xi32>], vector<16xf32>, vector<16xi1>
        %add3A_122 = arith.constant 32 : i32
        %add3A_123 = arith.addi %multiple_of3A_74, %add3A_122 : i32
        %get3A_124 = arith.index_cast %add3A_123 : i32 to index
        %get3A_125 = tpu.vector_load %arg9[%get3A_124] {strides = array<i32>} : memref<3200xi32, #tpu.memory_space<vmem>>, vector<16xi32>,
        %sub3A_126 = vector.broadcast %mul3A_2 : i32 to vector<16xi32>
        %sub3A_127 = arith.subi %get3A_125, %sub3A_126 : vector<16xi32>
        %bitcast3A_128 = vector.bitcast %sub3A_127 : vector<16xi32> to vector<16xi32>
        %lt3A_129 = arith.constant 25000 : i32
        %lt3A_130 = vector.broadcast %lt3A_129 : i32 to vector<16xi32>
        %lt3A_131 = arith.cmpi ult, %bitcast3A_128, %lt3A_130 : vector<16xi32>
        %mul3A_132 = arith.constant 3 : i32
        %mul3A_133 = vector.broadcast %mul3A_132 : i32 to vector<16xi32>
        %mul3A_134 = arith.muli %sub3A_127, %mul3A_133 : vector<16xi32>
        %get3A_135 = arith.index_cast %add3A_123 : i32 to index
        %get3A_136 = tpu.vector_load %arg10[%get3A_135] {strides = array<i32>} : memref<3200xf32, #tpu.memory_space<vmem>>, vector<16xf32>,
        tpu.vector_store_idx %arg8[%mul3A_134], %get3A_136 masked %lt3A_131 : memref<75000xf32, #tpu.memory_space<vmem>>[vector<16xi32>], vector<16xf32>, vector<16xi1>
        %add3A_137 = arith.constant 1 : i32
        %add3A_138 = vector.broadcast %add3A_137 : i32 to vector<16xi32>
        %add3A_139 = arith.addi %mul3A_134, %add3A_138 : vector<16xi32>
        %get3A_140 = arith.index_cast %add3A_123 : i32 to index
        %get3A_141 = tpu.vector_load %arg11[%get3A_140] {strides = array<i32>} : memref<3200xf32, #tpu.memory_space<vmem>>, vector<16xf32>,
        tpu.vector_store_idx %arg8[%add3A_139], %get3A_141 masked %lt3A_131 : memref<75000xf32, #tpu.memory_space<vmem>>[vector<16xi32>], vector<16xf32>, vector<16xi1>
        %add3A_142 = arith.constant 2 : i32
        %add3A_143 = vector.broadcast %add3A_142 : i32 to vector<16xi32>
        %add3A_144 = arith.addi %mul3A_134, %add3A_143 : vector<16xi32>
        %get3A_145 = arith.index_cast %add3A_123 : i32 to index
        %get3A_146 = tpu.vector_load %arg12[%get3A_145] {strides = array<i32>} : memref<3200xf32, #tpu.memory_space<vmem>>, vector<16xf32>,
        tpu.vector_store_idx %arg8[%add3A_144], %get3A_146 masked %lt3A_131 : memref<75000xf32, #tpu.memory_space<vmem>>[vector<16xi32>], vector<16xf32>, vector<16xi1>
        %add3A_147 = arith.constant 48 : i32
        %add3A_148 = arith.addi %multiple_of3A_74, %add3A_147 : i32
        %get3A_149 = arith.index_cast %add3A_148 : i32 to index
        %get3A_150 = tpu.vector_load %arg9[%get3A_149] {strides = array<i32>} : memref<3200xi32, #tpu.memory_space<vmem>>, vector<16xi32>,
        %sub3A_151 = vector.broadcast %mul3A_2 : i32 to vector<16xi32>
        %sub3A_152 = arith.subi %get3A_150, %sub3A_151 : vector<16xi32>
        %bitcast3A_153 = vector.bitcast %sub3A_152 : vector<16xi32> to vector<16xi32>
        %lt3A_154 = arith.constant 25000 : i32
        %lt3A_155 = vector.broadcast %lt3A_154 : i32 to vector<16xi32>
        %lt3A_156 = arith.cmpi ult, %bitcast3A_153, %lt3A_155 : vector<16xi32>
        %mul3A_157 = arith.constant 3 : i32
        %mul3A_158 = vector.broadcast %mul3A_157 : i32 to vector<16xi32>
        %mul3A_159 = arith.muli %sub3A_152, %mul3A_158 : vector<16xi32>
        %get3A_160 = arith.index_cast %add3A_148 : i32 to index
        %get3A_161 = tpu.vector_load %arg10[%get3A_160] {strides = array<i32>} : memref<3200xf32, #tpu.memory_space<vmem>>, vector<16xf32>,
        tpu.vector_store_idx %arg8[%mul3A_159], %get3A_161 masked %lt3A_156 : memref<75000xf32, #tpu.memory_space<vmem>>[vector<16xi32>], vector<16xf32>, vector<16xi1>
        %add3A_162 = arith.constant 1 : i32
        %add3A_163 = vector.broadcast %add3A_162 : i32 to vector<16xi32>
        %add3A_164 = arith.addi %mul3A_159, %add3A_163 : vector<16xi32>
        %get3A_165 = arith.index_cast %add3A_148 : i32 to index
        %get3A_166 = tpu.vector_load %arg11[%get3A_165] {strides = array<i32>} : memref<3200xf32, #tpu.memory_space<vmem>>, vector<16xf32>,
        tpu.vector_store_idx %arg8[%add3A_164], %get3A_166 masked %lt3A_156 : memref<75000xf32, #tpu.memory_space<vmem>>[vector<16xi32>], vector<16xf32>, vector<16xi1>
        %add3A_167 = arith.constant 2 : i32
        %add3A_168 = vector.broadcast %add3A_167 : i32 to vector<16xi32>
        %add3A_169 = arith.addi %mul3A_159, %add3A_168 : vector<16xi32>
        %get3A_170 = arith.index_cast %add3A_148 : i32 to index
        %get3A_171 = tpu.vector_load %arg12[%get3A_170] {strides = array<i32>} : memref<3200xf32, #tpu.memory_space<vmem>>, vector<16xf32>,
        tpu.vector_store_idx %arg8[%add3A_169], %get3A_171 masked %lt3A_156 : memref<75000xf32, #tpu.memory_space<vmem>>[vector<16xi32>], vector<16xf32>, vector<16xi1>
        %add3A_172 = arith.constant 64 : i32
        %add3A_173 = arith.addi %multiple_of3A_74, %add3A_172 : i32
        %get3A_174 = arith.index_cast %add3A_173 : i32 to index
        %get3A_175 = tpu.vector_load %arg9[%get3A_174] {strides = array<i32>} : memref<3200xi32, #tpu.memory_space<vmem>>, vector<16xi32>,
        %sub3A_176 = vector.broadcast %mul3A_2 : i32 to vector<16xi32>
        %sub3A_177 = arith.subi %get3A_175, %sub3A_176 : vector<16xi32>
        %bitcast3A_178 = vector.bitcast %sub3A_177 : vector<16xi32> to vector<16xi32>
        %lt3A_179 = arith.constant 25000 : i32
        %lt3A_180 = vector.broadcast %lt3A_179 : i32 to vector<16xi32>
        %lt3A_181 = arith.cmpi ult, %bitcast3A_178, %lt3A_180 : vector<16xi32>
        %mul3A_182 = arith.constant 3 : i32
        %mul3A_183 = vector.broadcast %mul3A_182 : i32 to vector<16xi32>
        %mul3A_184 = arith.muli %sub3A_177, %mul3A_183 : vector<16xi32>
        %get3A_185 = arith.index_cast %add3A_173 : i32 to index
        %get3A_186 = tpu.vector_load %arg10[%get3A_185] {strides = array<i32>} : memref<3200xf32, #tpu.memory_space<vmem>>, vector<16xf32>,
        tpu.vector_store_idx %arg8[%mul3A_184], %get3A_186 masked %lt3A_181 : memref<75000xf32, #tpu.memory_space<vmem>>[vector<16xi32>], vector<16xf32>, vector<16xi1>
        %add3A_187 = arith.constant 1 : i32
        %add3A_188 = vector.broadcast %add3A_187 : i32 to vector<16xi32>
        %add3A_189 = arith.addi %mul3A_184, %add3A_188 : vector<16xi32>
        %get3A_190 = arith.index_cast %add3A_173 : i32 to index
        %get3A_191 = tpu.vector_load %arg11[%get3A_190] {strides = array<i32>} : memref<3200xf32, #tpu.memory_space<vmem>>, vector<16xf32>,
        tpu.vector_store_idx %arg8[%add3A_189], %get3A_191 masked %lt3A_181 : memref<75000xf32, #tpu.memory_space<vmem>>[vector<16xi32>], vector<16xf32>, vector<16xi1>
        %add3A_192 = arith.constant 2 : i32
        %add3A_193 = vector.broadcast %add3A_192 : i32 to vector<16xi32>
        %add3A_194 = arith.addi %mul3A_184, %add3A_193 : vector<16xi32>
        %get3A_195 = arith.index_cast %add3A_173 : i32 to index
        %get3A_196 = tpu.vector_load %arg12[%get3A_195] {strides = array<i32>} : memref<3200xf32, #tpu.memory_space<vmem>>, vector<16xf32>,
        tpu.vector_store_idx %arg8[%add3A_194], %get3A_196 masked %lt3A_181 : memref<75000xf32, #tpu.memory_space<vmem>>[vector<16xi32>], vector<16xf32>, vector<16xi1>
        %add3A_197 = arith.constant 80 : i32
        %add3A_198 = arith.addi %multiple_of3A_74, %add3A_197 : i32
        %get3A_199 = arith.index_cast %add3A_198 : i32 to index
        %get3A_200 = tpu.vector_load %arg9[%get3A_199] {strides = array<i32>} : memref<3200xi32, #tpu.memory_space<vmem>>, vector<16xi32>,
        %sub3A_201 = vector.broadcast %mul3A_2 : i32 to vector<16xi32>
        %sub3A_202 = arith.subi %get3A_200, %sub3A_201 : vector<16xi32>
        %bitcast3A_203 = vector.bitcast %sub3A_202 : vector<16xi32> to vector<16xi32>
        %lt3A_204 = arith.constant 25000 : i32
        %lt3A_205 = vector.broadcast %lt3A_204 : i32 to vector<16xi32>
        %lt3A_206 = arith.cmpi ult, %bitcast3A_203, %lt3A_205 : vector<16xi32>
        %mul3A_207 = arith.constant 3 : i32
        %mul3A_208 = vector.broadcast %mul3A_207 : i32 to vector<16xi32>
        %mul3A_209 = arith.muli %sub3A_202, %mul3A_208 : vector<16xi32>
        %get3A_210 = arith.index_cast %add3A_198 : i32 to index
        %get3A_211 = tpu.vector_load %arg10[%get3A_210] {strides = array<i32>} : memref<3200xf32, #tpu.memory_space<vmem>>, vector<16xf32>,
        tpu.vector_store_idx %arg8[%mul3A_209], %get3A_211 masked %lt3A_206 : memref<75000xf32, #tpu.memory_space<vmem>>[vector<16xi32>], vector<16xf32>, vector<16xi1>
        %add3A_212 = arith.constant 1 : i32
        %add3A_213 = vector.broadcast %add3A_212 : i32 to vector<16xi32>
        %add3A_214 = arith.addi %mul3A_209, %add3A_213 : vector<16xi32>
        %get3A_215 = arith.index_cast %add3A_198 : i32 to index
        %get3A_216 = tpu.vector_load %arg11[%get3A_215] {strides = array<i32>} : memref<3200xf32, #tpu.memory_space<vmem>>, vector<16xf32>,
        tpu.vector_store_idx %arg8[%add3A_214], %get3A_216 masked %lt3A_206 : memref<75000xf32, #tpu.memory_space<vmem>>[vector<16xi32>], vector<16xf32>, vector<16xi1>
        %add3A_217 = arith.constant 2 : i32
        %add3A_218 = vector.broadcast %add3A_217 : i32 to vector<16xi32>
        %add3A_219 = arith.addi %mul3A_209, %add3A_218 : vector<16xi32>
        %get3A_220 = arith.index_cast %add3A_198 : i32 to index
        %get3A_221 = tpu.vector_load %arg12[%get3A_220] {strides = array<i32>} : memref<3200xf32, #tpu.memory_space<vmem>>, vector<16xf32>,
        tpu.vector_store_idx %arg8[%add3A_219], %get3A_221 masked %lt3A_206 : memref<75000xf32, #tpu.memory_space<vmem>>[vector<16xi32>], vector<16xf32>, vector<16xi1>
        %add3A_222 = arith.constant 96 : i32
        %add3A_223 = arith.addi %multiple_of3A_74, %add3A_222 : i32
        %get3A_224 = arith.index_cast %add3A_223 : i32 to index
        %get3A_225 = tpu.vector_load %arg9[%get3A_224] {strides = array<i32>} : memref<3200xi32, #tpu.memory_space<vmem>>, vector<16xi32>,
        %sub3A_226 = vector.broadcast %mul3A_2 : i32 to vector<16xi32>
        %sub3A_227 = arith.subi %get3A_225, %sub3A_226 : vector<16xi32>
        %bitcast3A_228 = vector.bitcast %sub3A_227 : vector<16xi32> to vector<16xi32>
        %lt3A_229 = arith.constant 25000 : i32
        %lt3A_230 = vector.broadcast %lt3A_229 : i32 to vector<16xi32>
        %lt3A_231 = arith.cmpi ult, %bitcast3A_228, %lt3A_230 : vector<16xi32>
        %mul3A_232 = arith.constant 3 : i32
        %mul3A_233 = vector.broadcast %mul3A_232 : i32 to vector<16xi32>
        %mul3A_234 = arith.muli %sub3A_227, %mul3A_233 : vector<16xi32>
        %get3A_235 = arith.index_cast %add3A_223 : i32 to index
        %get3A_236 = tpu.vector_load %arg10[%get3A_235] {strides = array<i32>} : memref<3200xf32, #tpu.memory_space<vmem>>, vector<16xf32>,
        tpu.vector_store_idx %arg8[%mul3A_234], %get3A_236 masked %lt3A_231 : memref<75000xf32, #tpu.memory_space<vmem>>[vector<16xi32>], vector<16xf32>, vector<16xi1>
        %add3A_237 = arith.constant 1 : i32
        %add3A_238 = vector.broadcast %add3A_237 : i32 to vector<16xi32>
        %add3A_239 = arith.addi %mul3A_234, %add3A_238 : vector<16xi32>
        %get3A_240 = arith.index_cast %add3A_223 : i32 to index
        %get3A_241 = tpu.vector_load %arg11[%get3A_240] {strides = array<i32>} : memref<3200xf32, #tpu.memory_space<vmem>>, vector<16xf32>,
        tpu.vector_store_idx %arg8[%add3A_239], %get3A_241 masked %lt3A_231 : memref<75000xf32, #tpu.memory_space<vmem>>[vector<16xi32>], vector<16xf32>, vector<16xi1>
        %add3A_242 = arith.constant 2 : i32
        %add3A_243 = vector.broadcast %add3A_242 : i32 to vector<16xi32>
        %add3A_244 = arith.addi %mul3A_234, %add3A_243 : vector<16xi32>
        %get3A_245 = arith.index_cast %add3A_223 : i32 to index
        %get3A_246 = tpu.vector_load %arg12[%get3A_245] {strides = array<i32>} : memref<3200xf32, #tpu.memory_space<vmem>>, vector<16xf32>,
        tpu.vector_store_idx %arg8[%add3A_244], %get3A_246 masked %lt3A_231 : memref<75000xf32, #tpu.memory_space<vmem>>[vector<16xi32>], vector<16xf32>, vector<16xi1>
        %add3A_247 = arith.constant 112 : i32
        %add3A_248 = arith.addi %multiple_of3A_74, %add3A_247 : i32
        %get3A_249 = arith.index_cast %add3A_248 : i32 to index
        %get3A_250 = tpu.vector_load %arg9[%get3A_249] {strides = array<i32>} : memref<3200xi32, #tpu.memory_space<vmem>>, vector<16xi32>,
        %sub3A_251 = vector.broadcast %mul3A_2 : i32 to vector<16xi32>
        %sub3A_252 = arith.subi %get3A_250, %sub3A_251 : vector<16xi32>
        %bitcast3A_253 = vector.bitcast %sub3A_252 : vector<16xi32> to vector<16xi32>
        %lt3A_254 = arith.constant 25000 : i32
        %lt3A_255 = vector.broadcast %lt3A_254 : i32 to vector<16xi32>
        %lt3A_256 = arith.cmpi ult, %bitcast3A_253, %lt3A_255 : vector<16xi32>
        %mul3A_257 = arith.constant 3 : i32
        %mul3A_258 = vector.broadcast %mul3A_257 : i32 to vector<16xi32>
        %mul3A_259 = arith.muli %sub3A_252, %mul3A_258 : vector<16xi32>
        %get3A_260 = arith.index_cast %add3A_248 : i32 to index
        %get3A_261 = tpu.vector_load %arg10[%get3A_260] {strides = array<i32>} : memref<3200xf32, #tpu.memory_space<vmem>>, vector<16xf32>,
        tpu.vector_store_idx %arg8[%mul3A_259], %get3A_261 masked %lt3A_256 : memref<75000xf32, #tpu.memory_space<vmem>>[vector<16xi32>], vector<16xf32>, vector<16xi1>
        %add3A_262 = arith.constant 1 : i32
        %add3A_263 = vector.broadcast %add3A_262 : i32 to vector<16xi32>
        %add3A_264 = arith.addi %mul3A_259, %add3A_263 : vector<16xi32>
        %get3A_265 = arith.index_cast %add3A_248 : i32 to index
        %get3A_266 = tpu.vector_load %arg11[%get3A_265] {strides = array<i32>} : memref<3200xf32, #tpu.memory_space<vmem>>, vector<16xf32>,
        tpu.vector_store_idx %arg8[%add3A_264], %get3A_266 masked %lt3A_256 : memref<75000xf32, #tpu.memory_space<vmem>>[vector<16xi32>], vector<16xf32>, vector<16xi1>
        %add3A_267 = arith.constant 2 : i32
        %add3A_268 = vector.broadcast %add3A_267 : i32 to vector<16xi32>
        %add3A_269 = arith.addi %mul3A_259, %add3A_268 : vector<16xi32>
        %get3A_270 = arith.index_cast %add3A_248 : i32 to index
        %get3A_271 = tpu.vector_load %arg12[%get3A_270] {strides = array<i32>} : memref<3200xf32, #tpu.memory_space<vmem>>, vector<16xf32>,
        tpu.vector_store_idx %arg8[%add3A_269], %get3A_271 masked %lt3A_256 : memref<75000xf32, #tpu.memory_space<vmem>>[vector<16xi32>], vector<16xf32>, vector<16xi1>
      }
      %scan3A_49 = arith.constant 25 : i32
      %add3A_50 = arith.constant 1 : i32
      %add3A_51 = arith.addi %mul3A_20, %add3A_50 : i32
      %mul3A_52 = arith.constant 3200 : i32
      %mul3A_53 = arith.muli %add3A_51, %mul3A_52 : i32
      %multiple_of3A_54 = tpu.assume_multiple %mul3A_53, 3200 : i32
      %dma_wait3A_55 = tpu.memref_slice %arg3[%multiple_of3A_54] : memref<800000xi32, #tpu.memory_space<hbm>> -> memref<3200xi32, #tpu.memory_space<hbm>>
      %dma_wait3A_56 = tpu.memref_slice %arg3[%multiple_of3A_54] : memref<800000xi32, #tpu.memory_space<hbm>> -> memref<3200xi32, #tpu.memory_space<hbm>>
      tpu.wait_dma2 semaphore(%arg18 : memref<!tpu.dma_semaphore, #tpu.memory_space<semaphore_mem>>) src(%dma_wait3A_56 : memref<3200xi32, #tpu.memory_space<hbm>>) dst(%arg13 : memref<3200xi32, #tpu.memory_space<vmem>>)
      %dma_wait3A_57 = tpu.memref_slice %arg4[%multiple_of3A_54] : memref<800000xf32, #tpu.memory_space<hbm>> -> memref<3200xf32, #tpu.memory_space<hbm>>
      %dma_wait3A_58 = tpu.memref_slice %arg4[%multiple_of3A_54] : memref<800000xf32, #tpu.memory_space<hbm>> -> memref<3200xf32, #tpu.memory_space<hbm>>
      tpu.wait_dma2 semaphore(%arg18 : memref<!tpu.dma_semaphore, #tpu.memory_space<semaphore_mem>>) src(%dma_wait3A_58 : memref<3200xf32, #tpu.memory_space<hbm>>) dst(%arg14 : memref<3200xf32, #tpu.memory_space<vmem>>)
      %dma_wait3A_59 = tpu.memref_slice %arg5[%multiple_of3A_54] : memref<800000xf32, #tpu.memory_space<hbm>> -> memref<3200xf32, #tpu.memory_space<hbm>>
      %dma_wait3A_60 = tpu.memref_slice %arg5[%multiple_of3A_54] : memref<800000xf32, #tpu.memory_space<hbm>> -> memref<3200xf32, #tpu.memory_space<hbm>>
      tpu.wait_dma2 semaphore(%arg18 : memref<!tpu.dma_semaphore, #tpu.memory_space<semaphore_mem>>) src(%dma_wait3A_60 : memref<3200xf32, #tpu.memory_space<hbm>>) dst(%arg15 : memref<3200xf32, #tpu.memory_space<vmem>>)
      %dma_wait3A_61 = tpu.memref_slice %arg6[%multiple_of3A_54] : memref<800000xf32, #tpu.memory_space<hbm>> -> memref<3200xf32, #tpu.memory_space<hbm>>
      %dma_wait3A_62 = tpu.memref_slice %arg6[%multiple_of3A_54] : memref<800000xf32, #tpu.memory_space<hbm>> -> memref<3200xf32, #tpu.memory_space<hbm>>
      tpu.wait_dma2 semaphore(%arg18 : memref<!tpu.dma_semaphore, #tpu.memory_space<semaphore_mem>>) src(%dma_wait3A_62 : memref<3200xf32, #tpu.memory_space<hbm>>) dst(%arg16 : memref<3200xf32, #tpu.memory_space<vmem>>)
      %lt3A = arith.constant 124 : i32
      %lt3A_63 = arith.cmpi slt, %scan3A_18, %lt3A : i32
      %convert_element_type3A = arith.extui %lt3A_63 : i1 to i32
      %cond3A = arith.constant 0 : i32
      %cond3A_64 = arith.cmpi ne, %convert_element_type3A, %cond3A : i32
      scf.if %cond3A_64 {
        %add3A_71 = arith.constant 2 : i32
        %add3A_72 = arith.addi %mul3A_20, %add3A_71 : i32
        %mul3A_73 = arith.constant 3200 : i32
        %mul3A_74 = arith.muli %add3A_72, %mul3A_73 : i32
        %multiple_of3A_75 = tpu.assume_multiple %mul3A_74, 3200 : i32
        %dma_start3A_76 = tpu.memref_slice %arg3[%multiple_of3A_75] : memref<800000xi32, #tpu.memory_space<hbm>> -> memref<3200xi32, #tpu.memory_space<hbm>>
        %dma_start3A_77 = tpu.memref_slice %arg3[%multiple_of3A_75] : memref<800000xi32, #tpu.memory_space<hbm>> -> memref<3200xi32, #tpu.memory_space<hbm>>
        tpu.enqueue_dma source(%dma_start3A_77 : memref<3200xi32, #tpu.memory_space<hbm>>) target(%arg9 : memref<3200xi32, #tpu.memory_space<vmem>>) target_semaphore(%arg17 : memref<!tpu.dma_semaphore, #tpu.memory_space<semaphore_mem>>)
        %dma_start3A_78 = tpu.memref_slice %arg4[%multiple_of3A_75] : memref<800000xf32, #tpu.memory_space<hbm>> -> memref<3200xf32, #tpu.memory_space<hbm>>
        %dma_start3A_79 = tpu.memref_slice %arg4[%multiple_of3A_75] : memref<800000xf32, #tpu.memory_space<hbm>> -> memref<3200xf32, #tpu.memory_space<hbm>>
        tpu.enqueue_dma source(%dma_start3A_79 : memref<3200xf32, #tpu.memory_space<hbm>>) target(%arg10 : memref<3200xf32, #tpu.memory_space<vmem>>) target_semaphore(%arg17 : memref<!tpu.dma_semaphore, #tpu.memory_space<semaphore_mem>>)
        %dma_start3A_80 = tpu.memref_slice %arg5[%multiple_of3A_75] : memref<800000xf32, #tpu.memory_space<hbm>> -> memref<3200xf32, #tpu.memory_space<hbm>>
        %dma_start3A_81 = tpu.memref_slice %arg5[%multiple_of3A_75] : memref<800000xf32, #tpu.memory_space<hbm>> -> memref<3200xf32, #tpu.memory_space<hbm>>
        tpu.enqueue_dma source(%dma_start3A_81 : memref<3200xf32, #tpu.memory_space<hbm>>) target(%arg11 : memref<3200xf32, #tpu.memory_space<vmem>>) target_semaphore(%arg17 : memref<!tpu.dma_semaphore, #tpu.memory_space<semaphore_mem>>)
        %dma_start3A_82 = tpu.memref_slice %arg6[%multiple_of3A_75] : memref<800000xf32, #tpu.memory_space<hbm>> -> memref<3200xf32, #tpu.memory_space<hbm>>
        %dma_start3A_83 = tpu.memref_slice %arg6[%multiple_of3A_75] : memref<800000xf32, #tpu.memory_space<hbm>> -> memref<3200xf32, #tpu.memory_space<hbm>>
        tpu.enqueue_dma source(%dma_start3A_83 : memref<3200xf32, #tpu.memory_space<hbm>>) target(%arg12 : memref<3200xf32, #tpu.memory_space<vmem>>) target_semaphore(%arg17 : memref<!tpu.dma_semaphore, #tpu.memory_space<semaphore_mem>>)
      } else {
      }
      %scan3A_65 = arith.constant 0 : i32
      %scan3A_66 = arith.constant 0 : i32
      %scan3A_67 = arith.constant 25 : i32
      %scan3A_68 = arith.addi %scan3A_66, %scan3A_67 : i32
      %scan3A_69 = arith.constant 1 : i32
      scf.for %scan3A_71 = %scan3A_66 to %scan3A_68 step %scan3A_69  : i32 {
        %mul3A_72 = arith.constant 128 : i32
        %mul3A_73 = arith.muli %scan3A_71, %mul3A_72 : i32
        %multiple_of3A_74 = tpu.assume_multiple %mul3A_73, 128 : i32
        %add3A_75 = arith.constant 0 : i32
        %add3A_76 = arith.addi %multiple_of3A_74, %add3A_75 : i32
        %get3A = arith.index_cast %add3A_76 : i32 to index
        %get3A_77 = tpu.vector_load %arg13[%get3A] {strides = array<i32>} : memref<3200xi32, #tpu.memory_space<vmem>>, vector<16xi32>,
        %sub3A = vector.broadcast %mul3A_2 : i32 to vector<16xi32>
        %sub3A_78 = arith.subi %get3A_77, %sub3A : vector<16xi32>
        %bitcast3A = vector.bitcast %sub3A_78 : vector<16xi32> to vector<16xi32>
        %lt3A_79 = arith.constant 25000 : i32
        %lt3A_80 = vector.broadcast %lt3A_79 : i32 to vector<16xi32>
        %lt3A_81 = arith.cmpi ult, %bitcast3A, %lt3A_80 : vector<16xi32>
        %mul3A_82 = arith.constant 3 : i32
        %mul3A_83 = vector.broadcast %mul3A_82 : i32 to vector<16xi32>
        %mul3A_84 = arith.muli %sub3A_78, %mul3A_83 : vector<16xi32>
        %get3A_85 = arith.index_cast %add3A_76 : i32 to index
        %get3A_86 = tpu.vector_load %arg14[%get3A_85] {strides = array<i32>} : memref<3200xf32, #tpu.memory_space<vmem>>, vector<16xf32>,
        tpu.vector_store_idx %arg8[%mul3A_84], %get3A_86 masked %lt3A_81 : memref<75000xf32, #tpu.memory_space<vmem>>[vector<16xi32>], vector<16xf32>, vector<16xi1>
        %add3A_87 = arith.constant 1 : i32
        %add3A_88 = vector.broadcast %add3A_87 : i32 to vector<16xi32>
        %add3A_89 = arith.addi %mul3A_84, %add3A_88 : vector<16xi32>
        %get3A_90 = arith.index_cast %add3A_76 : i32 to index
        %get3A_91 = tpu.vector_load %arg15[%get3A_90] {strides = array<i32>} : memref<3200xf32, #tpu.memory_space<vmem>>, vector<16xf32>,
        tpu.vector_store_idx %arg8[%add3A_89], %get3A_91 masked %lt3A_81 : memref<75000xf32, #tpu.memory_space<vmem>>[vector<16xi32>], vector<16xf32>, vector<16xi1>
        %add3A_92 = arith.constant 2 : i32
        %add3A_93 = vector.broadcast %add3A_92 : i32 to vector<16xi32>
        %add3A_94 = arith.addi %mul3A_84, %add3A_93 : vector<16xi32>
        %get3A_95 = arith.index_cast %add3A_76 : i32 to index
        %get3A_96 = tpu.vector_load %arg16[%get3A_95] {strides = array<i32>} : memref<3200xf32, #tpu.memory_space<vmem>>, vector<16xf32>,
        tpu.vector_store_idx %arg8[%add3A_94], %get3A_96 masked %lt3A_81 : memref<75000xf32, #tpu.memory_space<vmem>>[vector<16xi32>], vector<16xf32>, vector<16xi1>
        %add3A_97 = arith.constant 16 : i32
        %add3A_98 = arith.addi %multiple_of3A_74, %add3A_97 : i32
        %get3A_99 = arith.index_cast %add3A_98 : i32 to index
        %get3A_100 = tpu.vector_load %arg13[%get3A_99] {strides = array<i32>} : memref<3200xi32, #tpu.memory_space<vmem>>, vector<16xi32>,
        %sub3A_101 = vector.broadcast %mul3A_2 : i32 to vector<16xi32>
        %sub3A_102 = arith.subi %get3A_100, %sub3A_101 : vector<16xi32>
        %bitcast3A_103 = vector.bitcast %sub3A_102 : vector<16xi32> to vector<16xi32>
        %lt3A_104 = arith.constant 25000 : i32
        %lt3A_105 = vector.broadcast %lt3A_104 : i32 to vector<16xi32>
        %lt3A_106 = arith.cmpi ult, %bitcast3A_103, %lt3A_105 : vector<16xi32>
        %mul3A_107 = arith.constant 3 : i32
        %mul3A_108 = vector.broadcast %mul3A_107 : i32 to vector<16xi32>
        %mul3A_109 = arith.muli %sub3A_102, %mul3A_108 : vector<16xi32>
        %get3A_110 = arith.index_cast %add3A_98 : i32 to index
        %get3A_111 = tpu.vector_load %arg14[%get3A_110] {strides = array<i32>} : memref<3200xf32, #tpu.memory_space<vmem>>, vector<16xf32>,
        tpu.vector_store_idx %arg8[%mul3A_109], %get3A_111 masked %lt3A_106 : memref<75000xf32, #tpu.memory_space<vmem>>[vector<16xi32>], vector<16xf32>, vector<16xi1>
        %add3A_112 = arith.constant 1 : i32
        %add3A_113 = vector.broadcast %add3A_112 : i32 to vector<16xi32>
        %add3A_114 = arith.addi %mul3A_109, %add3A_113 : vector<16xi32>
        %get3A_115 = arith.index_cast %add3A_98 : i32 to index
        %get3A_116 = tpu.vector_load %arg15[%get3A_115] {strides = array<i32>} : memref<3200xf32, #tpu.memory_space<vmem>>, vector<16xf32>,
        tpu.vector_store_idx %arg8[%add3A_114], %get3A_116 masked %lt3A_106 : memref<75000xf32, #tpu.memory_space<vmem>>[vector<16xi32>], vector<16xf32>, vector<16xi1>
        %add3A_117 = arith.constant 2 : i32
        %add3A_118 = vector.broadcast %add3A_117 : i32 to vector<16xi32>
        %add3A_119 = arith.addi %mul3A_109, %add3A_118 : vector<16xi32>
        %get3A_120 = arith.index_cast %add3A_98 : i32 to index
        %get3A_121 = tpu.vector_load %arg16[%get3A_120] {strides = array<i32>} : memref<3200xf32, #tpu.memory_space<vmem>>, vector<16xf32>,
        tpu.vector_store_idx %arg8[%add3A_119], %get3A_121 masked %lt3A_106 : memref<75000xf32, #tpu.memory_space<vmem>>[vector<16xi32>], vector<16xf32>, vector<16xi1>
        %add3A_122 = arith.constant 32 : i32
        %add3A_123 = arith.addi %multiple_of3A_74, %add3A_122 : i32
        %get3A_124 = arith.index_cast %add3A_123 : i32 to index
        %get3A_125 = tpu.vector_load %arg13[%get3A_124] {strides = array<i32>} : memref<3200xi32, #tpu.memory_space<vmem>>, vector<16xi32>,
        %sub3A_126 = vector.broadcast %mul3A_2 : i32 to vector<16xi32>
        %sub3A_127 = arith.subi %get3A_125, %sub3A_126 : vector<16xi32>
        %bitcast3A_128 = vector.bitcast %sub3A_127 : vector<16xi32> to vector<16xi32>
        %lt3A_129 = arith.constant 25000 : i32
        %lt3A_130 = vector.broadcast %lt3A_129 : i32 to vector<16xi32>
        %lt3A_131 = arith.cmpi ult, %bitcast3A_128, %lt3A_130 : vector<16xi32>
        %mul3A_132 = arith.constant 3 : i32
        %mul3A_133 = vector.broadcast %mul3A_132 : i32 to vector<16xi32>
        %mul3A_134 = arith.muli %sub3A_127, %mul3A_133 : vector<16xi32>
        %get3A_135 = arith.index_cast %add3A_123 : i32 to index
        %get3A_136 = tpu.vector_load %arg14[%get3A_135] {strides = array<i32>} : memref<3200xf32, #tpu.memory_space<vmem>>, vector<16xf32>,
        tpu.vector_store_idx %arg8[%mul3A_134], %get3A_136 masked %lt3A_131 : memref<75000xf32, #tpu.memory_space<vmem>>[vector<16xi32>], vector<16xf32>, vector<16xi1>
        %add3A_137 = arith.constant 1 : i32
        %add3A_138 = vector.broadcast %add3A_137 : i32 to vector<16xi32>
        %add3A_139 = arith.addi %mul3A_134, %add3A_138 : vector<16xi32>
        %get3A_140 = arith.index_cast %add3A_123 : i32 to index
        %get3A_141 = tpu.vector_load %arg15[%get3A_140] {strides = array<i32>} : memref<3200xf32, #tpu.memory_space<vmem>>, vector<16xf32>,
        tpu.vector_store_idx %arg8[%add3A_139], %get3A_141 masked %lt3A_131 : memref<75000xf32, #tpu.memory_space<vmem>>[vector<16xi32>], vector<16xf32>, vector<16xi1>
        %add3A_142 = arith.constant 2 : i32
        %add3A_143 = vector.broadcast %add3A_142 : i32 to vector<16xi32>
        %add3A_144 = arith.addi %mul3A_134, %add3A_143 : vector<16xi32>
        %get3A_145 = arith.index_cast %add3A_123 : i32 to index
        %get3A_146 = tpu.vector_load %arg16[%get3A_145] {strides = array<i32>} : memref<3200xf32, #tpu.memory_space<vmem>>, vector<16xf32>,
        tpu.vector_store_idx %arg8[%add3A_144], %get3A_146 masked %lt3A_131 : memref<75000xf32, #tpu.memory_space<vmem>>[vector<16xi32>], vector<16xf32>, vector<16xi1>
        %add3A_147 = arith.constant 48 : i32
        %add3A_148 = arith.addi %multiple_of3A_74, %add3A_147 : i32
        %get3A_149 = arith.index_cast %add3A_148 : i32 to index
        %get3A_150 = tpu.vector_load %arg13[%get3A_149] {strides = array<i32>} : memref<3200xi32, #tpu.memory_space<vmem>>, vector<16xi32>,
        %sub3A_151 = vector.broadcast %mul3A_2 : i32 to vector<16xi32>
        %sub3A_152 = arith.subi %get3A_150, %sub3A_151 : vector<16xi32>
        %bitcast3A_153 = vector.bitcast %sub3A_152 : vector<16xi32> to vector<16xi32>
        %lt3A_154 = arith.constant 25000 : i32
        %lt3A_155 = vector.broadcast %lt3A_154 : i32 to vector<16xi32>
        %lt3A_156 = arith.cmpi ult, %bitcast3A_153, %lt3A_155 : vector<16xi32>
        %mul3A_157 = arith.constant 3 : i32
        %mul3A_158 = vector.broadcast %mul3A_157 : i32 to vector<16xi32>
        %mul3A_159 = arith.muli %sub3A_152, %mul3A_158 : vector<16xi32>
        %get3A_160 = arith.index_cast %add3A_148 : i32 to index
        %get3A_161 = tpu.vector_load %arg14[%get3A_160] {strides = array<i32>} : memref<3200xf32, #tpu.memory_space<vmem>>, vector<16xf32>,
        tpu.vector_store_idx %arg8[%mul3A_159], %get3A_161 masked %lt3A_156 : memref<75000xf32, #tpu.memory_space<vmem>>[vector<16xi32>], vector<16xf32>, vector<16xi1>
        %add3A_162 = arith.constant 1 : i32
        %add3A_163 = vector.broadcast %add3A_162 : i32 to vector<16xi32>
        %add3A_164 = arith.addi %mul3A_159, %add3A_163 : vector<16xi32>
        %get3A_165 = arith.index_cast %add3A_148 : i32 to index
        %get3A_166 = tpu.vector_load %arg15[%get3A_165] {strides = array<i32>} : memref<3200xf32, #tpu.memory_space<vmem>>, vector<16xf32>,
        tpu.vector_store_idx %arg8[%add3A_164], %get3A_166 masked %lt3A_156 : memref<75000xf32, #tpu.memory_space<vmem>>[vector<16xi32>], vector<16xf32>, vector<16xi1>
        %add3A_167 = arith.constant 2 : i32
        %add3A_168 = vector.broadcast %add3A_167 : i32 to vector<16xi32>
        %add3A_169 = arith.addi %mul3A_159, %add3A_168 : vector<16xi32>
        %get3A_170 = arith.index_cast %add3A_148 : i32 to index
        %get3A_171 = tpu.vector_load %arg16[%get3A_170] {strides = array<i32>} : memref<3200xf32, #tpu.memory_space<vmem>>, vector<16xf32>,
        tpu.vector_store_idx %arg8[%add3A_169], %get3A_171 masked %lt3A_156 : memref<75000xf32, #tpu.memory_space<vmem>>[vector<16xi32>], vector<16xf32>, vector<16xi1>
        %add3A_172 = arith.constant 64 : i32
        %add3A_173 = arith.addi %multiple_of3A_74, %add3A_172 : i32
        %get3A_174 = arith.index_cast %add3A_173 : i32 to index
        %get3A_175 = tpu.vector_load %arg13[%get3A_174] {strides = array<i32>} : memref<3200xi32, #tpu.memory_space<vmem>>, vector<16xi32>,
        %sub3A_176 = vector.broadcast %mul3A_2 : i32 to vector<16xi32>
        %sub3A_177 = arith.subi %get3A_175, %sub3A_176 : vector<16xi32>
        %bitcast3A_178 = vector.bitcast %sub3A_177 : vector<16xi32> to vector<16xi32>
        %lt3A_179 = arith.constant 25000 : i32
        %lt3A_180 = vector.broadcast %lt3A_179 : i32 to vector<16xi32>
        %lt3A_181 = arith.cmpi ult, %bitcast3A_178, %lt3A_180 : vector<16xi32>
        %mul3A_182 = arith.constant 3 : i32
        %mul3A_183 = vector.broadcast %mul3A_182 : i32 to vector<16xi32>
        %mul3A_184 = arith.muli %sub3A_177, %mul3A_183 : vector<16xi32>
        %get3A_185 = arith.index_cast %add3A_173 : i32 to index
        %get3A_186 = tpu.vector_load %arg14[%get3A_185] {strides = array<i32>} : memref<3200xf32, #tpu.memory_space<vmem>>, vector<16xf32>,
        tpu.vector_store_idx %arg8[%mul3A_184], %get3A_186 masked %lt3A_181 : memref<75000xf32, #tpu.memory_space<vmem>>[vector<16xi32>], vector<16xf32>, vector<16xi1>
        %add3A_187 = arith.constant 1 : i32
        %add3A_188 = vector.broadcast %add3A_187 : i32 to vector<16xi32>
        %add3A_189 = arith.addi %mul3A_184, %add3A_188 : vector<16xi32>
        %get3A_190 = arith.index_cast %add3A_173 : i32 to index
        %get3A_191 = tpu.vector_load %arg15[%get3A_190] {strides = array<i32>} : memref<3200xf32, #tpu.memory_space<vmem>>, vector<16xf32>,
        tpu.vector_store_idx %arg8[%add3A_189], %get3A_191 masked %lt3A_181 : memref<75000xf32, #tpu.memory_space<vmem>>[vector<16xi32>], vector<16xf32>, vector<16xi1>
        %add3A_192 = arith.constant 2 : i32
        %add3A_193 = vector.broadcast %add3A_192 : i32 to vector<16xi32>
        %add3A_194 = arith.addi %mul3A_184, %add3A_193 : vector<16xi32>
        %get3A_195 = arith.index_cast %add3A_173 : i32 to index
        %get3A_196 = tpu.vector_load %arg16[%get3A_195] {strides = array<i32>} : memref<3200xf32, #tpu.memory_space<vmem>>, vector<16xf32>,
        tpu.vector_store_idx %arg8[%add3A_194], %get3A_196 masked %lt3A_181 : memref<75000xf32, #tpu.memory_space<vmem>>[vector<16xi32>], vector<16xf32>, vector<16xi1>
        %add3A_197 = arith.constant 80 : i32
        %add3A_198 = arith.addi %multiple_of3A_74, %add3A_197 : i32
        %get3A_199 = arith.index_cast %add3A_198 : i32 to index
        %get3A_200 = tpu.vector_load %arg13[%get3A_199] {strides = array<i32>} : memref<3200xi32, #tpu.memory_space<vmem>>, vector<16xi32>,
        %sub3A_201 = vector.broadcast %mul3A_2 : i32 to vector<16xi32>
        %sub3A_202 = arith.subi %get3A_200, %sub3A_201 : vector<16xi32>
        %bitcast3A_203 = vector.bitcast %sub3A_202 : vector<16xi32> to vector<16xi32>
        %lt3A_204 = arith.constant 25000 : i32
        %lt3A_205 = vector.broadcast %lt3A_204 : i32 to vector<16xi32>
        %lt3A_206 = arith.cmpi ult, %bitcast3A_203, %lt3A_205 : vector<16xi32>
        %mul3A_207 = arith.constant 3 : i32
        %mul3A_208 = vector.broadcast %mul3A_207 : i32 to vector<16xi32>
        %mul3A_209 = arith.muli %sub3A_202, %mul3A_208 : vector<16xi32>
        %get3A_210 = arith.index_cast %add3A_198 : i32 to index
        %get3A_211 = tpu.vector_load %arg14[%get3A_210] {strides = array<i32>} : memref<3200xf32, #tpu.memory_space<vmem>>, vector<16xf32>,
        tpu.vector_store_idx %arg8[%mul3A_209], %get3A_211 masked %lt3A_206 : memref<75000xf32, #tpu.memory_space<vmem>>[vector<16xi32>], vector<16xf32>, vector<16xi1>
        %add3A_212 = arith.constant 1 : i32
        %add3A_213 = vector.broadcast %add3A_212 : i32 to vector<16xi32>
        %add3A_214 = arith.addi %mul3A_209, %add3A_213 : vector<16xi32>
        %get3A_215 = arith.index_cast %add3A_198 : i32 to index
        %get3A_216 = tpu.vector_load %arg15[%get3A_215] {strides = array<i32>} : memref<3200xf32, #tpu.memory_space<vmem>>, vector<16xf32>,
        tpu.vector_store_idx %arg8[%add3A_214], %get3A_216 masked %lt3A_206 : memref<75000xf32, #tpu.memory_space<vmem>>[vector<16xi32>], vector<16xf32>, vector<16xi1>
        %add3A_217 = arith.constant 2 : i32
        %add3A_218 = vector.broadcast %add3A_217 : i32 to vector<16xi32>
        %add3A_219 = arith.addi %mul3A_209, %add3A_218 : vector<16xi32>
        %get3A_220 = arith.index_cast %add3A_198 : i32 to index
        %get3A_221 = tpu.vector_load %arg16[%get3A_220] {strides = array<i32>} : memref<3200xf32, #tpu.memory_space<vmem>>, vector<16xf32>,
        tpu.vector_store_idx %arg8[%add3A_219], %get3A_221 masked %lt3A_206 : memref<75000xf32, #tpu.memory_space<vmem>>[vector<16xi32>], vector<16xf32>, vector<16xi1>
        %add3A_222 = arith.constant 96 : i32
        %add3A_223 = arith.addi %multiple_of3A_74, %add3A_222 : i32
        %get3A_224 = arith.index_cast %add3A_223 : i32 to index
        %get3A_225 = tpu.vector_load %arg13[%get3A_224] {strides = array<i32>} : memref<3200xi32, #tpu.memory_space<vmem>>, vector<16xi32>,
        %sub3A_226 = vector.broadcast %mul3A_2 : i32 to vector<16xi32>
        %sub3A_227 = arith.subi %get3A_225, %sub3A_226 : vector<16xi32>
        %bitcast3A_228 = vector.bitcast %sub3A_227 : vector<16xi32> to vector<16xi32>
        %lt3A_229 = arith.constant 25000 : i32
        %lt3A_230 = vector.broadcast %lt3A_229 : i32 to vector<16xi32>
        %lt3A_231 = arith.cmpi ult, %bitcast3A_228, %lt3A_230 : vector<16xi32>
        %mul3A_232 = arith.constant 3 : i32
        %mul3A_233 = vector.broadcast %mul3A_232 : i32 to vector<16xi32>
        %mul3A_234 = arith.muli %sub3A_227, %mul3A_233 : vector<16xi32>
        %get3A_235 = arith.index_cast %add3A_223 : i32 to index
        %get3A_236 = tpu.vector_load %arg14[%get3A_235] {strides = array<i32>} : memref<3200xf32, #tpu.memory_space<vmem>>, vector<16xf32>,
        tpu.vector_store_idx %arg8[%mul3A_234], %get3A_236 masked %lt3A_231 : memref<75000xf32, #tpu.memory_space<vmem>>[vector<16xi32>], vector<16xf32>, vector<16xi1>
        %add3A_237 = arith.constant 1 : i32
        %add3A_238 = vector.broadcast %add3A_237 : i32 to vector<16xi32>
        %add3A_239 = arith.addi %mul3A_234, %add3A_238 : vector<16xi32>
        %get3A_240 = arith.index_cast %add3A_223 : i32 to index
        %get3A_241 = tpu.vector_load %arg15[%get3A_240] {strides = array<i32>} : memref<3200xf32, #tpu.memory_space<vmem>>, vector<16xf32>,
        tpu.vector_store_idx %arg8[%add3A_239], %get3A_241 masked %lt3A_231 : memref<75000xf32, #tpu.memory_space<vmem>>[vector<16xi32>], vector<16xf32>, vector<16xi1>
        %add3A_242 = arith.constant 2 : i32
        %add3A_243 = vector.broadcast %add3A_242 : i32 to vector<16xi32>
        %add3A_244 = arith.addi %mul3A_234, %add3A_243 : vector<16xi32>
        %get3A_245 = arith.index_cast %add3A_223 : i32 to index
        %get3A_246 = tpu.vector_load %arg16[%get3A_245] {strides = array<i32>} : memref<3200xf32, #tpu.memory_space<vmem>>, vector<16xf32>,
        tpu.vector_store_idx %arg8[%add3A_244], %get3A_246 masked %lt3A_231 : memref<75000xf32, #tpu.memory_space<vmem>>[vector<16xi32>], vector<16xf32>, vector<16xi1>
        %add3A_247 = arith.constant 112 : i32
        %add3A_248 = arith.addi %multiple_of3A_74, %add3A_247 : i32
        %get3A_249 = arith.index_cast %add3A_248 : i32 to index
        %get3A_250 = tpu.vector_load %arg13[%get3A_249] {strides = array<i32>} : memref<3200xi32, #tpu.memory_space<vmem>>, vector<16xi32>,
        %sub3A_251 = vector.broadcast %mul3A_2 : i32 to vector<16xi32>
        %sub3A_252 = arith.subi %get3A_250, %sub3A_251 : vector<16xi32>
        %bitcast3A_253 = vector.bitcast %sub3A_252 : vector<16xi32> to vector<16xi32>
        %lt3A_254 = arith.constant 25000 : i32
        %lt3A_255 = vector.broadcast %lt3A_254 : i32 to vector<16xi32>
        %lt3A_256 = arith.cmpi ult, %bitcast3A_253, %lt3A_255 : vector<16xi32>
        %mul3A_257 = arith.constant 3 : i32
        %mul3A_258 = vector.broadcast %mul3A_257 : i32 to vector<16xi32>
        %mul3A_259 = arith.muli %sub3A_252, %mul3A_258 : vector<16xi32>
        %get3A_260 = arith.index_cast %add3A_248 : i32 to index
        %get3A_261 = tpu.vector_load %arg14[%get3A_260] {strides = array<i32>} : memref<3200xf32, #tpu.memory_space<vmem>>, vector<16xf32>,
        tpu.vector_store_idx %arg8[%mul3A_259], %get3A_261 masked %lt3A_256 : memref<75000xf32, #tpu.memory_space<vmem>>[vector<16xi32>], vector<16xf32>, vector<16xi1>
        %add3A_262 = arith.constant 1 : i32
        %add3A_263 = vector.broadcast %add3A_262 : i32 to vector<16xi32>
        %add3A_264 = arith.addi %mul3A_259, %add3A_263 : vector<16xi32>
        %get3A_265 = arith.index_cast %add3A_248 : i32 to index
        %get3A_266 = tpu.vector_load %arg15[%get3A_265] {strides = array<i32>} : memref<3200xf32, #tpu.memory_space<vmem>>, vector<16xf32>,
        tpu.vector_store_idx %arg8[%add3A_264], %get3A_266 masked %lt3A_256 : memref<75000xf32, #tpu.memory_space<vmem>>[vector<16xi32>], vector<16xf32>, vector<16xi1>
        %add3A_267 = arith.constant 2 : i32
        %add3A_268 = vector.broadcast %add3A_267 : i32 to vector<16xi32>
        %add3A_269 = arith.addi %mul3A_259, %add3A_268 : vector<16xi32>
        %get3A_270 = arith.index_cast %add3A_248 : i32 to index
        %get3A_271 = tpu.vector_load %arg16[%get3A_270] {strides = array<i32>} : memref<3200xf32, #tpu.memory_space<vmem>>, vector<16xf32>,
        tpu.vector_store_idx %arg8[%add3A_269], %get3A_271 masked %lt3A_256 : memref<75000xf32, #tpu.memory_space<vmem>>[vector<16xi32>], vector<16xf32>, vector<16xi1>
      }
      %scan3A_70 = arith.constant 25 : i32
    }
    %scan3A_17 = arith.constant 125 : i32
    "tpu.region"() ({
      %run_scoped3A = tpu.sem_alloc : memref<!tpu.dma_semaphore, #tpu.memory_space<semaphore_mem>>
      %dma_start3A_18 = tpu.memref_slice %arg7[%mul3A_4] : memref<2400000xf32, #tpu.memory_space<hbm>> -> memref<75000xf32, #tpu.memory_space<hbm>>
      %dma_start3A_19 = tpu.memref_slice %arg7[%mul3A_4] : memref<2400000xf32, #tpu.memory_space<hbm>> -> memref<75000xf32, #tpu.memory_space<hbm>>
      tpu.enqueue_dma source(%arg8 : memref<75000xf32, #tpu.memory_space<vmem>>) target(%dma_start3A_19 : memref<75000xf32, #tpu.memory_space<hbm>>) target_semaphore(%run_scoped3A : memref<!tpu.dma_semaphore, #tpu.memory_space<semaphore_mem>>)
      %dma_wait3A = tpu.memref_slice %arg7[%mul3A_4] : memref<2400000xf32, #tpu.memory_space<hbm>> -> memref<75000xf32, #tpu.memory_space<hbm>>
      %dma_wait3A_20 = tpu.memref_slice %arg7[%mul3A_4] : memref<2400000xf32, #tpu.memory_space<hbm>> -> memref<75000xf32, #tpu.memory_space<hbm>>
      tpu.wait_dma2 semaphore(%run_scoped3A : memref<!tpu.dma_semaphore, #tpu.memory_space<semaphore_mem>>) src(%arg8 : memref<75000xf32, #tpu.memory_space<vmem>>) dst(%dma_wait3A_20 : memref<75000xf32, #tpu.memory_space<hbm>>)
      tpu.yield
    }) : () -> ()
    return
  }
}

#map = affine_map<(d0, d1) -> (0)>
module attributes {stable_mosaic.version = 14 : i64} {
  func.func @_sc_dof_scatter(%arg0: i32, %arg1: i32, %arg2: memref<7200000xf32, #tpu.memory_space<hbm>>, %arg3: memref<2400000xi32, #tpu.memory_space<hbm>>, %arg4: memref<2400000xf32, #tpu.memory_space<hbm>>, %arg5: memref<7200000xf32, #tpu.memory_space<hbm>>, %arg6: memref<112640xf32, #tpu.memory_space<vmem>>, %arg7: memref<3200xi32, #tpu.memory_space<vmem>>, %arg8: memref<3200xf32, #tpu.memory_space<vmem>>, %arg9: memref<3200xi32, #tpu.memory_space<vmem>>, %arg10: memref<3200xf32, #tpu.memory_space<vmem>>, %arg11: memref<!tpu.dma_semaphore, #tpu.memory_space<semaphore_mem>>, %arg12: memref<!tpu.dma_semaphore, #tpu.memory_space<semaphore_mem>>, %arg13: memref<!tpu.dma_semaphore, #tpu.memory_space<semaphore_mem>>, %arg14: memref<!tpu.dma_semaphore, #tpu.memory_space<semaphore_mem>>) attributes {dimension_semantics = [#tpu.dimension_semantics<core_parallel>, #tpu.dimension_semantics<subcore_parallel>], iteration_bounds = array<i64: 2, 16>, scalar_prefetch = 0 : i64, scratch_operands = 9 : i64, tpu.core_type = #tpu.core_type<sc_vector_subcore>, window_params = [{transform_indices = #map}, {transform_indices = #map}, {transform_indices = #map}, {transform_indices = #map}]} {
    %mul3A = arith.constant 2 : i32
    %mul3A_0 = arith.muli %arg1, %mul3A : i32
    %add3A = arith.addi %mul3A_0, %arg0 : i32
    %mul3A_1 = arith.constant 112640 : i32
    %mul3A_2 = arith.muli %add3A, %mul3A_1 : i32
    "tpu.region"() ({
      %run_scoped3A = tpu.sem_alloc : memref<!tpu.dma_semaphore, #tpu.memory_space<semaphore_mem>>
      %dma_start3A_22 = tpu.memref_slice %arg2[%mul3A_2] : memref<7200000xf32, #tpu.memory_space<hbm>> -> memref<112640xf32, #tpu.memory_space<hbm>>
      %dma_start3A_23 = tpu.memref_slice %arg2[%mul3A_2] : memref<7200000xf32, #tpu.memory_space<hbm>> -> memref<112640xf32, #tpu.memory_space<hbm>>
      tpu.enqueue_dma source(%dma_start3A_23 : memref<112640xf32, #tpu.memory_space<hbm>>) target(%arg6 : memref<112640xf32, #tpu.memory_space<vmem>>) target_semaphore(%run_scoped3A : memref<!tpu.dma_semaphore, #tpu.memory_space<semaphore_mem>>)
      %dma_wait3A = tpu.memref_slice %arg2[%mul3A_2] : memref<7200000xf32, #tpu.memory_space<hbm>> -> memref<112640xf32, #tpu.memory_space<hbm>>
      %dma_wait3A_24 = tpu.memref_slice %arg2[%mul3A_2] : memref<7200000xf32, #tpu.memory_space<hbm>> -> memref<112640xf32, #tpu.memory_space<hbm>>
      tpu.wait_dma2 semaphore(%run_scoped3A : memref<!tpu.dma_semaphore, #tpu.memory_space<semaphore_mem>>) src(%dma_wait3A_24 : memref<112640xf32, #tpu.memory_space<hbm>>) dst(%arg6 : memref<112640xf32, #tpu.memory_space<vmem>>)
      tpu.yield
    }) : () -> ()
    %multiple_of3A = arith.constant 0 : i32
    %multiple_of3A_3 = tpu.assume_multiple %multiple_of3A, 3200 : i32
    %dma_start3A = tpu.memref_slice %arg3[%multiple_of3A_3] : memref<2400000xi32, #tpu.memory_space<hbm>> -> memref<3200xi32, #tpu.memory_space<hbm>>
    %dma_start3A_4 = tpu.memref_slice %arg3[%multiple_of3A_3] : memref<2400000xi32, #tpu.memory_space<hbm>> -> memref<3200xi32, #tpu.memory_space<hbm>>
    tpu.enqueue_dma source(%dma_start3A_4 : memref<3200xi32, #tpu.memory_space<hbm>>) target(%arg7 : memref<3200xi32, #tpu.memory_space<vmem>>) target_semaphore(%arg11 : memref<!tpu.dma_semaphore, #tpu.memory_space<semaphore_mem>>)
    %dma_start3A_5 = tpu.memref_slice %arg4[%multiple_of3A_3] : memref<2400000xf32, #tpu.memory_space<hbm>> -> memref<3200xf32, #tpu.memory_space<hbm>>
    %dma_start3A_6 = tpu.memref_slice %arg4[%multiple_of3A_3] : memref<2400000xf32, #tpu.memory_space<hbm>> -> memref<3200xf32, #tpu.memory_space<hbm>>
    tpu.enqueue_dma source(%dma_start3A_6 : memref<3200xf32, #tpu.memory_space<hbm>>) target(%arg8 : memref<3200xf32, #tpu.memory_space<vmem>>) target_semaphore(%arg12 : memref<!tpu.dma_semaphore, #tpu.memory_space<semaphore_mem>>)
    %scan3A = arith.constant 0 : i32
    %scan3A_7 = arith.constant 0 : i32
    %scan3A_8 = arith.constant 375 : i32
    %scan3A_9 = arith.addi %scan3A_7, %scan3A_8 : i32
    %scan3A_10 = arith.constant 1 : i32
    scf.for %scan3A_22 = %scan3A_7 to %scan3A_9 step %scan3A_10  : i32 {
      %mul3A_23 = arith.constant 2 : i32
      %mul3A_24 = arith.muli %scan3A_22, %mul3A_23 : i32
      %mul3A_25 = arith.constant 3200 : i32
      %mul3A_26 = arith.muli %mul3A_24, %mul3A_25 : i32
      %multiple_of3A_27 = tpu.assume_multiple %mul3A_26, 3200 : i32
      %dma_wait3A = tpu.memref_slice %arg3[%multiple_of3A_27] : memref<2400000xi32, #tpu.memory_space<hbm>> -> memref<3200xi32, #tpu.memory_space<hbm>>
      %dma_wait3A_28 = tpu.memref_slice %arg3[%multiple_of3A_27] : memref<2400000xi32, #tpu.memory_space<hbm>> -> memref<3200xi32, #tpu.memory_space<hbm>>
      tpu.wait_dma2 semaphore(%arg11 : memref<!tpu.dma_semaphore, #tpu.memory_space<semaphore_mem>>) src(%dma_wait3A_28 : memref<3200xi32, #tpu.memory_space<hbm>>) dst(%arg7 : memref<3200xi32, #tpu.memory_space<vmem>>)
      %dma_wait3A_29 = tpu.memref_slice %arg4[%multiple_of3A_27] : memref<2400000xf32, #tpu.memory_space<hbm>> -> memref<3200xf32, #tpu.memory_space<hbm>>
      %dma_wait3A_30 = tpu.memref_slice %arg4[%multiple_of3A_27] : memref<2400000xf32, #tpu.memory_space<hbm>> -> memref<3200xf32, #tpu.memory_space<hbm>>
      tpu.wait_dma2 semaphore(%arg12 : memref<!tpu.dma_semaphore, #tpu.memory_space<semaphore_mem>>) src(%dma_wait3A_30 : memref<3200xf32, #tpu.memory_space<hbm>>) dst(%arg8 : memref<3200xf32, #tpu.memory_space<vmem>>)
      %add3A_31 = arith.constant 1 : i32
      %add3A_32 = arith.addi %mul3A_24, %add3A_31 : i32
      %mul3A_33 = arith.constant 3200 : i32
      %mul3A_34 = arith.muli %add3A_32, %mul3A_33 : i32
      %multiple_of3A_35 = tpu.assume_multiple %mul3A_34, 3200 : i32
      %dma_start3A_36 = tpu.memref_slice %arg3[%multiple_of3A_35] : memref<2400000xi32, #tpu.memory_space<hbm>> -> memref<3200xi32, #tpu.memory_space<hbm>>
      %dma_start3A_37 = tpu.memref_slice %arg3[%multiple_of3A_35] : memref<2400000xi32, #tpu.memory_space<hbm>> -> memref<3200xi32, #tpu.memory_space<hbm>>
      tpu.enqueue_dma source(%dma_start3A_37 : memref<3200xi32, #tpu.memory_space<hbm>>) target(%arg9 : memref<3200xi32, #tpu.memory_space<vmem>>) target_semaphore(%arg13 : memref<!tpu.dma_semaphore, #tpu.memory_space<semaphore_mem>>)
      %dma_start3A_38 = tpu.memref_slice %arg4[%multiple_of3A_35] : memref<2400000xf32, #tpu.memory_space<hbm>> -> memref<3200xf32, #tpu.memory_space<hbm>>
      %dma_start3A_39 = tpu.memref_slice %arg4[%multiple_of3A_35] : memref<2400000xf32, #tpu.memory_space<hbm>> -> memref<3200xf32, #tpu.memory_space<hbm>>
      tpu.enqueue_dma source(%dma_start3A_39 : memref<3200xf32, #tpu.memory_space<hbm>>) target(%arg10 : memref<3200xf32, #tpu.memory_space<vmem>>) target_semaphore(%arg14 : memref<!tpu.dma_semaphore, #tpu.memory_space<semaphore_mem>>)
      %scan3A_40 = arith.constant 0 : i32
      %scan3A_41 = arith.constant 0 : i32
      %scan3A_42 = arith.constant 25 : i32
      %scan3A_43 = arith.addi %scan3A_41, %scan3A_42 : i32
      %scan3A_44 = arith.constant 1 : i32
      scf.for %scan3A_65 = %scan3A_41 to %scan3A_43 step %scan3A_44  : i32 {
        %mul3A_66 = arith.constant 128 : i32
        %mul3A_67 = arith.muli %scan3A_65, %mul3A_66 : i32
        %multiple_of3A_68 = tpu.assume_multiple %mul3A_67, 128 : i32
        %add3A_69 = arith.constant 0 : i32
        %add3A_70 = arith.addi %multiple_of3A_68, %add3A_69 : i32
        %get3A = arith.index_cast %add3A_70 : i32 to index
        %get3A_71 = tpu.vector_load %arg7[%get3A] {strides = array<i32>} : memref<3200xi32, #tpu.memory_space<vmem>>, vector<16xi32>,
        %sub3A = vector.broadcast %mul3A_2 : i32 to vector<16xi32>
        %sub3A_72 = arith.subi %get3A_71, %sub3A : vector<16xi32>
        %bitcast3A = vector.bitcast %sub3A_72 : vector<16xi32> to vector<16xi32>
        %lt3A_73 = arith.constant 112640 : i32
        %lt3A_74 = vector.broadcast %lt3A_73 : i32 to vector<16xi32>
        %lt3A_75 = arith.cmpi ult, %bitcast3A, %lt3A_74 : vector<16xi32>
        %get3A_76 = arith.index_cast %add3A_70 : i32 to index
        %get3A_77 = tpu.vector_load %arg8[%get3A_76] {strides = array<i32>} : memref<3200xf32, #tpu.memory_space<vmem>>, vector<16xf32>,
        tpu.vector_store_idx %arg6[%sub3A_72], %get3A_77 masked %lt3A_75 : memref<112640xf32, #tpu.memory_space<vmem>>[vector<16xi32>], vector<16xf32>, vector<16xi1>
        %add3A_78 = arith.constant 16 : i32
        %add3A_79 = arith.addi %multiple_of3A_68, %add3A_78 : i32
        %get3A_80 = arith.index_cast %add3A_79 : i32 to index
        %get3A_81 = tpu.vector_load %arg7[%get3A_80] {strides = array<i32>} : memref<3200xi32, #tpu.memory_space<vmem>>, vector<16xi32>,
        %sub3A_82 = vector.broadcast %mul3A_2 : i32 to vector<16xi32>
        %sub3A_83 = arith.subi %get3A_81, %sub3A_82 : vector<16xi32>
        %bitcast3A_84 = vector.bitcast %sub3A_83 : vector<16xi32> to vector<16xi32>
        %lt3A_85 = arith.constant 112640 : i32
        %lt3A_86 = vector.broadcast %lt3A_85 : i32 to vector<16xi32>
        %lt3A_87 = arith.cmpi ult, %bitcast3A_84, %lt3A_86 : vector<16xi32>
        %get3A_88 = arith.index_cast %add3A_79 : i32 to index
        %get3A_89 = tpu.vector_load %arg8[%get3A_88] {strides = array<i32>} : memref<3200xf32, #tpu.memory_space<vmem>>, vector<16xf32>,
        tpu.vector_store_idx %arg6[%sub3A_83], %get3A_89 masked %lt3A_87 : memref<112640xf32, #tpu.memory_space<vmem>>[vector<16xi32>], vector<16xf32>, vector<16xi1>
        %add3A_90 = arith.constant 32 : i32
        %add3A_91 = arith.addi %multiple_of3A_68, %add3A_90 : i32
        %get3A_92 = arith.index_cast %add3A_91 : i32 to index
        %get3A_93 = tpu.vector_load %arg7[%get3A_92] {strides = array<i32>} : memref<3200xi32, #tpu.memory_space<vmem>>, vector<16xi32>,
        %sub3A_94 = vector.broadcast %mul3A_2 : i32 to vector<16xi32>
        %sub3A_95 = arith.subi %get3A_93, %sub3A_94 : vector<16xi32>
        %bitcast3A_96 = vector.bitcast %sub3A_95 : vector<16xi32> to vector<16xi32>
        %lt3A_97 = arith.constant 112640 : i32
        %lt3A_98 = vector.broadcast %lt3A_97 : i32 to vector<16xi32>
        %lt3A_99 = arith.cmpi ult, %bitcast3A_96, %lt3A_98 : vector<16xi32>
        %get3A_100 = arith.index_cast %add3A_91 : i32 to index
        %get3A_101 = tpu.vector_load %arg8[%get3A_100] {strides = array<i32>} : memref<3200xf32, #tpu.memory_space<vmem>>, vector<16xf32>,
        tpu.vector_store_idx %arg6[%sub3A_95], %get3A_101 masked %lt3A_99 : memref<112640xf32, #tpu.memory_space<vmem>>[vector<16xi32>], vector<16xf32>, vector<16xi1>
        %add3A_102 = arith.constant 48 : i32
        %add3A_103 = arith.addi %multiple_of3A_68, %add3A_102 : i32
        %get3A_104 = arith.index_cast %add3A_103 : i32 to index
        %get3A_105 = tpu.vector_load %arg7[%get3A_104] {strides = array<i32>} : memref<3200xi32, #tpu.memory_space<vmem>>, vector<16xi32>,
        %sub3A_106 = vector.broadcast %mul3A_2 : i32 to vector<16xi32>
        %sub3A_107 = arith.subi %get3A_105, %sub3A_106 : vector<16xi32>
        %bitcast3A_108 = vector.bitcast %sub3A_107 : vector<16xi32> to vector<16xi32>
        %lt3A_109 = arith.constant 112640 : i32
        %lt3A_110 = vector.broadcast %lt3A_109 : i32 to vector<16xi32>
        %lt3A_111 = arith.cmpi ult, %bitcast3A_108, %lt3A_110 : vector<16xi32>
        %get3A_112 = arith.index_cast %add3A_103 : i32 to index
        %get3A_113 = tpu.vector_load %arg8[%get3A_112] {strides = array<i32>} : memref<3200xf32, #tpu.memory_space<vmem>>, vector<16xf32>,
        tpu.vector_store_idx %arg6[%sub3A_107], %get3A_113 masked %lt3A_111 : memref<112640xf32, #tpu.memory_space<vmem>>[vector<16xi32>], vector<16xf32>, vector<16xi1>
        %add3A_114 = arith.constant 64 : i32
        %add3A_115 = arith.addi %multiple_of3A_68, %add3A_114 : i32
        %get3A_116 = arith.index_cast %add3A_115 : i32 to index
        %get3A_117 = tpu.vector_load %arg7[%get3A_116] {strides = array<i32>} : memref<3200xi32, #tpu.memory_space<vmem>>, vector<16xi32>,
        %sub3A_118 = vector.broadcast %mul3A_2 : i32 to vector<16xi32>
        %sub3A_119 = arith.subi %get3A_117, %sub3A_118 : vector<16xi32>
        %bitcast3A_120 = vector.bitcast %sub3A_119 : vector<16xi32> to vector<16xi32>
        %lt3A_121 = arith.constant 112640 : i32
        %lt3A_122 = vector.broadcast %lt3A_121 : i32 to vector<16xi32>
        %lt3A_123 = arith.cmpi ult, %bitcast3A_120, %lt3A_122 : vector<16xi32>
        %get3A_124 = arith.index_cast %add3A_115 : i32 to index
        %get3A_125 = tpu.vector_load %arg8[%get3A_124] {strides = array<i32>} : memref<3200xf32, #tpu.memory_space<vmem>>, vector<16xf32>,
        tpu.vector_store_idx %arg6[%sub3A_119], %get3A_125 masked %lt3A_123 : memref<112640xf32, #tpu.memory_space<vmem>>[vector<16xi32>], vector<16xf32>, vector<16xi1>
        %add3A_126 = arith.constant 80 : i32
        %add3A_127 = arith.addi %multiple_of3A_68, %add3A_126 : i32
        %get3A_128 = arith.index_cast %add3A_127 : i32 to index
        %get3A_129 = tpu.vector_load %arg7[%get3A_128] {strides = array<i32>} : memref<3200xi32, #tpu.memory_space<vmem>>, vector<16xi32>,
        %sub3A_130 = vector.broadcast %mul3A_2 : i32 to vector<16xi32>
        %sub3A_131 = arith.subi %get3A_129, %sub3A_130 : vector<16xi32>
        %bitcast3A_132 = vector.bitcast %sub3A_131 : vector<16xi32> to vector<16xi32>
        %lt3A_133 = arith.constant 112640 : i32
        %lt3A_134 = vector.broadcast %lt3A_133 : i32 to vector<16xi32>
        %lt3A_135 = arith.cmpi ult, %bitcast3A_132, %lt3A_134 : vector<16xi32>
        %get3A_136 = arith.index_cast %add3A_127 : i32 to index
        %get3A_137 = tpu.vector_load %arg8[%get3A_136] {strides = array<i32>} : memref<3200xf32, #tpu.memory_space<vmem>>, vector<16xf32>,
        tpu.vector_store_idx %arg6[%sub3A_131], %get3A_137 masked %lt3A_135 : memref<112640xf32, #tpu.memory_space<vmem>>[vector<16xi32>], vector<16xf32>, vector<16xi1>
        %add3A_138 = arith.constant 96 : i32
        %add3A_139 = arith.addi %multiple_of3A_68, %add3A_138 : i32
        %get3A_140 = arith.index_cast %add3A_139 : i32 to index
        %get3A_141 = tpu.vector_load %arg7[%get3A_140] {strides = array<i32>} : memref<3200xi32, #tpu.memory_space<vmem>>, vector<16xi32>,
        %sub3A_142 = vector.broadcast %mul3A_2 : i32 to vector<16xi32>
        %sub3A_143 = arith.subi %get3A_141, %sub3A_142 : vector<16xi32>
        %bitcast3A_144 = vector.bitcast %sub3A_143 : vector<16xi32> to vector<16xi32>
        %lt3A_145 = arith.constant 112640 : i32
        %lt3A_146 = vector.broadcast %lt3A_145 : i32 to vector<16xi32>
        %lt3A_147 = arith.cmpi ult, %bitcast3A_144, %lt3A_146 : vector<16xi32>
        %get3A_148 = arith.index_cast %add3A_139 : i32 to index
        %get3A_149 = tpu.vector_load %arg8[%get3A_148] {strides = array<i32>} : memref<3200xf32, #tpu.memory_space<vmem>>, vector<16xf32>,
        tpu.vector_store_idx %arg6[%sub3A_143], %get3A_149 masked %lt3A_147 : memref<112640xf32, #tpu.memory_space<vmem>>[vector<16xi32>], vector<16xf32>, vector<16xi1>
        %add3A_150 = arith.constant 112 : i32
        %add3A_151 = arith.addi %multiple_of3A_68, %add3A_150 : i32
        %get3A_152 = arith.index_cast %add3A_151 : i32 to index
        %get3A_153 = tpu.vector_load %arg7[%get3A_152] {strides = array<i32>} : memref<3200xi32, #tpu.memory_space<vmem>>, vector<16xi32>,
        %sub3A_154 = vector.broadcast %mul3A_2 : i32 to vector<16xi32>
        %sub3A_155 = arith.subi %get3A_153, %sub3A_154 : vector<16xi32>
        %bitcast3A_156 = vector.bitcast %sub3A_155 : vector<16xi32> to vector<16xi32>
        %lt3A_157 = arith.constant 112640 : i32
        %lt3A_158 = vector.broadcast %lt3A_157 : i32 to vector<16xi32>
        %lt3A_159 = arith.cmpi ult, %bitcast3A_156, %lt3A_158 : vector<16xi32>
        %get3A_160 = arith.index_cast %add3A_151 : i32 to index
        %get3A_161 = tpu.vector_load %arg8[%get3A_160] {strides = array<i32>} : memref<3200xf32, #tpu.memory_space<vmem>>, vector<16xf32>,
        tpu.vector_store_idx %arg6[%sub3A_155], %get3A_161 masked %lt3A_159 : memref<112640xf32, #tpu.memory_space<vmem>>[vector<16xi32>], vector<16xf32>, vector<16xi1>
      }
      %scan3A_45 = arith.constant 25 : i32
      %add3A_46 = arith.constant 1 : i32
      %add3A_47 = arith.addi %mul3A_24, %add3A_46 : i32
      %mul3A_48 = arith.constant 3200 : i32
      %mul3A_49 = arith.muli %add3A_47, %mul3A_48 : i32
      %multiple_of3A_50 = tpu.assume_multiple %mul3A_49, 3200 : i32
      %dma_wait3A_51 = tpu.memref_slice %arg3[%multiple_of3A_50] : memref<2400000xi32, #tpu.memory_space<hbm>> -> memref<3200xi32, #tpu.memory_space<hbm>>
      %dma_wait3A_52 = tpu.memref_slice %arg3[%multiple_of3A_50] : memref<2400000xi32, #tpu.memory_space<hbm>> -> memref<3200xi32, #tpu.memory_space<hbm>>
      tpu.wait_dma2 semaphore(%arg13 : memref<!tpu.dma_semaphore, #tpu.memory_space<semaphore_mem>>) src(%dma_wait3A_52 : memref<3200xi32, #tpu.memory_space<hbm>>) dst(%arg9 : memref<3200xi32, #tpu.memory_space<vmem>>)
      %dma_wait3A_53 = tpu.memref_slice %arg4[%multiple_of3A_50] : memref<2400000xf32, #tpu.memory_space<hbm>> -> memref<3200xf32, #tpu.memory_space<hbm>>
      %dma_wait3A_54 = tpu.memref_slice %arg4[%multiple_of3A_50] : memref<2400000xf32, #tpu.memory_space<hbm>> -> memref<3200xf32, #tpu.memory_space<hbm>>
      tpu.wait_dma2 semaphore(%arg14 : memref<!tpu.dma_semaphore, #tpu.memory_space<semaphore_mem>>) src(%dma_wait3A_54 : memref<3200xf32, #tpu.memory_space<hbm>>) dst(%arg10 : memref<3200xf32, #tpu.memory_space<vmem>>)
      %lt3A = arith.constant 374 : i32
      %lt3A_55 = arith.cmpi slt, %scan3A_22, %lt3A : i32
      %convert_element_type3A_56 = arith.extui %lt3A_55 : i1 to i32
      %cond3A_57 = arith.constant 0 : i32
      %cond3A_58 = arith.cmpi ne, %convert_element_type3A_56, %cond3A_57 : i32
      scf.if %cond3A_58 {
        %add3A_65 = arith.constant 2 : i32
        %add3A_66 = arith.addi %mul3A_24, %add3A_65 : i32
        %mul3A_67 = arith.constant 3200 : i32
        %mul3A_68 = arith.muli %add3A_66, %mul3A_67 : i32
        %multiple_of3A_69 = tpu.assume_multiple %mul3A_68, 3200 : i32
        %dma_start3A_70 = tpu.memref_slice %arg3[%multiple_of3A_69] : memref<2400000xi32, #tpu.memory_space<hbm>> -> memref<3200xi32, #tpu.memory_space<hbm>>
        %dma_start3A_71 = tpu.memref_slice %arg3[%multiple_of3A_69] : memref<2400000xi32, #tpu.memory_space<hbm>> -> memref<3200xi32, #tpu.memory_space<hbm>>
        tpu.enqueue_dma source(%dma_start3A_71 : memref<3200xi32, #tpu.memory_space<hbm>>) target(%arg7 : memref<3200xi32, #tpu.memory_space<vmem>>) target_semaphore(%arg11 : memref<!tpu.dma_semaphore, #tpu.memory_space<semaphore_mem>>)
        %dma_start3A_72 = tpu.memref_slice %arg4[%multiple_of3A_69] : memref<2400000xf32, #tpu.memory_space<hbm>> -> memref<3200xf32, #tpu.memory_space<hbm>>
        %dma_start3A_73 = tpu.memref_slice %arg4[%multiple_of3A_69] : memref<2400000xf32, #tpu.memory_space<hbm>> -> memref<3200xf32, #tpu.memory_space<hbm>>
        tpu.enqueue_dma source(%dma_start3A_73 : memref<3200xf32, #tpu.memory_space<hbm>>) target(%arg8 : memref<3200xf32, #tpu.memory_space<vmem>>) target_semaphore(%arg12 : memref<!tpu.dma_semaphore, #tpu.memory_space<semaphore_mem>>)
      } else {
      }
      %scan3A_59 = arith.constant 0 : i32
      %scan3A_60 = arith.constant 0 : i32
      %scan3A_61 = arith.constant 25 : i32
      %scan3A_62 = arith.addi %scan3A_60, %scan3A_61 : i32
      %scan3A_63 = arith.constant 1 : i32
      scf.for %scan3A_65 = %scan3A_60 to %scan3A_62 step %scan3A_63  : i32 {
        %mul3A_66 = arith.constant 128 : i32
        %mul3A_67 = arith.muli %scan3A_65, %mul3A_66 : i32
        %multiple_of3A_68 = tpu.assume_multiple %mul3A_67, 128 : i32
        %add3A_69 = arith.constant 0 : i32
        %add3A_70 = arith.addi %multiple_of3A_68, %add3A_69 : i32
        %get3A = arith.index_cast %add3A_70 : i32 to index
        %get3A_71 = tpu.vector_load %arg9[%get3A] {strides = array<i32>} : memref<3200xi32, #tpu.memory_space<vmem>>, vector<16xi32>,
        %sub3A = vector.broadcast %mul3A_2 : i32 to vector<16xi32>
        %sub3A_72 = arith.subi %get3A_71, %sub3A : vector<16xi32>
        %bitcast3A = vector.bitcast %sub3A_72 : vector<16xi32> to vector<16xi32>
        %lt3A_73 = arith.constant 112640 : i32
        %lt3A_74 = vector.broadcast %lt3A_73 : i32 to vector<16xi32>
        %lt3A_75 = arith.cmpi ult, %bitcast3A, %lt3A_74 : vector<16xi32>
        %get3A_76 = arith.index_cast %add3A_70 : i32 to index
        %get3A_77 = tpu.vector_load %arg10[%get3A_76] {strides = array<i32>} : memref<3200xf32, #tpu.memory_space<vmem>>, vector<16xf32>,
        tpu.vector_store_idx %arg6[%sub3A_72], %get3A_77 masked %lt3A_75 : memref<112640xf32, #tpu.memory_space<vmem>>[vector<16xi32>], vector<16xf32>, vector<16xi1>
        %add3A_78 = arith.constant 16 : i32
        %add3A_79 = arith.addi %multiple_of3A_68, %add3A_78 : i32
        %get3A_80 = arith.index_cast %add3A_79 : i32 to index
        %get3A_81 = tpu.vector_load %arg9[%get3A_80] {strides = array<i32>} : memref<3200xi32, #tpu.memory_space<vmem>>, vector<16xi32>,
        %sub3A_82 = vector.broadcast %mul3A_2 : i32 to vector<16xi32>
        %sub3A_83 = arith.subi %get3A_81, %sub3A_82 : vector<16xi32>
        %bitcast3A_84 = vector.bitcast %sub3A_83 : vector<16xi32> to vector<16xi32>
        %lt3A_85 = arith.constant 112640 : i32
        %lt3A_86 = vector.broadcast %lt3A_85 : i32 to vector<16xi32>
        %lt3A_87 = arith.cmpi ult, %bitcast3A_84, %lt3A_86 : vector<16xi32>
        %get3A_88 = arith.index_cast %add3A_79 : i32 to index
        %get3A_89 = tpu.vector_load %arg10[%get3A_88] {strides = array<i32>} : memref<3200xf32, #tpu.memory_space<vmem>>, vector<16xf32>,
        tpu.vector_store_idx %arg6[%sub3A_83], %get3A_89 masked %lt3A_87 : memref<112640xf32, #tpu.memory_space<vmem>>[vector<16xi32>], vector<16xf32>, vector<16xi1>
        %add3A_90 = arith.constant 32 : i32
        %add3A_91 = arith.addi %multiple_of3A_68, %add3A_90 : i32
        %get3A_92 = arith.index_cast %add3A_91 : i32 to index
        %get3A_93 = tpu.vector_load %arg9[%get3A_92] {strides = array<i32>} : memref<3200xi32, #tpu.memory_space<vmem>>, vector<16xi32>,
        %sub3A_94 = vector.broadcast %mul3A_2 : i32 to vector<16xi32>
        %sub3A_95 = arith.subi %get3A_93, %sub3A_94 : vector<16xi32>
        %bitcast3A_96 = vector.bitcast %sub3A_95 : vector<16xi32> to vector<16xi32>
        %lt3A_97 = arith.constant 112640 : i32
        %lt3A_98 = vector.broadcast %lt3A_97 : i32 to vector<16xi32>
        %lt3A_99 = arith.cmpi ult, %bitcast3A_96, %lt3A_98 : vector<16xi32>
        %get3A_100 = arith.index_cast %add3A_91 : i32 to index
        %get3A_101 = tpu.vector_load %arg10[%get3A_100] {strides = array<i32>} : memref<3200xf32, #tpu.memory_space<vmem>>, vector<16xf32>,
        tpu.vector_store_idx %arg6[%sub3A_95], %get3A_101 masked %lt3A_99 : memref<112640xf32, #tpu.memory_space<vmem>>[vector<16xi32>], vector<16xf32>, vector<16xi1>
        %add3A_102 = arith.constant 48 : i32
        %add3A_103 = arith.addi %multiple_of3A_68, %add3A_102 : i32
        %get3A_104 = arith.index_cast %add3A_103 : i32 to index
        %get3A_105 = tpu.vector_load %arg9[%get3A_104] {strides = array<i32>} : memref<3200xi32, #tpu.memory_space<vmem>>, vector<16xi32>,
        %sub3A_106 = vector.broadcast %mul3A_2 : i32 to vector<16xi32>
        %sub3A_107 = arith.subi %get3A_105, %sub3A_106 : vector<16xi32>
        %bitcast3A_108 = vector.bitcast %sub3A_107 : vector<16xi32> to vector<16xi32>
        %lt3A_109 = arith.constant 112640 : i32
        %lt3A_110 = vector.broadcast %lt3A_109 : i32 to vector<16xi32>
        %lt3A_111 = arith.cmpi ult, %bitcast3A_108, %lt3A_110 : vector<16xi32>
        %get3A_112 = arith.index_cast %add3A_103 : i32 to index
        %get3A_113 = tpu.vector_load %arg10[%get3A_112] {strides = array<i32>} : memref<3200xf32, #tpu.memory_space<vmem>>, vector<16xf32>,
        tpu.vector_store_idx %arg6[%sub3A_107], %get3A_113 masked %lt3A_111 : memref<112640xf32, #tpu.memory_space<vmem>>[vector<16xi32>], vector<16xf32>, vector<16xi1>
        %add3A_114 = arith.constant 64 : i32
        %add3A_115 = arith.addi %multiple_of3A_68, %add3A_114 : i32
        %get3A_116 = arith.index_cast %add3A_115 : i32 to index
        %get3A_117 = tpu.vector_load %arg9[%get3A_116] {strides = array<i32>} : memref<3200xi32, #tpu.memory_space<vmem>>, vector<16xi32>,
        %sub3A_118 = vector.broadcast %mul3A_2 : i32 to vector<16xi32>
        %sub3A_119 = arith.subi %get3A_117, %sub3A_118 : vector<16xi32>
        %bitcast3A_120 = vector.bitcast %sub3A_119 : vector<16xi32> to vector<16xi32>
        %lt3A_121 = arith.constant 112640 : i32
        %lt3A_122 = vector.broadcast %lt3A_121 : i32 to vector<16xi32>
        %lt3A_123 = arith.cmpi ult, %bitcast3A_120, %lt3A_122 : vector<16xi32>
        %get3A_124 = arith.index_cast %add3A_115 : i32 to index
        %get3A_125 = tpu.vector_load %arg10[%get3A_124] {strides = array<i32>} : memref<3200xf32, #tpu.memory_space<vmem>>, vector<16xf32>,
        tpu.vector_store_idx %arg6[%sub3A_119], %get3A_125 masked %lt3A_123 : memref<112640xf32, #tpu.memory_space<vmem>>[vector<16xi32>], vector<16xf32>, vector<16xi1>
        %add3A_126 = arith.constant 80 : i32
        %add3A_127 = arith.addi %multiple_of3A_68, %add3A_126 : i32
        %get3A_128 = arith.index_cast %add3A_127 : i32 to index
        %get3A_129 = tpu.vector_load %arg9[%get3A_128] {strides = array<i32>} : memref<3200xi32, #tpu.memory_space<vmem>>, vector<16xi32>,
        %sub3A_130 = vector.broadcast %mul3A_2 : i32 to vector<16xi32>
        %sub3A_131 = arith.subi %get3A_129, %sub3A_130 : vector<16xi32>
        %bitcast3A_132 = vector.bitcast %sub3A_131 : vector<16xi32> to vector<16xi32>
        %lt3A_133 = arith.constant 112640 : i32
        %lt3A_134 = vector.broadcast %lt3A_133 : i32 to vector<16xi32>
        %lt3A_135 = arith.cmpi ult, %bitcast3A_132, %lt3A_134 : vector<16xi32>
        %get3A_136 = arith.index_cast %add3A_127 : i32 to index
        %get3A_137 = tpu.vector_load %arg10[%get3A_136] {strides = array<i32>} : memref<3200xf32, #tpu.memory_space<vmem>>, vector<16xf32>,
        tpu.vector_store_idx %arg6[%sub3A_131], %get3A_137 masked %lt3A_135 : memref<112640xf32, #tpu.memory_space<vmem>>[vector<16xi32>], vector<16xf32>, vector<16xi1>
        %add3A_138 = arith.constant 96 : i32
        %add3A_139 = arith.addi %multiple_of3A_68, %add3A_138 : i32
        %get3A_140 = arith.index_cast %add3A_139 : i32 to index
        %get3A_141 = tpu.vector_load %arg9[%get3A_140] {strides = array<i32>} : memref<3200xi32, #tpu.memory_space<vmem>>, vector<16xi32>,
        %sub3A_142 = vector.broadcast %mul3A_2 : i32 to vector<16xi32>
        %sub3A_143 = arith.subi %get3A_141, %sub3A_142 : vector<16xi32>
        %bitcast3A_144 = vector.bitcast %sub3A_143 : vector<16xi32> to vector<16xi32>
        %lt3A_145 = arith.constant 112640 : i32
        %lt3A_146 = vector.broadcast %lt3A_145 : i32 to vector<16xi32>
        %lt3A_147 = arith.cmpi ult, %bitcast3A_144, %lt3A_146 : vector<16xi32>
        %get3A_148 = arith.index_cast %add3A_139 : i32 to index
        %get3A_149 = tpu.vector_load %arg10[%get3A_148] {strides = array<i32>} : memref<3200xf32, #tpu.memory_space<vmem>>, vector<16xf32>,
        tpu.vector_store_idx %arg6[%sub3A_143], %get3A_149 masked %lt3A_147 : memref<112640xf32, #tpu.memory_space<vmem>>[vector<16xi32>], vector<16xf32>, vector<16xi1>
        %add3A_150 = arith.constant 112 : i32
        %add3A_151 = arith.addi %multiple_of3A_68, %add3A_150 : i32
        %get3A_152 = arith.index_cast %add3A_151 : i32 to index
        %get3A_153 = tpu.vector_load %arg9[%get3A_152] {strides = array<i32>} : memref<3200xi32, #tpu.memory_space<vmem>>, vector<16xi32>,
        %sub3A_154 = vector.broadcast %mul3A_2 : i32 to vector<16xi32>
        %sub3A_155 = arith.subi %get3A_153, %sub3A_154 : vector<16xi32>
        %bitcast3A_156 = vector.bitcast %sub3A_155 : vector<16xi32> to vector<16xi32>
        %lt3A_157 = arith.constant 112640 : i32
        %lt3A_158 = vector.broadcast %lt3A_157 : i32 to vector<16xi32>
        %lt3A_159 = arith.cmpi ult, %bitcast3A_156, %lt3A_158 : vector<16xi32>
        %get3A_160 = arith.index_cast %add3A_151 : i32 to index
        %get3A_161 = tpu.vector_load %arg10[%get3A_160] {strides = array<i32>} : memref<3200xf32, #tpu.memory_space<vmem>>, vector<16xf32>,
        tpu.vector_store_idx %arg6[%sub3A_155], %get3A_161 masked %lt3A_159 : memref<112640xf32, #tpu.memory_space<vmem>>[vector<16xi32>], vector<16xf32>, vector<16xi1>
      }
      %scan3A_64 = arith.constant 25 : i32
    }
    %scan3A_11 = arith.constant 375 : i32
    "tpu.region"() ({
      %run_scoped3A = tpu.sem_alloc : memref<!tpu.dma_semaphore, #tpu.memory_space<semaphore_mem>>
      %dma_start3A_22 = tpu.memref_slice %arg5[%mul3A_2] : memref<7200000xf32, #tpu.memory_space<hbm>> -> memref<112640xf32, #tpu.memory_space<hbm>>
      %dma_start3A_23 = tpu.memref_slice %arg5[%mul3A_2] : memref<7200000xf32, #tpu.memory_space<hbm>> -> memref<112640xf32, #tpu.memory_space<hbm>>
      tpu.enqueue_dma source(%arg6 : memref<112640xf32, #tpu.memory_space<vmem>>) target(%dma_start3A_23 : memref<112640xf32, #tpu.memory_space<hbm>>) target_semaphore(%run_scoped3A : memref<!tpu.dma_semaphore, #tpu.memory_space<semaphore_mem>>)
      %dma_wait3A = tpu.memref_slice %arg5[%mul3A_2] : memref<7200000xf32, #tpu.memory_space<hbm>> -> memref<112640xf32, #tpu.memory_space<hbm>>
      %dma_wait3A_24 = tpu.memref_slice %arg5[%mul3A_2] : memref<7200000xf32, #tpu.memory_space<hbm>> -> memref<112640xf32, #tpu.memory_space<hbm>>
      tpu.wait_dma2 semaphore(%run_scoped3A : memref<!tpu.dma_semaphore, #tpu.memory_space<semaphore_mem>>) src(%arg6 : memref<112640xf32, #tpu.memory_space<vmem>>) dst(%dma_wait3A_24 : memref<112640xf32, #tpu.memory_space<hbm>>)
      tpu.yield
    }) : () -> ()
    %add3A_12 = arith.constant 32 : i32
    %add3A_13 = arith.addi %add3A_12, %add3A : i32
    %mul3A_14 = arith.constant 112640 : i32
    %mul3A_15 = arith.muli %add3A_13, %mul3A_14 : i32
    %ne3A = arith.constant 31 : i32
    %ne3A_16 = arith.cmpi ne, %add3A, %ne3A : i32
    %convert_element_type3A = arith.extui %ne3A_16 : i1 to i32
    %cond3A = arith.constant 0 : i32
    %cond3A_17 = arith.cmpi ne, %convert_element_type3A, %cond3A : i32
    scf.if %cond3A_17 {
      "tpu.region"() ({
        %run_scoped3A = tpu.sem_alloc : memref<!tpu.dma_semaphore, #tpu.memory_space<semaphore_mem>>
        %dma_start3A_34 = tpu.memref_slice %arg2[%mul3A_15] : memref<7200000xf32, #tpu.memory_space<hbm>> -> memref<112640xf32, #tpu.memory_space<hbm>>
        %dma_start3A_35 = tpu.memref_slice %arg2[%mul3A_15] : memref<7200000xf32, #tpu.memory_space<hbm>> -> memref<112640xf32, #tpu.memory_space<hbm>>
        tpu.enqueue_dma source(%dma_start3A_35 : memref<112640xf32, #tpu.memory_space<hbm>>) target(%arg6 : memref<112640xf32, #tpu.memory_space<vmem>>) target_semaphore(%run_scoped3A : memref<!tpu.dma_semaphore, #tpu.memory_space<semaphore_mem>>)
        %dma_wait3A = tpu.memref_slice %arg2[%mul3A_15] : memref<7200000xf32, #tpu.memory_space<hbm>> -> memref<112640xf32, #tpu.memory_space<hbm>>
        %dma_wait3A_36 = tpu.memref_slice %arg2[%mul3A_15] : memref<7200000xf32, #tpu.memory_space<hbm>> -> memref<112640xf32, #tpu.memory_space<hbm>>
        tpu.wait_dma2 semaphore(%run_scoped3A : memref<!tpu.dma_semaphore, #tpu.memory_space<semaphore_mem>>) src(%dma_wait3A_36 : memref<112640xf32, #tpu.memory_space<hbm>>) dst(%arg6 : memref<112640xf32, #tpu.memory_space<vmem>>)
        tpu.yield
      }) : () -> ()
      %multiple_of3A_22 = arith.constant 0 : i32
      %multiple_of3A_23 = tpu.assume_multiple %multiple_of3A_22, 3200 : i32
      %dma_start3A_24 = tpu.memref_slice %arg3[%multiple_of3A_23] : memref<2400000xi32, #tpu.memory_space<hbm>> -> memref<3200xi32, #tpu.memory_space<hbm>>
      %dma_start3A_25 = tpu.memref_slice %arg3[%multiple_of3A_23] : memref<2400000xi32, #tpu.memory_space<hbm>> -> memref<3200xi32, #tpu.memory_space<hbm>>
      tpu.enqueue_dma source(%dma_start3A_25 : memref<3200xi32, #tpu.memory_space<hbm>>) target(%arg7 : memref<3200xi32, #tpu.memory_space<vmem>>) target_semaphore(%arg11 : memref<!tpu.dma_semaphore, #tpu.memory_space<semaphore_mem>>)
      %dma_start3A_26 = tpu.memref_slice %arg4[%multiple_of3A_23] : memref<2400000xf32, #tpu.memory_space<hbm>> -> memref<3200xf32, #tpu.memory_space<hbm>>
      %dma_start3A_27 = tpu.memref_slice %arg4[%multiple_of3A_23] : memref<2400000xf32, #tpu.memory_space<hbm>> -> memref<3200xf32, #tpu.memory_space<hbm>>
      tpu.enqueue_dma source(%dma_start3A_27 : memref<3200xf32, #tpu.memory_space<hbm>>) target(%arg8 : memref<3200xf32, #tpu.memory_space<vmem>>) target_semaphore(%arg12 : memref<!tpu.dma_semaphore, #tpu.memory_space<semaphore_mem>>)
      %scan3A_28 = arith.constant 0 : i32
      %scan3A_29 = arith.constant 0 : i32
      %scan3A_30 = arith.constant 375 : i32
      %scan3A_31 = arith.addi %scan3A_29, %scan3A_30 : i32
      %scan3A_32 = arith.constant 1 : i32
      scf.for %scan3A_34 = %scan3A_29 to %scan3A_31 step %scan3A_32  : i32 {
        %mul3A_35 = arith.constant 2 : i32
        %mul3A_36 = arith.muli %scan3A_34, %mul3A_35 : i32
        %mul3A_37 = arith.constant 3200 : i32
        %mul3A_38 = arith.muli %mul3A_36, %mul3A_37 : i32
        %multiple_of3A_39 = tpu.assume_multiple %mul3A_38, 3200 : i32
        %dma_wait3A = tpu.memref_slice %arg3[%multiple_of3A_39] : memref<2400000xi32, #tpu.memory_space<hbm>> -> memref<3200xi32, #tpu.memory_space<hbm>>
        %dma_wait3A_40 = tpu.memref_slice %arg3[%multiple_of3A_39] : memref<2400000xi32, #tpu.memory_space<hbm>> -> memref<3200xi32, #tpu.memory_space<hbm>>
        tpu.wait_dma2 semaphore(%arg11 : memref<!tpu.dma_semaphore, #tpu.memory_space<semaphore_mem>>) src(%dma_wait3A_40 : memref<3200xi32, #tpu.memory_space<hbm>>) dst(%arg7 : memref<3200xi32, #tpu.memory_space<vmem>>)
        %dma_wait3A_41 = tpu.memref_slice %arg4[%multiple_of3A_39] : memref<2400000xf32, #tpu.memory_space<hbm>> -> memref<3200xf32, #tpu.memory_space<hbm>>
        %dma_wait3A_42 = tpu.memref_slice %arg4[%multiple_of3A_39] : memref<2400000xf32, #tpu.memory_space<hbm>> -> memref<3200xf32, #tpu.memory_space<hbm>>
        tpu.wait_dma2 semaphore(%arg12 : memref<!tpu.dma_semaphore, #tpu.memory_space<semaphore_mem>>) src(%dma_wait3A_42 : memref<3200xf32, #tpu.memory_space<hbm>>) dst(%arg8 : memref<3200xf32, #tpu.memory_space<vmem>>)
        %add3A_43 = arith.constant 1 : i32
        %add3A_44 = arith.addi %mul3A_36, %add3A_43 : i32
        %mul3A_45 = arith.constant 3200 : i32
        %mul3A_46 = arith.muli %add3A_44, %mul3A_45 : i32
        %multiple_of3A_47 = tpu.assume_multiple %mul3A_46, 3200 : i32
        %dma_start3A_48 = tpu.memref_slice %arg3[%multiple_of3A_47] : memref<2400000xi32, #tpu.memory_space<hbm>> -> memref<3200xi32, #tpu.memory_space<hbm>>
        %dma_start3A_49 = tpu.memref_slice %arg3[%multiple_of3A_47] : memref<2400000xi32, #tpu.memory_space<hbm>> -> memref<3200xi32, #tpu.memory_space<hbm>>
        tpu.enqueue_dma source(%dma_start3A_49 : memref<3200xi32, #tpu.memory_space<hbm>>) target(%arg9 : memref<3200xi32, #tpu.memory_space<vmem>>) target_semaphore(%arg13 : memref<!tpu.dma_semaphore, #tpu.memory_space<semaphore_mem>>)
        %dma_start3A_50 = tpu.memref_slice %arg4[%multiple_of3A_47] : memref<2400000xf32, #tpu.memory_space<hbm>> -> memref<3200xf32, #tpu.memory_space<hbm>>
        %dma_start3A_51 = tpu.memref_slice %arg4[%multiple_of3A_47] : memref<2400000xf32, #tpu.memory_space<hbm>> -> memref<3200xf32, #tpu.memory_space<hbm>>
        tpu.enqueue_dma source(%dma_start3A_51 : memref<3200xf32, #tpu.memory_space<hbm>>) target(%arg10 : memref<3200xf32, #tpu.memory_space<vmem>>) target_semaphore(%arg14 : memref<!tpu.dma_semaphore, #tpu.memory_space<semaphore_mem>>)
        %scan3A_52 = arith.constant 0 : i32
        %scan3A_53 = arith.constant 0 : i32
        %scan3A_54 = arith.constant 25 : i32
        %scan3A_55 = arith.addi %scan3A_53, %scan3A_54 : i32
        %scan3A_56 = arith.constant 1 : i32
        scf.for %scan3A_77 = %scan3A_53 to %scan3A_55 step %scan3A_56  : i32 {
          %mul3A_78 = arith.constant 128 : i32
          %mul3A_79 = arith.muli %scan3A_77, %mul3A_78 : i32
          %multiple_of3A_80 = tpu.assume_multiple %mul3A_79, 128 : i32
          %add3A_81 = arith.constant 0 : i32
          %add3A_82 = arith.addi %multiple_of3A_80, %add3A_81 : i32
          %get3A = arith.index_cast %add3A_82 : i32 to index
          %get3A_83 = tpu.vector_load %arg7[%get3A] {strides = array<i32>} : memref<3200xi32, #tpu.memory_space<vmem>>, vector<16xi32>,
          %sub3A = vector.broadcast %mul3A_15 : i32 to vector<16xi32>
          %sub3A_84 = arith.subi %get3A_83, %sub3A : vector<16xi32>
          %bitcast3A = vector.bitcast %sub3A_84 : vector<16xi32> to vector<16xi32>
          %lt3A_85 = arith.constant 112640 : i32
          %lt3A_86 = vector.broadcast %lt3A_85 : i32 to vector<16xi32>
          %lt3A_87 = arith.cmpi ult, %bitcast3A, %lt3A_86 : vector<16xi32>
          %get3A_88 = arith.index_cast %add3A_82 : i32 to index
          %get3A_89 = tpu.vector_load %arg8[%get3A_88] {strides = array<i32>} : memref<3200xf32, #tpu.memory_space<vmem>>, vector<16xf32>,
          tpu.vector_store_idx %arg6[%sub3A_84], %get3A_89 masked %lt3A_87 : memref<112640xf32, #tpu.memory_space<vmem>>[vector<16xi32>], vector<16xf32>, vector<16xi1>
          %add3A_90 = arith.constant 16 : i32
          %add3A_91 = arith.addi %multiple_of3A_80, %add3A_90 : i32
          %get3A_92 = arith.index_cast %add3A_91 : i32 to index
          %get3A_93 = tpu.vector_load %arg7[%get3A_92] {strides = array<i32>} : memref<3200xi32, #tpu.memory_space<vmem>>, vector<16xi32>,
          %sub3A_94 = vector.broadcast %mul3A_15 : i32 to vector<16xi32>
          %sub3A_95 = arith.subi %get3A_93, %sub3A_94 : vector<16xi32>
          %bitcast3A_96 = vector.bitcast %sub3A_95 : vector<16xi32> to vector<16xi32>
          %lt3A_97 = arith.constant 112640 : i32
          %lt3A_98 = vector.broadcast %lt3A_97 : i32 to vector<16xi32>
          %lt3A_99 = arith.cmpi ult, %bitcast3A_96, %lt3A_98 : vector<16xi32>
          %get3A_100 = arith.index_cast %add3A_91 : i32 to index
          %get3A_101 = tpu.vector_load %arg8[%get3A_100] {strides = array<i32>} : memref<3200xf32, #tpu.memory_space<vmem>>, vector<16xf32>,
          tpu.vector_store_idx %arg6[%sub3A_95], %get3A_101 masked %lt3A_99 : memref<112640xf32, #tpu.memory_space<vmem>>[vector<16xi32>], vector<16xf32>, vector<16xi1>
          %add3A_102 = arith.constant 32 : i32
          %add3A_103 = arith.addi %multiple_of3A_80, %add3A_102 : i32
          %get3A_104 = arith.index_cast %add3A_103 : i32 to index
          %get3A_105 = tpu.vector_load %arg7[%get3A_104] {strides = array<i32>} : memref<3200xi32, #tpu.memory_space<vmem>>, vector<16xi32>,
          %sub3A_106 = vector.broadcast %mul3A_15 : i32 to vector<16xi32>
          %sub3A_107 = arith.subi %get3A_105, %sub3A_106 : vector<16xi32>
          %bitcast3A_108 = vector.bitcast %sub3A_107 : vector<16xi32> to vector<16xi32>
          %lt3A_109 = arith.constant 112640 : i32
          %lt3A_110 = vector.broadcast %lt3A_109 : i32 to vector<16xi32>
          %lt3A_111 = arith.cmpi ult, %bitcast3A_108, %lt3A_110 : vector<16xi32>
          %get3A_112 = arith.index_cast %add3A_103 : i32 to index
          %get3A_113 = tpu.vector_load %arg8[%get3A_112] {strides = array<i32>} : memref<3200xf32, #tpu.memory_space<vmem>>, vector<16xf32>,
          tpu.vector_store_idx %arg6[%sub3A_107], %get3A_113 masked %lt3A_111 : memref<112640xf32, #tpu.memory_space<vmem>>[vector<16xi32>], vector<16xf32>, vector<16xi1>
          %add3A_114 = arith.constant 48 : i32
          %add3A_115 = arith.addi %multiple_of3A_80, %add3A_114 : i32
          %get3A_116 = arith.index_cast %add3A_115 : i32 to index
          %get3A_117 = tpu.vector_load %arg7[%get3A_116] {strides = array<i32>} : memref<3200xi32, #tpu.memory_space<vmem>>, vector<16xi32>,
          %sub3A_118 = vector.broadcast %mul3A_15 : i32 to vector<16xi32>
          %sub3A_119 = arith.subi %get3A_117, %sub3A_118 : vector<16xi32>
          %bitcast3A_120 = vector.bitcast %sub3A_119 : vector<16xi32> to vector<16xi32>
          %lt3A_121 = arith.constant 112640 : i32
          %lt3A_122 = vector.broadcast %lt3A_121 : i32 to vector<16xi32>
          %lt3A_123 = arith.cmpi ult, %bitcast3A_120, %lt3A_122 : vector<16xi32>
          %get3A_124 = arith.index_cast %add3A_115 : i32 to index
          %get3A_125 = tpu.vector_load %arg8[%get3A_124] {strides = array<i32>} : memref<3200xf32, #tpu.memory_space<vmem>>, vector<16xf32>,
          tpu.vector_store_idx %arg6[%sub3A_119], %get3A_125 masked %lt3A_123 : memref<112640xf32, #tpu.memory_space<vmem>>[vector<16xi32>], vector<16xf32>, vector<16xi1>
          %add3A_126 = arith.constant 64 : i32
          %add3A_127 = arith.addi %multiple_of3A_80, %add3A_126 : i32
          %get3A_128 = arith.index_cast %add3A_127 : i32 to index
          %get3A_129 = tpu.vector_load %arg7[%get3A_128] {strides = array<i32>} : memref<3200xi32, #tpu.memory_space<vmem>>, vector<16xi32>,
          %sub3A_130 = vector.broadcast %mul3A_15 : i32 to vector<16xi32>
          %sub3A_131 = arith.subi %get3A_129, %sub3A_130 : vector<16xi32>
          %bitcast3A_132 = vector.bitcast %sub3A_131 : vector<16xi32> to vector<16xi32>
          %lt3A_133 = arith.constant 112640 : i32
          %lt3A_134 = vector.broadcast %lt3A_133 : i32 to vector<16xi32>
          %lt3A_135 = arith.cmpi ult, %bitcast3A_132, %lt3A_134 : vector<16xi32>
          %get3A_136 = arith.index_cast %add3A_127 : i32 to index
          %get3A_137 = tpu.vector_load %arg8[%get3A_136] {strides = array<i32>} : memref<3200xf32, #tpu.memory_space<vmem>>, vector<16xf32>,
          tpu.vector_store_idx %arg6[%sub3A_131], %get3A_137 masked %lt3A_135 : memref<112640xf32, #tpu.memory_space<vmem>>[vector<16xi32>], vector<16xf32>, vector<16xi1>
          %add3A_138 = arith.constant 80 : i32
          %add3A_139 = arith.addi %multiple_of3A_80, %add3A_138 : i32
          %get3A_140 = arith.index_cast %add3A_139 : i32 to index
          %get3A_141 = tpu.vector_load %arg7[%get3A_140] {strides = array<i32>} : memref<3200xi32, #tpu.memory_space<vmem>>, vector<16xi32>,
          %sub3A_142 = vector.broadcast %mul3A_15 : i32 to vector<16xi32>
          %sub3A_143 = arith.subi %get3A_141, %sub3A_142 : vector<16xi32>
          %bitcast3A_144 = vector.bitcast %sub3A_143 : vector<16xi32> to vector<16xi32>
          %lt3A_145 = arith.constant 112640 : i32
          %lt3A_146 = vector.broadcast %lt3A_145 : i32 to vector<16xi32>
          %lt3A_147 = arith.cmpi ult, %bitcast3A_144, %lt3A_146 : vector<16xi32>
          %get3A_148 = arith.index_cast %add3A_139 : i32 to index
          %get3A_149 = tpu.vector_load %arg8[%get3A_148] {strides = array<i32>} : memref<3200xf32, #tpu.memory_space<vmem>>, vector<16xf32>,
          tpu.vector_store_idx %arg6[%sub3A_143], %get3A_149 masked %lt3A_147 : memref<112640xf32, #tpu.memory_space<vmem>>[vector<16xi32>], vector<16xf32>, vector<16xi1>
          %add3A_150 = arith.constant 96 : i32
          %add3A_151 = arith.addi %multiple_of3A_80, %add3A_150 : i32
          %get3A_152 = arith.index_cast %add3A_151 : i32 to index
          %get3A_153 = tpu.vector_load %arg7[%get3A_152] {strides = array<i32>} : memref<3200xi32, #tpu.memory_space<vmem>>, vector<16xi32>,
          %sub3A_154 = vector.broadcast %mul3A_15 : i32 to vector<16xi32>
          %sub3A_155 = arith.subi %get3A_153, %sub3A_154 : vector<16xi32>
          %bitcast3A_156 = vector.bitcast %sub3A_155 : vector<16xi32> to vector<16xi32>
          %lt3A_157 = arith.constant 112640 : i32
          %lt3A_158 = vector.broadcast %lt3A_157 : i32 to vector<16xi32>
          %lt3A_159 = arith.cmpi ult, %bitcast3A_156, %lt3A_158 : vector<16xi32>
          %get3A_160 = arith.index_cast %add3A_151 : i32 to index
          %get3A_161 = tpu.vector_load %arg8[%get3A_160] {strides = array<i32>} : memref<3200xf32, #tpu.memory_space<vmem>>, vector<16xf32>,
          tpu.vector_store_idx %arg6[%sub3A_155], %get3A_161 masked %lt3A_159 : memref<112640xf32, #tpu.memory_space<vmem>>[vector<16xi32>], vector<16xf32>, vector<16xi1>
          %add3A_162 = arith.constant 112 : i32
          %add3A_163 = arith.addi %multiple_of3A_80, %add3A_162 : i32
          %get3A_164 = arith.index_cast %add3A_163 : i32 to index
          %get3A_165 = tpu.vector_load %arg7[%get3A_164] {strides = array<i32>} : memref<3200xi32, #tpu.memory_space<vmem>>, vector<16xi32>,
          %sub3A_166 = vector.broadcast %mul3A_15 : i32 to vector<16xi32>
          %sub3A_167 = arith.subi %get3A_165, %sub3A_166 : vector<16xi32>
          %bitcast3A_168 = vector.bitcast %sub3A_167 : vector<16xi32> to vector<16xi32>
          %lt3A_169 = arith.constant 112640 : i32
          %lt3A_170 = vector.broadcast %lt3A_169 : i32 to vector<16xi32>
          %lt3A_171 = arith.cmpi ult, %bitcast3A_168, %lt3A_170 : vector<16xi32>
          %get3A_172 = arith.index_cast %add3A_163 : i32 to index
          %get3A_173 = tpu.vector_load %arg8[%get3A_172] {strides = array<i32>} : memref<3200xf32, #tpu.memory_space<vmem>>, vector<16xf32>,
          tpu.vector_store_idx %arg6[%sub3A_167], %get3A_173 masked %lt3A_171 : memref<112640xf32, #tpu.memory_space<vmem>>[vector<16xi32>], vector<16xf32>, vector<16xi1>
        }
        %scan3A_57 = arith.constant 25 : i32
        %add3A_58 = arith.constant 1 : i32
        %add3A_59 = arith.addi %mul3A_36, %add3A_58 : i32
        %mul3A_60 = arith.constant 3200 : i32
        %mul3A_61 = arith.muli %add3A_59, %mul3A_60 : i32
        %multiple_of3A_62 = tpu.assume_multiple %mul3A_61, 3200 : i32
        %dma_wait3A_63 = tpu.memref_slice %arg3[%multiple_of3A_62] : memref<2400000xi32, #tpu.memory_space<hbm>> -> memref<3200xi32, #tpu.memory_space<hbm>>
        %dma_wait3A_64 = tpu.memref_slice %arg3[%multiple_of3A_62] : memref<2400000xi32, #tpu.memory_space<hbm>> -> memref<3200xi32, #tpu.memory_space<hbm>>
        tpu.wait_dma2 semaphore(%arg13 : memref<!tpu.dma_semaphore, #tpu.memory_space<semaphore_mem>>) src(%dma_wait3A_64 : memref<3200xi32, #tpu.memory_space<hbm>>) dst(%arg9 : memref<3200xi32, #tpu.memory_space<vmem>>)
        %dma_wait3A_65 = tpu.memref_slice %arg4[%multiple_of3A_62] : memref<2400000xf32, #tpu.memory_space<hbm>> -> memref<3200xf32, #tpu.memory_space<hbm>>
        %dma_wait3A_66 = tpu.memref_slice %arg4[%multiple_of3A_62] : memref<2400000xf32, #tpu.memory_space<hbm>> -> memref<3200xf32, #tpu.memory_space<hbm>>
        tpu.wait_dma2 semaphore(%arg14 : memref<!tpu.dma_semaphore, #tpu.memory_space<semaphore_mem>>) src(%dma_wait3A_66 : memref<3200xf32, #tpu.memory_space<hbm>>) dst(%arg10 : memref<3200xf32, #tpu.memory_space<vmem>>)
        %lt3A = arith.constant 374 : i32
        %lt3A_67 = arith.cmpi slt, %scan3A_34, %lt3A : i32
        %convert_element_type3A_68 = arith.extui %lt3A_67 : i1 to i32
        %cond3A_69 = arith.constant 0 : i32
        %cond3A_70 = arith.cmpi ne, %convert_element_type3A_68, %cond3A_69 : i32
        scf.if %cond3A_70 {
          %add3A_77 = arith.constant 2 : i32
          %add3A_78 = arith.addi %mul3A_36, %add3A_77 : i32
          %mul3A_79 = arith.constant 3200 : i32
          %mul3A_80 = arith.muli %add3A_78, %mul3A_79 : i32
          %multiple_of3A_81 = tpu.assume_multiple %mul3A_80, 3200 : i32
          %dma_start3A_82 = tpu.memref_slice %arg3[%multiple_of3A_81] : memref<2400000xi32, #tpu.memory_space<hbm>> -> memref<3200xi32, #tpu.memory_space<hbm>>
          %dma_start3A_83 = tpu.memref_slice %arg3[%multiple_of3A_81] : memref<2400000xi32, #tpu.memory_space<hbm>> -> memref<3200xi32, #tpu.memory_space<hbm>>
          tpu.enqueue_dma source(%dma_start3A_83 : memref<3200xi32, #tpu.memory_space<hbm>>) target(%arg7 : memref<3200xi32, #tpu.memory_space<vmem>>) target_semaphore(%arg11 : memref<!tpu.dma_semaphore, #tpu.memory_space<semaphore_mem>>)
          %dma_start3A_84 = tpu.memref_slice %arg4[%multiple_of3A_81] : memref<2400000xf32, #tpu.memory_space<hbm>> -> memref<3200xf32, #tpu.memory_space<hbm>>
          %dma_start3A_85 = tpu.memref_slice %arg4[%multiple_of3A_81] : memref<2400000xf32, #tpu.memory_space<hbm>> -> memref<3200xf32, #tpu.memory_space<hbm>>
          tpu.enqueue_dma source(%dma_start3A_85 : memref<3200xf32, #tpu.memory_space<hbm>>) target(%arg8 : memref<3200xf32, #tpu.memory_space<vmem>>) target_semaphore(%arg12 : memref<!tpu.dma_semaphore, #tpu.memory_space<semaphore_mem>>)
        } else {
        }
        %scan3A_71 = arith.constant 0 : i32
        %scan3A_72 = arith.constant 0 : i32
        %scan3A_73 = arith.constant 25 : i32
        %scan3A_74 = arith.addi %scan3A_72, %scan3A_73 : i32
        %scan3A_75 = arith.constant 1 : i32
        scf.for %scan3A_77 = %scan3A_72 to %scan3A_74 step %scan3A_75  : i32 {
          %mul3A_78 = arith.constant 128 : i32
          %mul3A_79 = arith.muli %scan3A_77, %mul3A_78 : i32
          %multiple_of3A_80 = tpu.assume_multiple %mul3A_79, 128 : i32
          %add3A_81 = arith.constant 0 : i32
          %add3A_82 = arith.addi %multiple_of3A_80, %add3A_81 : i32
          %get3A = arith.index_cast %add3A_82 : i32 to index
          %get3A_83 = tpu.vector_load %arg9[%get3A] {strides = array<i32>} : memref<3200xi32, #tpu.memory_space<vmem>>, vector<16xi32>,
          %sub3A = vector.broadcast %mul3A_15 : i32 to vector<16xi32>
          %sub3A_84 = arith.subi %get3A_83, %sub3A : vector<16xi32>
          %bitcast3A = vector.bitcast %sub3A_84 : vector<16xi32> to vector<16xi32>
          %lt3A_85 = arith.constant 112640 : i32
          %lt3A_86 = vector.broadcast %lt3A_85 : i32 to vector<16xi32>
          %lt3A_87 = arith.cmpi ult, %bitcast3A, %lt3A_86 : vector<16xi32>
          %get3A_88 = arith.index_cast %add3A_82 : i32 to index
          %get3A_89 = tpu.vector_load %arg10[%get3A_88] {strides = array<i32>} : memref<3200xf32, #tpu.memory_space<vmem>>, vector<16xf32>,
          tpu.vector_store_idx %arg6[%sub3A_84], %get3A_89 masked %lt3A_87 : memref<112640xf32, #tpu.memory_space<vmem>>[vector<16xi32>], vector<16xf32>, vector<16xi1>
          %add3A_90 = arith.constant 16 : i32
          %add3A_91 = arith.addi %multiple_of3A_80, %add3A_90 : i32
          %get3A_92 = arith.index_cast %add3A_91 : i32 to index
          %get3A_93 = tpu.vector_load %arg9[%get3A_92] {strides = array<i32>} : memref<3200xi32, #tpu.memory_space<vmem>>, vector<16xi32>,
          %sub3A_94 = vector.broadcast %mul3A_15 : i32 to vector<16xi32>
          %sub3A_95 = arith.subi %get3A_93, %sub3A_94 : vector<16xi32>
          %bitcast3A_96 = vector.bitcast %sub3A_95 : vector<16xi32> to vector<16xi32>
          %lt3A_97 = arith.constant 112640 : i32
          %lt3A_98 = vector.broadcast %lt3A_97 : i32 to vector<16xi32>
          %lt3A_99 = arith.cmpi ult, %bitcast3A_96, %lt3A_98 : vector<16xi32>
          %get3A_100 = arith.index_cast %add3A_91 : i32 to index
          %get3A_101 = tpu.vector_load %arg10[%get3A_100] {strides = array<i32>} : memref<3200xf32, #tpu.memory_space<vmem>>, vector<16xf32>,
          tpu.vector_store_idx %arg6[%sub3A_95], %get3A_101 masked %lt3A_99 : memref<112640xf32, #tpu.memory_space<vmem>>[vector<16xi32>], vector<16xf32>, vector<16xi1>
          %add3A_102 = arith.constant 32 : i32
          %add3A_103 = arith.addi %multiple_of3A_80, %add3A_102 : i32
          %get3A_104 = arith.index_cast %add3A_103 : i32 to index
          %get3A_105 = tpu.vector_load %arg9[%get3A_104] {strides = array<i32>} : memref<3200xi32, #tpu.memory_space<vmem>>, vector<16xi32>,
          %sub3A_106 = vector.broadcast %mul3A_15 : i32 to vector<16xi32>
          %sub3A_107 = arith.subi %get3A_105, %sub3A_106 : vector<16xi32>
          %bitcast3A_108 = vector.bitcast %sub3A_107 : vector<16xi32> to vector<16xi32>
          %lt3A_109 = arith.constant 112640 : i32
          %lt3A_110 = vector.broadcast %lt3A_109 : i32 to vector<16xi32>
          %lt3A_111 = arith.cmpi ult, %bitcast3A_108, %lt3A_110 : vector<16xi32>
          %get3A_112 = arith.index_cast %add3A_103 : i32 to index
          %get3A_113 = tpu.vector_load %arg10[%get3A_112] {strides = array<i32>} : memref<3200xf32, #tpu.memory_space<vmem>>, vector<16xf32>,
          tpu.vector_store_idx %arg6[%sub3A_107], %get3A_113 masked %lt3A_111 : memref<112640xf32, #tpu.memory_space<vmem>>[vector<16xi32>], vector<16xf32>, vector<16xi1>
          %add3A_114 = arith.constant 48 : i32
          %add3A_115 = arith.addi %multiple_of3A_80, %add3A_114 : i32
          %get3A_116 = arith.index_cast %add3A_115 : i32 to index
          %get3A_117 = tpu.vector_load %arg9[%get3A_116] {strides = array<i32>} : memref<3200xi32, #tpu.memory_space<vmem>>, vector<16xi32>,
          %sub3A_118 = vector.broadcast %mul3A_15 : i32 to vector<16xi32>
          %sub3A_119 = arith.subi %get3A_117, %sub3A_118 : vector<16xi32>
          %bitcast3A_120 = vector.bitcast %sub3A_119 : vector<16xi32> to vector<16xi32>
          %lt3A_121 = arith.constant 112640 : i32
          %lt3A_122 = vector.broadcast %lt3A_121 : i32 to vector<16xi32>
          %lt3A_123 = arith.cmpi ult, %bitcast3A_120, %lt3A_122 : vector<16xi32>
          %get3A_124 = arith.index_cast %add3A_115 : i32 to index
          %get3A_125 = tpu.vector_load %arg10[%get3A_124] {strides = array<i32>} : memref<3200xf32, #tpu.memory_space<vmem>>, vector<16xf32>,
          tpu.vector_store_idx %arg6[%sub3A_119], %get3A_125 masked %lt3A_123 : memref<112640xf32, #tpu.memory_space<vmem>>[vector<16xi32>], vector<16xf32>, vector<16xi1>
          %add3A_126 = arith.constant 64 : i32
          %add3A_127 = arith.addi %multiple_of3A_80, %add3A_126 : i32
          %get3A_128 = arith.index_cast %add3A_127 : i32 to index
          %get3A_129 = tpu.vector_load %arg9[%get3A_128] {strides = array<i32>} : memref<3200xi32, #tpu.memory_space<vmem>>, vector<16xi32>,
          %sub3A_130 = vector.broadcast %mul3A_15 : i32 to vector<16xi32>
          %sub3A_131 = arith.subi %get3A_129, %sub3A_130 : vector<16xi32>
          %bitcast3A_132 = vector.bitcast %sub3A_131 : vector<16xi32> to vector<16xi32>
          %lt3A_133 = arith.constant 112640 : i32
          %lt3A_134 = vector.broadcast %lt3A_133 : i32 to vector<16xi32>
          %lt3A_135 = arith.cmpi ult, %bitcast3A_132, %lt3A_134 : vector<16xi32>
          %get3A_136 = arith.index_cast %add3A_127 : i32 to index
          %get3A_137 = tpu.vector_load %arg10[%get3A_136] {strides = array<i32>} : memref<3200xf32, #tpu.memory_space<vmem>>, vector<16xf32>,
          tpu.vector_store_idx %arg6[%sub3A_131], %get3A_137 masked %lt3A_135 : memref<112640xf32, #tpu.memory_space<vmem>>[vector<16xi32>], vector<16xf32>, vector<16xi1>
          %add3A_138 = arith.constant 80 : i32
          %add3A_139 = arith.addi %multiple_of3A_80, %add3A_138 : i32
          %get3A_140 = arith.index_cast %add3A_139 : i32 to index
          %get3A_141 = tpu.vector_load %arg9[%get3A_140] {strides = array<i32>} : memref<3200xi32, #tpu.memory_space<vmem>>, vector<16xi32>,
          %sub3A_142 = vector.broadcast %mul3A_15 : i32 to vector<16xi32>
          %sub3A_143 = arith.subi %get3A_141, %sub3A_142 : vector<16xi32>
          %bitcast3A_144 = vector.bitcast %sub3A_143 : vector<16xi32> to vector<16xi32>
          %lt3A_145 = arith.constant 112640 : i32
          %lt3A_146 = vector.broadcast %lt3A_145 : i32 to vector<16xi32>
          %lt3A_147 = arith.cmpi ult, %bitcast3A_144, %lt3A_146 : vector<16xi32>
          %get3A_148 = arith.index_cast %add3A_139 : i32 to index
          %get3A_149 = tpu.vector_load %arg10[%get3A_148] {strides = array<i32>} : memref<3200xf32, #tpu.memory_space<vmem>>, vector<16xf32>,
          tpu.vector_store_idx %arg6[%sub3A_143], %get3A_149 masked %lt3A_147 : memref<112640xf32, #tpu.memory_space<vmem>>[vector<16xi32>], vector<16xf32>, vector<16xi1>
          %add3A_150 = arith.constant 96 : i32
          %add3A_151 = arith.addi %multiple_of3A_80, %add3A_150 : i32
          %get3A_152 = arith.index_cast %add3A_151 : i32 to index
          %get3A_153 = tpu.vector_load %arg9[%get3A_152] {strides = array<i32>} : memref<3200xi32, #tpu.memory_space<vmem>>, vector<16xi32>,
          %sub3A_154 = vector.broadcast %mul3A_15 : i32 to vector<16xi32>
          %sub3A_155 = arith.subi %get3A_153, %sub3A_154 : vector<16xi32>
          %bitcast3A_156 = vector.bitcast %sub3A_155 : vector<16xi32> to vector<16xi32>
          %lt3A_157 = arith.constant 112640 : i32
          %lt3A_158 = vector.broadcast %lt3A_157 : i32 to vector<16xi32>
          %lt3A_159 = arith.cmpi ult, %bitcast3A_156, %lt3A_158 : vector<16xi32>
          %get3A_160 = arith.index_cast %add3A_151 : i32 to index
          %get3A_161 = tpu.vector_load %arg10[%get3A_160] {strides = array<i32>} : memref<3200xf32, #tpu.memory_space<vmem>>, vector<16xf32>,
          tpu.vector_store_idx %arg6[%sub3A_155], %get3A_161 masked %lt3A_159 : memref<112640xf32, #tpu.memory_space<vmem>>[vector<16xi32>], vector<16xf32>, vector<16xi1>
          %add3A_162 = arith.constant 112 : i32
          %add3A_163 = arith.addi %multiple_of3A_80, %add3A_162 : i32
          %get3A_164 = arith.index_cast %add3A_163 : i32 to index
          %get3A_165 = tpu.vector_load %arg9[%get3A_164] {strides = array<i32>} : memref<3200xi32, #tpu.memory_space<vmem>>, vector<16xi32>,
          %sub3A_166 = vector.broadcast %mul3A_15 : i32 to vector<16xi32>
          %sub3A_167 = arith.subi %get3A_165, %sub3A_166 : vector<16xi32>
          %bitcast3A_168 = vector.bitcast %sub3A_167 : vector<16xi32> to vector<16xi32>
          %lt3A_169 = arith.constant 112640 : i32
          %lt3A_170 = vector.broadcast %lt3A_169 : i32 to vector<16xi32>
          %lt3A_171 = arith.cmpi ult, %bitcast3A_168, %lt3A_170 : vector<16xi32>
          %get3A_172 = arith.index_cast %add3A_163 : i32 to index
          %get3A_173 = tpu.vector_load %arg10[%get3A_172] {strides = array<i32>} : memref<3200xf32, #tpu.memory_space<vmem>>, vector<16xf32>,
          tpu.vector_store_idx %arg6[%sub3A_167], %get3A_173 masked %lt3A_171 : memref<112640xf32, #tpu.memory_space<vmem>>[vector<16xi32>], vector<16xf32>, vector<16xi1>
        }
        %scan3A_76 = arith.constant 25 : i32
      }
      %scan3A_33 = arith.constant 375 : i32
      "tpu.region"() ({
        %run_scoped3A = tpu.sem_alloc : memref<!tpu.dma_semaphore, #tpu.memory_space<semaphore_mem>>
        %dma_start3A_34 = tpu.memref_slice %arg5[%mul3A_15] : memref<7200000xf32, #tpu.memory_space<hbm>> -> memref<112640xf32, #tpu.memory_space<hbm>>
        %dma_start3A_35 = tpu.memref_slice %arg5[%mul3A_15] : memref<7200000xf32, #tpu.memory_space<hbm>> -> memref<112640xf32, #tpu.memory_space<hbm>>
        tpu.enqueue_dma source(%arg6 : memref<112640xf32, #tpu.memory_space<vmem>>) target(%dma_start3A_35 : memref<112640xf32, #tpu.memory_space<hbm>>) target_semaphore(%run_scoped3A : memref<!tpu.dma_semaphore, #tpu.memory_space<semaphore_mem>>)
        %dma_wait3A = tpu.memref_slice %arg5[%mul3A_15] : memref<7200000xf32, #tpu.memory_space<hbm>> -> memref<112640xf32, #tpu.memory_space<hbm>>
        %dma_wait3A_36 = tpu.memref_slice %arg5[%mul3A_15] : memref<7200000xf32, #tpu.memory_space<hbm>> -> memref<112640xf32, #tpu.memory_space<hbm>>
        tpu.wait_dma2 semaphore(%run_scoped3A : memref<!tpu.dma_semaphore, #tpu.memory_space<semaphore_mem>>) src(%arg6 : memref<112640xf32, #tpu.memory_space<vmem>>) dst(%dma_wait3A_36 : memref<112640xf32, #tpu.memory_space<hbm>>)
        tpu.yield
      }) : () -> ()
    } else {
    }
    %eq3A = arith.constant 31 : i32
    %eq3A_18 = arith.cmpi eq, %add3A, %eq3A : i32
    %convert_element_type3A_19 = arith.extui %eq3A_18 : i1 to i32
    %cond3A_20 = arith.constant 0 : i32
    %cond3A_21 = arith.cmpi ne, %convert_element_type3A_19, %cond3A_20 : i32
    scf.if %cond3A_21 {
      "tpu.region"() ({
        %run_scoped3A = tpu.sem_alloc : memref<!tpu.dma_semaphore, #tpu.memory_space<semaphore_mem>>
        %dma_start3A_34 = arith.constant 0 : i32
        %dma_start3A_35 = tpu.memref_slice %arg6[%dma_start3A_34] : memref<112640xf32, #tpu.memory_space<vmem>> -> memref<103680xf32, #tpu.memory_space<vmem>>
        %dma_start3A_36 = arith.constant 7096320 : i32
        %dma_start3A_37 = tpu.memref_slice %arg2[%dma_start3A_36] : memref<7200000xf32, #tpu.memory_space<hbm>> -> memref<103680xf32, #tpu.memory_space<hbm>>
        %dma_start3A_38 = arith.constant 0 : i32
        %dma_start3A_39 = tpu.memref_slice %arg6[%dma_start3A_38] : memref<112640xf32, #tpu.memory_space<vmem>> -> memref<103680xf32, #tpu.memory_space<vmem>>
        %dma_start3A_40 = arith.constant 7096320 : i32
        %dma_start3A_41 = tpu.memref_slice %arg2[%dma_start3A_40] : memref<7200000xf32, #tpu.memory_space<hbm>> -> memref<103680xf32, #tpu.memory_space<hbm>>
        tpu.enqueue_dma source(%dma_start3A_41 : memref<103680xf32, #tpu.memory_space<hbm>>) target(%dma_start3A_39 : memref<103680xf32, #tpu.memory_space<vmem>>) target_semaphore(%run_scoped3A : memref<!tpu.dma_semaphore, #tpu.memory_space<semaphore_mem>>)
        %dma_wait3A = arith.constant 0 : i32
        %dma_wait3A_42 = tpu.memref_slice %arg6[%dma_wait3A] : memref<112640xf32, #tpu.memory_space<vmem>> -> memref<103680xf32, #tpu.memory_space<vmem>>
        %dma_wait3A_43 = arith.constant 7096320 : i32
        %dma_wait3A_44 = tpu.memref_slice %arg2[%dma_wait3A_43] : memref<7200000xf32, #tpu.memory_space<hbm>> -> memref<103680xf32, #tpu.memory_space<hbm>>
        %dma_wait3A_45 = arith.constant 0 : i32
        %dma_wait3A_46 = tpu.memref_slice %arg6[%dma_wait3A_45] : memref<112640xf32, #tpu.memory_space<vmem>> -> memref<103680xf32, #tpu.memory_space<vmem>>
        %dma_wait3A_47 = arith.constant 7096320 : i32
        %dma_wait3A_48 = tpu.memref_slice %arg2[%dma_wait3A_47] : memref<7200000xf32, #tpu.memory_space<hbm>> -> memref<103680xf32, #tpu.memory_space<hbm>>
        tpu.wait_dma2 semaphore(%run_scoped3A : memref<!tpu.dma_semaphore, #tpu.memory_space<semaphore_mem>>) src(%dma_wait3A_48 : memref<103680xf32, #tpu.memory_space<hbm>>) dst(%dma_wait3A_46 : memref<103680xf32, #tpu.memory_space<vmem>>)
        tpu.yield
      }) : () -> ()
      %multiple_of3A_22 = arith.constant 0 : i32
      %multiple_of3A_23 = tpu.assume_multiple %multiple_of3A_22, 3200 : i32
      %dma_start3A_24 = tpu.memref_slice %arg3[%multiple_of3A_23] : memref<2400000xi32, #tpu.memory_space<hbm>> -> memref<3200xi32, #tpu.memory_space<hbm>>
      %dma_start3A_25 = tpu.memref_slice %arg3[%multiple_of3A_23] : memref<2400000xi32, #tpu.memory_space<hbm>> -> memref<3200xi32, #tpu.memory_space<hbm>>
      tpu.enqueue_dma source(%dma_start3A_25 : memref<3200xi32, #tpu.memory_space<hbm>>) target(%arg7 : memref<3200xi32, #tpu.memory_space<vmem>>) target_semaphore(%arg11 : memref<!tpu.dma_semaphore, #tpu.memory_space<semaphore_mem>>)
      %dma_start3A_26 = tpu.memref_slice %arg4[%multiple_of3A_23] : memref<2400000xf32, #tpu.memory_space<hbm>> -> memref<3200xf32, #tpu.memory_space<hbm>>
      %dma_start3A_27 = tpu.memref_slice %arg4[%multiple_of3A_23] : memref<2400000xf32, #tpu.memory_space<hbm>> -> memref<3200xf32, #tpu.memory_space<hbm>>
      tpu.enqueue_dma source(%dma_start3A_27 : memref<3200xf32, #tpu.memory_space<hbm>>) target(%arg8 : memref<3200xf32, #tpu.memory_space<vmem>>) target_semaphore(%arg12 : memref<!tpu.dma_semaphore, #tpu.memory_space<semaphore_mem>>)
      %scan3A_28 = arith.constant 0 : i32
      %scan3A_29 = arith.constant 0 : i32
      %scan3A_30 = arith.constant 375 : i32
      %scan3A_31 = arith.addi %scan3A_29, %scan3A_30 : i32
      %scan3A_32 = arith.constant 1 : i32
      scf.for %scan3A_34 = %scan3A_29 to %scan3A_31 step %scan3A_32  : i32 {
        %mul3A_35 = arith.constant 2 : i32
        %mul3A_36 = arith.muli %scan3A_34, %mul3A_35 : i32
        %mul3A_37 = arith.constant 3200 : i32
        %mul3A_38 = arith.muli %mul3A_36, %mul3A_37 : i32
        %multiple_of3A_39 = tpu.assume_multiple %mul3A_38, 3200 : i32
        %dma_wait3A = tpu.memref_slice %arg3[%multiple_of3A_39] : memref<2400000xi32, #tpu.memory_space<hbm>> -> memref<3200xi32, #tpu.memory_space<hbm>>
        %dma_wait3A_40 = tpu.memref_slice %arg3[%multiple_of3A_39] : memref<2400000xi32, #tpu.memory_space<hbm>> -> memref<3200xi32, #tpu.memory_space<hbm>>
        tpu.wait_dma2 semaphore(%arg11 : memref<!tpu.dma_semaphore, #tpu.memory_space<semaphore_mem>>) src(%dma_wait3A_40 : memref<3200xi32, #tpu.memory_space<hbm>>) dst(%arg7 : memref<3200xi32, #tpu.memory_space<vmem>>)
        %dma_wait3A_41 = tpu.memref_slice %arg4[%multiple_of3A_39] : memref<2400000xf32, #tpu.memory_space<hbm>> -> memref<3200xf32, #tpu.memory_space<hbm>>
        %dma_wait3A_42 = tpu.memref_slice %arg4[%multiple_of3A_39] : memref<2400000xf32, #tpu.memory_space<hbm>> -> memref<3200xf32, #tpu.memory_space<hbm>>
        tpu.wait_dma2 semaphore(%arg12 : memref<!tpu.dma_semaphore, #tpu.memory_space<semaphore_mem>>) src(%dma_wait3A_42 : memref<3200xf32, #tpu.memory_space<hbm>>) dst(%arg8 : memref<3200xf32, #tpu.memory_space<vmem>>)
        %add3A_43 = arith.constant 1 : i32
        %add3A_44 = arith.addi %mul3A_36, %add3A_43 : i32
        %mul3A_45 = arith.constant 3200 : i32
        %mul3A_46 = arith.muli %add3A_44, %mul3A_45 : i32
        %multiple_of3A_47 = tpu.assume_multiple %mul3A_46, 3200 : i32
        %dma_start3A_48 = tpu.memref_slice %arg3[%multiple_of3A_47] : memref<2400000xi32, #tpu.memory_space<hbm>> -> memref<3200xi32, #tpu.memory_space<hbm>>
        %dma_start3A_49 = tpu.memref_slice %arg3[%multiple_of3A_47] : memref<2400000xi32, #tpu.memory_space<hbm>> -> memref<3200xi32, #tpu.memory_space<hbm>>
        tpu.enqueue_dma source(%dma_start3A_49 : memref<3200xi32, #tpu.memory_space<hbm>>) target(%arg9 : memref<3200xi32, #tpu.memory_space<vmem>>) target_semaphore(%arg13 : memref<!tpu.dma_semaphore, #tpu.memory_space<semaphore_mem>>)
        %dma_start3A_50 = tpu.memref_slice %arg4[%multiple_of3A_47] : memref<2400000xf32, #tpu.memory_space<hbm>> -> memref<3200xf32, #tpu.memory_space<hbm>>
        %dma_start3A_51 = tpu.memref_slice %arg4[%multiple_of3A_47] : memref<2400000xf32, #tpu.memory_space<hbm>> -> memref<3200xf32, #tpu.memory_space<hbm>>
        tpu.enqueue_dma source(%dma_start3A_51 : memref<3200xf32, #tpu.memory_space<hbm>>) target(%arg10 : memref<3200xf32, #tpu.memory_space<vmem>>) target_semaphore(%arg14 : memref<!tpu.dma_semaphore, #tpu.memory_space<semaphore_mem>>)
        %scan3A_52 = arith.constant 0 : i32
        %scan3A_53 = arith.constant 0 : i32
        %scan3A_54 = arith.constant 25 : i32
        %scan3A_55 = arith.addi %scan3A_53, %scan3A_54 : i32
        %scan3A_56 = arith.constant 1 : i32
        scf.for %scan3A_77 = %scan3A_53 to %scan3A_55 step %scan3A_56  : i32 {
          %mul3A_78 = arith.constant 128 : i32
          %mul3A_79 = arith.muli %scan3A_77, %mul3A_78 : i32
          %multiple_of3A_80 = tpu.assume_multiple %mul3A_79, 128 : i32
          %add3A_81 = arith.constant 0 : i32
          %add3A_82 = arith.addi %multiple_of3A_80, %add3A_81 : i32
          %get3A = arith.index_cast %add3A_82 : i32 to index
          %get3A_83 = tpu.vector_load %arg7[%get3A] {strides = array<i32>} : memref<3200xi32, #tpu.memory_space<vmem>>, vector<16xi32>,
          %sub3A = vector.broadcast %mul3A_15 : i32 to vector<16xi32>
          %sub3A_84 = arith.subi %get3A_83, %sub3A : vector<16xi32>
          %bitcast3A = vector.bitcast %sub3A_84 : vector<16xi32> to vector<16xi32>
          %lt3A_85 = arith.constant 112640 : i32
          %lt3A_86 = vector.broadcast %lt3A_85 : i32 to vector<16xi32>
          %lt3A_87 = arith.cmpi ult, %bitcast3A, %lt3A_86 : vector<16xi32>
          %get3A_88 = arith.index_cast %add3A_82 : i32 to index
          %get3A_89 = tpu.vector_load %arg8[%get3A_88] {strides = array<i32>} : memref<3200xf32, #tpu.memory_space<vmem>>, vector<16xf32>,
          tpu.vector_store_idx %arg6[%sub3A_84], %get3A_89 masked %lt3A_87 : memref<112640xf32, #tpu.memory_space<vmem>>[vector<16xi32>], vector<16xf32>, vector<16xi1>
          %add3A_90 = arith.constant 16 : i32
          %add3A_91 = arith.addi %multiple_of3A_80, %add3A_90 : i32
          %get3A_92 = arith.index_cast %add3A_91 : i32 to index
          %get3A_93 = tpu.vector_load %arg7[%get3A_92] {strides = array<i32>} : memref<3200xi32, #tpu.memory_space<vmem>>, vector<16xi32>,
          %sub3A_94 = vector.broadcast %mul3A_15 : i32 to vector<16xi32>
          %sub3A_95 = arith.subi %get3A_93, %sub3A_94 : vector<16xi32>
          %bitcast3A_96 = vector.bitcast %sub3A_95 : vector<16xi32> to vector<16xi32>
          %lt3A_97 = arith.constant 112640 : i32
          %lt3A_98 = vector.broadcast %lt3A_97 : i32 to vector<16xi32>
          %lt3A_99 = arith.cmpi ult, %bitcast3A_96, %lt3A_98 : vector<16xi32>
          %get3A_100 = arith.index_cast %add3A_91 : i32 to index
          %get3A_101 = tpu.vector_load %arg8[%get3A_100] {strides = array<i32>} : memref<3200xf32, #tpu.memory_space<vmem>>, vector<16xf32>,
          tpu.vector_store_idx %arg6[%sub3A_95], %get3A_101 masked %lt3A_99 : memref<112640xf32, #tpu.memory_space<vmem>>[vector<16xi32>], vector<16xf32>, vector<16xi1>
          %add3A_102 = arith.constant 32 : i32
          %add3A_103 = arith.addi %multiple_of3A_80, %add3A_102 : i32
          %get3A_104 = arith.index_cast %add3A_103 : i32 to index
          %get3A_105 = tpu.vector_load %arg7[%get3A_104] {strides = array<i32>} : memref<3200xi32, #tpu.memory_space<vmem>>, vector<16xi32>,
          %sub3A_106 = vector.broadcast %mul3A_15 : i32 to vector<16xi32>
          %sub3A_107 = arith.subi %get3A_105, %sub3A_106 : vector<16xi32>
          %bitcast3A_108 = vector.bitcast %sub3A_107 : vector<16xi32> to vector<16xi32>
          %lt3A_109 = arith.constant 112640 : i32
          %lt3A_110 = vector.broadcast %lt3A_109 : i32 to vector<16xi32>
          %lt3A_111 = arith.cmpi ult, %bitcast3A_108, %lt3A_110 : vector<16xi32>
          %get3A_112 = arith.index_cast %add3A_103 : i32 to index
          %get3A_113 = tpu.vector_load %arg8[%get3A_112] {strides = array<i32>} : memref<3200xf32, #tpu.memory_space<vmem>>, vector<16xf32>,
          tpu.vector_store_idx %arg6[%sub3A_107], %get3A_113 masked %lt3A_111 : memref<112640xf32, #tpu.memory_space<vmem>>[vector<16xi32>], vector<16xf32>, vector<16xi1>
          %add3A_114 = arith.constant 48 : i32
          %add3A_115 = arith.addi %multiple_of3A_80, %add3A_114 : i32
          %get3A_116 = arith.index_cast %add3A_115 : i32 to index
          %get3A_117 = tpu.vector_load %arg7[%get3A_116] {strides = array<i32>} : memref<3200xi32, #tpu.memory_space<vmem>>, vector<16xi32>,
          %sub3A_118 = vector.broadcast %mul3A_15 : i32 to vector<16xi32>
          %sub3A_119 = arith.subi %get3A_117, %sub3A_118 : vector<16xi32>
          %bitcast3A_120 = vector.bitcast %sub3A_119 : vector<16xi32> to vector<16xi32>
          %lt3A_121 = arith.constant 112640 : i32
          %lt3A_122 = vector.broadcast %lt3A_121 : i32 to vector<16xi32>
          %lt3A_123 = arith.cmpi ult, %bitcast3A_120, %lt3A_122 : vector<16xi32>
          %get3A_124 = arith.index_cast %add3A_115 : i32 to index
          %get3A_125 = tpu.vector_load %arg8[%get3A_124] {strides = array<i32>} : memref<3200xf32, #tpu.memory_space<vmem>>, vector<16xf32>,
          tpu.vector_store_idx %arg6[%sub3A_119], %get3A_125 masked %lt3A_123 : memref<112640xf32, #tpu.memory_space<vmem>>[vector<16xi32>], vector<16xf32>, vector<16xi1>
          %add3A_126 = arith.constant 64 : i32
          %add3A_127 = arith.addi %multiple_of3A_80, %add3A_126 : i32
          %get3A_128 = arith.index_cast %add3A_127 : i32 to index
          %get3A_129 = tpu.vector_load %arg7[%get3A_128] {strides = array<i32>} : memref<3200xi32, #tpu.memory_space<vmem>>, vector<16xi32>,
          %sub3A_130 = vector.broadcast %mul3A_15 : i32 to vector<16xi32>
          %sub3A_131 = arith.subi %get3A_129, %sub3A_130 : vector<16xi32>
          %bitcast3A_132 = vector.bitcast %sub3A_131 : vector<16xi32> to vector<16xi32>
          %lt3A_133 = arith.constant 112640 : i32
          %lt3A_134 = vector.broadcast %lt3A_133 : i32 to vector<16xi32>
          %lt3A_135 = arith.cmpi ult, %bitcast3A_132, %lt3A_134 : vector<16xi32>
          %get3A_136 = arith.index_cast %add3A_127 : i32 to index
          %get3A_137 = tpu.vector_load %arg8[%get3A_136] {strides = array<i32>} : memref<3200xf32, #tpu.memory_space<vmem>>, vector<16xf32>,
          tpu.vector_store_idx %arg6[%sub3A_131], %get3A_137 masked %lt3A_135 : memref<112640xf32, #tpu.memory_space<vmem>>[vector<16xi32>], vector<16xf32>, vector<16xi1>
          %add3A_138 = arith.constant 80 : i32
          %add3A_139 = arith.addi %multiple_of3A_80, %add3A_138 : i32
          %get3A_140 = arith.index_cast %add3A_139 : i32 to index
          %get3A_141 = tpu.vector_load %arg7[%get3A_140] {strides = array<i32>} : memref<3200xi32, #tpu.memory_space<vmem>>, vector<16xi32>,
          %sub3A_142 = vector.broadcast %mul3A_15 : i32 to vector<16xi32>
          %sub3A_143 = arith.subi %get3A_141, %sub3A_142 : vector<16xi32>
          %bitcast3A_144 = vector.bitcast %sub3A_143 : vector<16xi32> to vector<16xi32>
          %lt3A_145 = arith.constant 112640 : i32
          %lt3A_146 = vector.broadcast %lt3A_145 : i32 to vector<16xi32>
          %lt3A_147 = arith.cmpi ult, %bitcast3A_144, %lt3A_146 : vector<16xi32>
          %get3A_148 = arith.index_cast %add3A_139 : i32 to index
          %get3A_149 = tpu.vector_load %arg8[%get3A_148] {strides = array<i32>} : memref<3200xf32, #tpu.memory_space<vmem>>, vector<16xf32>,
          tpu.vector_store_idx %arg6[%sub3A_143], %get3A_149 masked %lt3A_147 : memref<112640xf32, #tpu.memory_space<vmem>>[vector<16xi32>], vector<16xf32>, vector<16xi1>
          %add3A_150 = arith.constant 96 : i32
          %add3A_151 = arith.addi %multiple_of3A_80, %add3A_150 : i32
          %get3A_152 = arith.index_cast %add3A_151 : i32 to index
          %get3A_153 = tpu.vector_load %arg7[%get3A_152] {strides = array<i32>} : memref<3200xi32, #tpu.memory_space<vmem>>, vector<16xi32>,
          %sub3A_154 = vector.broadcast %mul3A_15 : i32 to vector<16xi32>
          %sub3A_155 = arith.subi %get3A_153, %sub3A_154 : vector<16xi32>
          %bitcast3A_156 = vector.bitcast %sub3A_155 : vector<16xi32> to vector<16xi32>
          %lt3A_157 = arith.constant 112640 : i32
          %lt3A_158 = vector.broadcast %lt3A_157 : i32 to vector<16xi32>
          %lt3A_159 = arith.cmpi ult, %bitcast3A_156, %lt3A_158 : vector<16xi32>
          %get3A_160 = arith.index_cast %add3A_151 : i32 to index
          %get3A_161 = tpu.vector_load %arg8[%get3A_160] {strides = array<i32>} : memref<3200xf32, #tpu.memory_space<vmem>>, vector<16xf32>,
          tpu.vector_store_idx %arg6[%sub3A_155], %get3A_161 masked %lt3A_159 : memref<112640xf32, #tpu.memory_space<vmem>>[vector<16xi32>], vector<16xf32>, vector<16xi1>
          %add3A_162 = arith.constant 112 : i32
          %add3A_163 = arith.addi %multiple_of3A_80, %add3A_162 : i32
          %get3A_164 = arith.index_cast %add3A_163 : i32 to index
          %get3A_165 = tpu.vector_load %arg7[%get3A_164] {strides = array<i32>} : memref<3200xi32, #tpu.memory_space<vmem>>, vector<16xi32>,
          %sub3A_166 = vector.broadcast %mul3A_15 : i32 to vector<16xi32>
          %sub3A_167 = arith.subi %get3A_165, %sub3A_166 : vector<16xi32>
          %bitcast3A_168 = vector.bitcast %sub3A_167 : vector<16xi32> to vector<16xi32>
          %lt3A_169 = arith.constant 112640 : i32
          %lt3A_170 = vector.broadcast %lt3A_169 : i32 to vector<16xi32>
          %lt3A_171 = arith.cmpi ult, %bitcast3A_168, %lt3A_170 : vector<16xi32>
          %get3A_172 = arith.index_cast %add3A_163 : i32 to index
          %get3A_173 = tpu.vector_load %arg8[%get3A_172] {strides = array<i32>} : memref<3200xf32, #tpu.memory_space<vmem>>, vector<16xf32>,
          tpu.vector_store_idx %arg6[%sub3A_167], %get3A_173 masked %lt3A_171 : memref<112640xf32, #tpu.memory_space<vmem>>[vector<16xi32>], vector<16xf32>, vector<16xi1>
        }
        %scan3A_57 = arith.constant 25 : i32
        %add3A_58 = arith.constant 1 : i32
        %add3A_59 = arith.addi %mul3A_36, %add3A_58 : i32
        %mul3A_60 = arith.constant 3200 : i32
        %mul3A_61 = arith.muli %add3A_59, %mul3A_60 : i32
        %multiple_of3A_62 = tpu.assume_multiple %mul3A_61, 3200 : i32
        %dma_wait3A_63 = tpu.memref_slice %arg3[%multiple_of3A_62] : memref<2400000xi32, #tpu.memory_space<hbm>> -> memref<3200xi32, #tpu.memory_space<hbm>>
        %dma_wait3A_64 = tpu.memref_slice %arg3[%multiple_of3A_62] : memref<2400000xi32, #tpu.memory_space<hbm>> -> memref<3200xi32, #tpu.memory_space<hbm>>
        tpu.wait_dma2 semaphore(%arg13 : memref<!tpu.dma_semaphore, #tpu.memory_space<semaphore_mem>>) src(%dma_wait3A_64 : memref<3200xi32, #tpu.memory_space<hbm>>) dst(%arg9 : memref<3200xi32, #tpu.memory_space<vmem>>)
        %dma_wait3A_65 = tpu.memref_slice %arg4[%multiple_of3A_62] : memref<2400000xf32, #tpu.memory_space<hbm>> -> memref<3200xf32, #tpu.memory_space<hbm>>
        %dma_wait3A_66 = tpu.memref_slice %arg4[%multiple_of3A_62] : memref<2400000xf32, #tpu.memory_space<hbm>> -> memref<3200xf32, #tpu.memory_space<hbm>>
        tpu.wait_dma2 semaphore(%arg14 : memref<!tpu.dma_semaphore, #tpu.memory_space<semaphore_mem>>) src(%dma_wait3A_66 : memref<3200xf32, #tpu.memory_space<hbm>>) dst(%arg10 : memref<3200xf32, #tpu.memory_space<vmem>>)
        %lt3A = arith.constant 374 : i32
        %lt3A_67 = arith.cmpi slt, %scan3A_34, %lt3A : i32
        %convert_element_type3A_68 = arith.extui %lt3A_67 : i1 to i32
        %cond3A_69 = arith.constant 0 : i32
        %cond3A_70 = arith.cmpi ne, %convert_element_type3A_68, %cond3A_69 : i32
        scf.if %cond3A_70 {
          %add3A_77 = arith.constant 2 : i32
          %add3A_78 = arith.addi %mul3A_36, %add3A_77 : i32
          %mul3A_79 = arith.constant 3200 : i32
          %mul3A_80 = arith.muli %add3A_78, %mul3A_79 : i32
          %multiple_of3A_81 = tpu.assume_multiple %mul3A_80, 3200 : i32
          %dma_start3A_82 = tpu.memref_slice %arg3[%multiple_of3A_81] : memref<2400000xi32, #tpu.memory_space<hbm>> -> memref<3200xi32, #tpu.memory_space<hbm>>
          %dma_start3A_83 = tpu.memref_slice %arg3[%multiple_of3A_81] : memref<2400000xi32, #tpu.memory_space<hbm>> -> memref<3200xi32, #tpu.memory_space<hbm>>
          tpu.enqueue_dma source(%dma_start3A_83 : memref<3200xi32, #tpu.memory_space<hbm>>) target(%arg7 : memref<3200xi32, #tpu.memory_space<vmem>>) target_semaphore(%arg11 : memref<!tpu.dma_semaphore, #tpu.memory_space<semaphore_mem>>)
          %dma_start3A_84 = tpu.memref_slice %arg4[%multiple_of3A_81] : memref<2400000xf32, #tpu.memory_space<hbm>> -> memref<3200xf32, #tpu.memory_space<hbm>>
          %dma_start3A_85 = tpu.memref_slice %arg4[%multiple_of3A_81] : memref<2400000xf32, #tpu.memory_space<hbm>> -> memref<3200xf32, #tpu.memory_space<hbm>>
          tpu.enqueue_dma source(%dma_start3A_85 : memref<3200xf32, #tpu.memory_space<hbm>>) target(%arg8 : memref<3200xf32, #tpu.memory_space<vmem>>) target_semaphore(%arg12 : memref<!tpu.dma_semaphore, #tpu.memory_space<semaphore_mem>>)
        } else {
        }
        %scan3A_71 = arith.constant 0 : i32
        %scan3A_72 = arith.constant 0 : i32
        %scan3A_73 = arith.constant 25 : i32
        %scan3A_74 = arith.addi %scan3A_72, %scan3A_73 : i32
        %scan3A_75 = arith.constant 1 : i32
        scf.for %scan3A_77 = %scan3A_72 to %scan3A_74 step %scan3A_75  : i32 {
          %mul3A_78 = arith.constant 128 : i32
          %mul3A_79 = arith.muli %scan3A_77, %mul3A_78 : i32
          %multiple_of3A_80 = tpu.assume_multiple %mul3A_79, 128 : i32
          %add3A_81 = arith.constant 0 : i32
          %add3A_82 = arith.addi %multiple_of3A_80, %add3A_81 : i32
          %get3A = arith.index_cast %add3A_82 : i32 to index
          %get3A_83 = tpu.vector_load %arg9[%get3A] {strides = array<i32>} : memref<3200xi32, #tpu.memory_space<vmem>>, vector<16xi32>,
          %sub3A = vector.broadcast %mul3A_15 : i32 to vector<16xi32>
          %sub3A_84 = arith.subi %get3A_83, %sub3A : vector<16xi32>
          %bitcast3A = vector.bitcast %sub3A_84 : vector<16xi32> to vector<16xi32>
          %lt3A_85 = arith.constant 112640 : i32
          %lt3A_86 = vector.broadcast %lt3A_85 : i32 to vector<16xi32>
          %lt3A_87 = arith.cmpi ult, %bitcast3A, %lt3A_86 : vector<16xi32>
          %get3A_88 = arith.index_cast %add3A_82 : i32 to index
          %get3A_89 = tpu.vector_load %arg10[%get3A_88] {strides = array<i32>} : memref<3200xf32, #tpu.memory_space<vmem>>, vector<16xf32>,
          tpu.vector_store_idx %arg6[%sub3A_84], %get3A_89 masked %lt3A_87 : memref<112640xf32, #tpu.memory_space<vmem>>[vector<16xi32>], vector<16xf32>, vector<16xi1>
          %add3A_90 = arith.constant 16 : i32
          %add3A_91 = arith.addi %multiple_of3A_80, %add3A_90 : i32
          %get3A_92 = arith.index_cast %add3A_91 : i32 to index
          %get3A_93 = tpu.vector_load %arg9[%get3A_92] {strides = array<i32>} : memref<3200xi32, #tpu.memory_space<vmem>>, vector<16xi32>,
          %sub3A_94 = vector.broadcast %mul3A_15 : i32 to vector<16xi32>
          %sub3A_95 = arith.subi %get3A_93, %sub3A_94 : vector<16xi32>
          %bitcast3A_96 = vector.bitcast %sub3A_95 : vector<16xi32> to vector<16xi32>
          %lt3A_97 = arith.constant 112640 : i32
          %lt3A_98 = vector.broadcast %lt3A_97 : i32 to vector<16xi32>
          %lt3A_99 = arith.cmpi ult, %bitcast3A_96, %lt3A_98 : vector<16xi32>
          %get3A_100 = arith.index_cast %add3A_91 : i32 to index
          %get3A_101 = tpu.vector_load %arg10[%get3A_100] {strides = array<i32>} : memref<3200xf32, #tpu.memory_space<vmem>>, vector<16xf32>,
          tpu.vector_store_idx %arg6[%sub3A_95], %get3A_101 masked %lt3A_99 : memref<112640xf32, #tpu.memory_space<vmem>>[vector<16xi32>], vector<16xf32>, vector<16xi1>
          %add3A_102 = arith.constant 32 : i32
          %add3A_103 = arith.addi %multiple_of3A_80, %add3A_102 : i32
          %get3A_104 = arith.index_cast %add3A_103 : i32 to index
          %get3A_105 = tpu.vector_load %arg9[%get3A_104] {strides = array<i32>} : memref<3200xi32, #tpu.memory_space<vmem>>, vector<16xi32>,
          %sub3A_106 = vector.broadcast %mul3A_15 : i32 to vector<16xi32>
          %sub3A_107 = arith.subi %get3A_105, %sub3A_106 : vector<16xi32>
          %bitcast3A_108 = vector.bitcast %sub3A_107 : vector<16xi32> to vector<16xi32>
          %lt3A_109 = arith.constant 112640 : i32
          %lt3A_110 = vector.broadcast %lt3A_109 : i32 to vector<16xi32>
          %lt3A_111 = arith.cmpi ult, %bitcast3A_108, %lt3A_110 : vector<16xi32>
          %get3A_112 = arith.index_cast %add3A_103 : i32 to index
          %get3A_113 = tpu.vector_load %arg10[%get3A_112] {strides = array<i32>} : memref<3200xf32, #tpu.memory_space<vmem>>, vector<16xf32>,
          tpu.vector_store_idx %arg6[%sub3A_107], %get3A_113 masked %lt3A_111 : memref<112640xf32, #tpu.memory_space<vmem>>[vector<16xi32>], vector<16xf32>, vector<16xi1>
          %add3A_114 = arith.constant 48 : i32
          %add3A_115 = arith.addi %multiple_of3A_80, %add3A_114 : i32
          %get3A_116 = arith.index_cast %add3A_115 : i32 to index
          %get3A_117 = tpu.vector_load %arg9[%get3A_116] {strides = array<i32>} : memref<3200xi32, #tpu.memory_space<vmem>>, vector<16xi32>,
          %sub3A_118 = vector.broadcast %mul3A_15 : i32 to vector<16xi32>
          %sub3A_119 = arith.subi %get3A_117, %sub3A_118 : vector<16xi32>
          %bitcast3A_120 = vector.bitcast %sub3A_119 : vector<16xi32> to vector<16xi32>
          %lt3A_121 = arith.constant 112640 : i32
          %lt3A_122 = vector.broadcast %lt3A_121 : i32 to vector<16xi32>
          %lt3A_123 = arith.cmpi ult, %bitcast3A_120, %lt3A_122 : vector<16xi32>
          %get3A_124 = arith.index_cast %add3A_115 : i32 to index
          %get3A_125 = tpu.vector_load %arg10[%get3A_124] {strides = array<i32>} : memref<3200xf32, #tpu.memory_space<vmem>>, vector<16xf32>,
          tpu.vector_store_idx %arg6[%sub3A_119], %get3A_125 masked %lt3A_123 : memref<112640xf32, #tpu.memory_space<vmem>>[vector<16xi32>], vector<16xf32>, vector<16xi1>
          %add3A_126 = arith.constant 64 : i32
          %add3A_127 = arith.addi %multiple_of3A_80, %add3A_126 : i32
          %get3A_128 = arith.index_cast %add3A_127 : i32 to index
          %get3A_129 = tpu.vector_load %arg9[%get3A_128] {strides = array<i32>} : memref<3200xi32, #tpu.memory_space<vmem>>, vector<16xi32>,
          %sub3A_130 = vector.broadcast %mul3A_15 : i32 to vector<16xi32>
          %sub3A_131 = arith.subi %get3A_129, %sub3A_130 : vector<16xi32>
          %bitcast3A_132 = vector.bitcast %sub3A_131 : vector<16xi32> to vector<16xi32>
          %lt3A_133 = arith.constant 112640 : i32
          %lt3A_134 = vector.broadcast %lt3A_133 : i32 to vector<16xi32>
          %lt3A_135 = arith.cmpi ult, %bitcast3A_132, %lt3A_134 : vector<16xi32>
          %get3A_136 = arith.index_cast %add3A_127 : i32 to index
          %get3A_137 = tpu.vector_load %arg10[%get3A_136] {strides = array<i32>} : memref<3200xf32, #tpu.memory_space<vmem>>, vector<16xf32>,
          tpu.vector_store_idx %arg6[%sub3A_131], %get3A_137 masked %lt3A_135 : memref<112640xf32, #tpu.memory_space<vmem>>[vector<16xi32>], vector<16xf32>, vector<16xi1>
          %add3A_138 = arith.constant 80 : i32
          %add3A_139 = arith.addi %multiple_of3A_80, %add3A_138 : i32
          %get3A_140 = arith.index_cast %add3A_139 : i32 to index
          %get3A_141 = tpu.vector_load %arg9[%get3A_140] {strides = array<i32>} : memref<3200xi32, #tpu.memory_space<vmem>>, vector<16xi32>,
          %sub3A_142 = vector.broadcast %mul3A_15 : i32 to vector<16xi32>
          %sub3A_143 = arith.subi %get3A_141, %sub3A_142 : vector<16xi32>
          %bitcast3A_144 = vector.bitcast %sub3A_143 : vector<16xi32> to vector<16xi32>
          %lt3A_145 = arith.constant 112640 : i32
          %lt3A_146 = vector.broadcast %lt3A_145 : i32 to vector<16xi32>
          %lt3A_147 = arith.cmpi ult, %bitcast3A_144, %lt3A_146 : vector<16xi32>
          %get3A_148 = arith.index_cast %add3A_139 : i32 to index
          %get3A_149 = tpu.vector_load %arg10[%get3A_148] {strides = array<i32>} : memref<3200xf32, #tpu.memory_space<vmem>>, vector<16xf32>,
          tpu.vector_store_idx %arg6[%sub3A_143], %get3A_149 masked %lt3A_147 : memref<112640xf32, #tpu.memory_space<vmem>>[vector<16xi32>], vector<16xf32>, vector<16xi1>
          %add3A_150 = arith.constant 96 : i32
          %add3A_151 = arith.addi %multiple_of3A_80, %add3A_150 : i32
          %get3A_152 = arith.index_cast %add3A_151 : i32 to index
          %get3A_153 = tpu.vector_load %arg9[%get3A_152] {strides = array<i32>} : memref<3200xi32, #tpu.memory_space<vmem>>, vector<16xi32>,
          %sub3A_154 = vector.broadcast %mul3A_15 : i32 to vector<16xi32>
          %sub3A_155 = arith.subi %get3A_153, %sub3A_154 : vector<16xi32>
          %bitcast3A_156 = vector.bitcast %sub3A_155 : vector<16xi32> to vector<16xi32>
          %lt3A_157 = arith.constant 112640 : i32
          %lt3A_158 = vector.broadcast %lt3A_157 : i32 to vector<16xi32>
          %lt3A_159 = arith.cmpi ult, %bitcast3A_156, %lt3A_158 : vector<16xi32>
          %get3A_160 = arith.index_cast %add3A_151 : i32 to index
          %get3A_161 = tpu.vector_load %arg10[%get3A_160] {strides = array<i32>} : memref<3200xf32, #tpu.memory_space<vmem>>, vector<16xf32>,
          tpu.vector_store_idx %arg6[%sub3A_155], %get3A_161 masked %lt3A_159 : memref<112640xf32, #tpu.memory_space<vmem>>[vector<16xi32>], vector<16xf32>, vector<16xi1>
          %add3A_162 = arith.constant 112 : i32
          %add3A_163 = arith.addi %multiple_of3A_80, %add3A_162 : i32
          %get3A_164 = arith.index_cast %add3A_163 : i32 to index
          %get3A_165 = tpu.vector_load %arg9[%get3A_164] {strides = array<i32>} : memref<3200xi32, #tpu.memory_space<vmem>>, vector<16xi32>,
          %sub3A_166 = vector.broadcast %mul3A_15 : i32 to vector<16xi32>
          %sub3A_167 = arith.subi %get3A_165, %sub3A_166 : vector<16xi32>
          %bitcast3A_168 = vector.bitcast %sub3A_167 : vector<16xi32> to vector<16xi32>
          %lt3A_169 = arith.constant 112640 : i32
          %lt3A_170 = vector.broadcast %lt3A_169 : i32 to vector<16xi32>
          %lt3A_171 = arith.cmpi ult, %bitcast3A_168, %lt3A_170 : vector<16xi32>
          %get3A_172 = arith.index_cast %add3A_163 : i32 to index
          %get3A_173 = tpu.vector_load %arg10[%get3A_172] {strides = array<i32>} : memref<3200xf32, #tpu.memory_space<vmem>>, vector<16xf32>,
          tpu.vector_store_idx %arg6[%sub3A_167], %get3A_173 masked %lt3A_171 : memref<112640xf32, #tpu.memory_space<vmem>>[vector<16xi32>], vector<16xf32>, vector<16xi1>
        }
        %scan3A_76 = arith.constant 25 : i32
      }
      %scan3A_33 = arith.constant 375 : i32
      "tpu.region"() ({
        %run_scoped3A = tpu.sem_alloc : memref<!tpu.dma_semaphore, #tpu.memory_space<semaphore_mem>>
        %dma_start3A_34 = arith.constant 0 : i32
        %dma_start3A_35 = tpu.memref_slice %arg6[%dma_start3A_34] : memref<112640xf32, #tpu.memory_space<vmem>> -> memref<103680xf32, #tpu.memory_space<vmem>>
        %dma_start3A_36 = arith.constant 7096320 : i32
        %dma_start3A_37 = tpu.memref_slice %arg5[%dma_start3A_36] : memref<7200000xf32, #tpu.memory_space<hbm>> -> memref<103680xf32, #tpu.memory_space<hbm>>
        %dma_start3A_38 = arith.constant 7096320 : i32
        %dma_start3A_39 = tpu.memref_slice %arg5[%dma_start3A_38] : memref<7200000xf32, #tpu.memory_space<hbm>> -> memref<103680xf32, #tpu.memory_space<hbm>>
        %dma_start3A_40 = arith.constant 0 : i32
        %dma_start3A_41 = tpu.memref_slice %arg6[%dma_start3A_40] : memref<112640xf32, #tpu.memory_space<vmem>> -> memref<103680xf32, #tpu.memory_space<vmem>>
        tpu.enqueue_dma source(%dma_start3A_41 : memref<103680xf32, #tpu.memory_space<vmem>>) target(%dma_start3A_39 : memref<103680xf32, #tpu.memory_space<hbm>>) target_semaphore(%run_scoped3A : memref<!tpu.dma_semaphore, #tpu.memory_space<semaphore_mem>>)
        %dma_wait3A = arith.constant 0 : i32
        %dma_wait3A_42 = tpu.memref_slice %arg6[%dma_wait3A] : memref<112640xf32, #tpu.memory_space<vmem>> -> memref<103680xf32, #tpu.memory_space<vmem>>
        %dma_wait3A_43 = arith.constant 7096320 : i32
        %dma_wait3A_44 = tpu.memref_slice %arg5[%dma_wait3A_43] : memref<7200000xf32, #tpu.memory_space<hbm>> -> memref<103680xf32, #tpu.memory_space<hbm>>
        %dma_wait3A_45 = arith.constant 7096320 : i32
        %dma_wait3A_46 = tpu.memref_slice %arg5[%dma_wait3A_45] : memref<7200000xf32, #tpu.memory_space<hbm>> -> memref<103680xf32, #tpu.memory_space<hbm>>
        %dma_wait3A_47 = arith.constant 0 : i32
        %dma_wait3A_48 = tpu.memref_slice %arg6[%dma_wait3A_47] : memref<112640xf32, #tpu.memory_space<vmem>> -> memref<103680xf32, #tpu.memory_space<vmem>>
        tpu.wait_dma2 semaphore(%run_scoped3A : memref<!tpu.dma_semaphore, #tpu.memory_space<semaphore_mem>>) src(%dma_wait3A_48 : memref<103680xf32, #tpu.memory_space<vmem>>) dst(%dma_wait3A_46 : memref<103680xf32, #tpu.memory_space<hbm>>)
        tpu.yield
      }) : () -> ()
    } else {
    }
    return
  }
}

module attributes {stable_mosaic.version = 14 : i64} {
  func.func @_fkin_body(%arg0: i32, %arg1: memref<8192x9xf32, #tpu.memory_space<vmem>>, %arg2: memref<8192xf32, #tpu.memory_space<vmem>>, %arg3: memref<8192xf32, #tpu.memory_space<vmem>>, %arg4: memref<8192xf32, #tpu.memory_space<vmem>>) attributes {dimension_semantics = [#tpu.dimension_semantics<arbitrary>], iteration_bounds = array<i64: 98>, scalar_prefetch = 0 : i64, scratch_operands = 0 : i64, tpu.core_type = #tpu.core_type<tc>, window_params = [{transform_indices = @transform_0, window_bounds = array<i64: 8192, 9>}, {transform_indices = @transform_1, window_bounds = array<i64: 8192>}, {transform_indices = @transform_2, window_bounds = array<i64: 8192>}, {transform_indices = @transform_3, window_bounds = array<i64: 8192>}]} {
    %get3A = arith.constant 0 : index
    %get3A_0 = arith.constant 0 : index
    %get3A_1 = vector.load %arg1[%get3A, %get3A_0] : memref<8192x9xf32, #tpu.memory_space<vmem>>, vector<8192x9xf32>
    %slice3A = vector.extract_strided_slice %get3A_1 {offsets = [0, 0], sizes = [8192, 1], strides = [1, 1]} : vector<8192x9xf32> to vector<8192x1xf32>
    %squeeze3A = vector.shape_cast %slice3A : vector<8192x1xf32> to vector<8192xf32>
    %slice3A_2 = vector.extract_strided_slice %get3A_1 {offsets = [0, 3], sizes = [8192, 1], strides = [1, 1]} : vector<8192x9xf32> to vector<8192x1xf32>
    %squeeze3A_3 = vector.shape_cast %slice3A_2 : vector<8192x1xf32> to vector<8192xf32>
    %cos3A = math.cos %squeeze3A_3 : vector<8192xf32>
    %mul3A = arith.mulf %squeeze3A, %cos3A : vector<8192xf32>
    %slice3A_4 = vector.extract_strided_slice %get3A_1 {offsets = [0, 6], sizes = [8192, 1], strides = [1, 1]} : vector<8192x9xf32> to vector<8192x1xf32>
    %squeeze3A_5 = vector.shape_cast %slice3A_4 : vector<8192x1xf32> to vector<8192xf32>
    %sin3A = math.sin %squeeze3A_5 : vector<8192xf32>
    %add3A = arith.addf %mul3A, %sin3A : vector<8192xf32>
    %swap3A = arith.constant 0 : index
    %swap3A_6 = vector.load %arg2[%swap3A] : memref<8192xf32, #tpu.memory_space<vmem>>, vector<8192xf32>
    tpu.vector_store %arg2[%swap3A], %add3A {strides = array<i32>} : memref<8192xf32, #tpu.memory_space<vmem>>, vector<8192xf32>,
    %slice3A_7 = vector.extract_strided_slice %get3A_1 {offsets = [0, 1], sizes = [8192, 1], strides = [1, 1]} : vector<8192x9xf32> to vector<8192x1xf32>
    %squeeze3A_8 = vector.shape_cast %slice3A_7 : vector<8192x1xf32> to vector<8192xf32>
    %slice3A_9 = vector.extract_strided_slice %get3A_1 {offsets = [0, 4], sizes = [8192, 1], strides = [1, 1]} : vector<8192x9xf32> to vector<8192x1xf32>
    %squeeze3A_10 = vector.shape_cast %slice3A_9 : vector<8192x1xf32> to vector<8192xf32>
    %cos3A_11 = math.cos %squeeze3A_10 : vector<8192xf32>
    %mul3A_12 = arith.mulf %squeeze3A_8, %cos3A_11 : vector<8192xf32>
    %slice3A_13 = vector.extract_strided_slice %get3A_1 {offsets = [0, 7], sizes = [8192, 1], strides = [1, 1]} : vector<8192x9xf32> to vector<8192x1xf32>
    %squeeze3A_14 = vector.shape_cast %slice3A_13 : vector<8192x1xf32> to vector<8192xf32>
    %sin3A_15 = math.sin %squeeze3A_14 : vector<8192xf32>
    %add3A_16 = arith.addf %mul3A_12, %sin3A_15 : vector<8192xf32>
    %swap3A_17 = arith.constant 0 : index
    %swap3A_18 = vector.load %arg3[%swap3A_17] : memref<8192xf32, #tpu.memory_space<vmem>>, vector<8192xf32>
    tpu.vector_store %arg3[%swap3A_17], %add3A_16 {strides = array<i32>} : memref<8192xf32, #tpu.memory_space<vmem>>, vector<8192xf32>,
    %slice3A_19 = vector.extract_strided_slice %get3A_1 {offsets = [0, 2], sizes = [8192, 1], strides = [1, 1]} : vector<8192x9xf32> to vector<8192x1xf32>
    %squeeze3A_20 = vector.shape_cast %slice3A_19 : vector<8192x1xf32> to vector<8192xf32>
    %slice3A_21 = vector.extract_strided_slice %get3A_1 {offsets = [0, 5], sizes = [8192, 1], strides = [1, 1]} : vector<8192x9xf32> to vector<8192x1xf32>
    %squeeze3A_22 = vector.shape_cast %slice3A_21 : vector<8192x1xf32> to vector<8192xf32>
    %cos3A_23 = math.cos %squeeze3A_22 : vector<8192xf32>
    %mul3A_24 = arith.mulf %squeeze3A_20, %cos3A_23 : vector<8192xf32>
    %slice3A_25 = vector.extract_strided_slice %get3A_1 {offsets = [0, 8], sizes = [8192, 1], strides = [1, 1]} : vector<8192x9xf32> to vector<8192x1xf32>
    %squeeze3A_26 = vector.shape_cast %slice3A_25 : vector<8192x1xf32> to vector<8192xf32>
    %sin3A_27 = math.sin %squeeze3A_26 : vector<8192xf32>
    %add3A_28 = arith.addf %mul3A_24, %sin3A_27 : vector<8192xf32>
    %swap3A_29 = arith.constant 0 : index
    %swap3A_30 = vector.load %arg4[%swap3A_29] : memref<8192xf32, #tpu.memory_space<vmem>>, vector<8192xf32>
    tpu.vector_store %arg4[%swap3A_29], %add3A_28 {strides = array<i32>} : memref<8192xf32, #tpu.memory_space<vmem>>, vector<8192xf32>,
    return
  }
  func.func @transform_0(%arg0: i32) -> (i32, i32) {
    %c0_i32 = arith.constant 0 : i32
    %c0_i32_0 = arith.constant 0 : i32
    return %arg0, %c0_i32 : i32, i32
  }
  func.func @transform_1(%arg0: i32) -> i32 {
    %c0_i32 = arith.constant 0 : i32
    return %arg0 : i32
  }
  func.func @transform_2(%arg0: i32) -> i32 {
    %c0_i32 = arith.constant 0 : i32
    return %arg0 : i32
  }
  func.func @transform_3(%arg0: i32) -> i32 {
    %c0_i32 = arith.constant 0 : i32
    return %arg0 : i32
  }
}

</mosaic_0001>

<sc_bundles>
// kernel: kernel.5.cloned.1.call-start
scs
__scs_entry_jumppad:
0x0: {  	(pc) =	sbr.rel $0x88, $3  }
0x1: {  	(tag) =	ssettag $0x0;
	lr =	simm.s32 $0x1  }
0x2: {  	[smem:$0x3F9B] =	sst lr;
	_ =	strace $0xD0000000  }
0x3: {  	_ = 	snop  }
0x4: {  	_ = 	snop  }
0x5: {  	_ = 	snop  }
0x6: {  	_ = 	snop  }
0x7: {  	_ = 	snop  }
__scs_overlays_trampoline_lowered:
0x8: {  	[smem:$0x3FAA] =	sst s0  }
0x9: {  	[smem:$0x3FAB] =	sst s1  }
0xa: {  	[smem:$0x3FAC] =	sst s2  }
0xb: {  	[smem:$0x3FAD] =	sst s3  }
0xc: {  	[smem:$0x3FAE] =	sst s4  }
0xd: {  	[smem:$0x3FAF] =	sst s5  }
0xe: {  	[smem:$0x3FB0] =	sst s6  }
0xf: {  	[smem:$0x3FB1] =	sst s7  }
0x10: {  	[smem:$0x3FB2] =	sst s8  }
0x11: {  	[smem:$0x3FB3] =	sst s9;
	s0 =	simm.s32 @!p0 $0x0  }
0x12: {  	s1 =	sld [smem:$0x3F99];
	s0 =	simm.s32 @p0 $0x1  }
0x13: {  	[smem:$0x3FB4] =	sst s0;
	s0 =	simm.s32 @!p1 $0x0  }
0x14: {  	s2 =	sld [smem:$0x3F98];
	s0 =	simm.s32 @p1 $0x1  }
0x15: {  	[smem:$0x3FB5] =	sst s0;
	s0 =	simm.s32 @!p2 $0x0  }
0x16: {  	s3 =	sld [smem:$0x3FDB];
	s0 =	simm.s32 @p2 $0x1  }
0x17: {  	s4 =	simm.s32 $0x1BF5;
	[smem:$0x3FB7] =	sst s0  }
0x18: {  	s0 =	sld [smem:$0x3F9A];
	_ =	swait.ge [sflag:s4], $0x0  }
0x19: {  	s7 =	sld [smem:$0x3F9B]  }
0x1a: {  	s8 =	sadd.s32 $0xFFFFE003, lr  }
0x1b: {  	s9 =	sadd.s32 $0xFFFFFEF7, lr;
	s5 =	simm.s32 $0xFFFFFFFF;
	p2 =	slt.u32 s8, $0xFFFFF086  }
0x1c: {  	p1 =	slt.u32 s9, $0xF7A;
	s5 =	simm.s32 @!p2 $0x0  }
0x1d: {  	s5 =	simm.s32 @p1 $0x1;
	p0 =	seq.s32 s7, s2  }
0x1e: {  	s7 =	smul.u32 @!p0 $0xF7A, s2;
	p2 =	seq.s32 @!p0 s5, $0x0  }
0x1f: {  	s9 =	smul.u32 $0xF7A, s1;
	s8 =	simm.s32 @!p0 $0x1BF5;
	p2 =	por !p2, p0  }
0x20: {  	[sflag:s8] =	ssyncset.s32 @!p0 $0xFFFFF086;
	s6 =	sadd.s32 @!p0 s3, s7;
	s7 =	simm.s32 @!p0 $0x108  }
0x21: {  	s3 =	sadd.s32 s3, s9;
	s6 =	sadd.s32 @!p0 $0x88, s6;
	s7 =	simm.s32 @p2 $0x1082  }
0x22: {  	[simem:s7], [sflag:s8] =	dma.local @!p0 [hbm:s6], $0xF7A  }
0x23: {  	s9 =	sor.u32 $0xD0000000, s2;
	s6 =	simm.s32 $0x108;
	_ =	swait.ge @!p0 [sflag:s8], $0x0  }
0x24: {  	s3 =	sadd.s32 $0x88, s3;
	s6 =	simm.s32 @!p1 $0x1082;
	[sflag:s4] =	ssyncset.s32 $0xFFFFF086  }
0x25: {  	[simem:s6], [sflag:s4] =	dma.local [hbm:s3], $0xF7A  }
0x26: {  	[smem:$0x3F9B] =	sst s1;
	(tag) =	ssettag s2;
	_ =	strace s9  }
0x27: {  	s1 =	sld [smem:$0x3FAB]  }
0x28: {  	s2 =	sld [smem:$0x3FAC]  }
0x29: {  	s4 =	sld [smem:$0x3FAE]  }
0x2a: {  	p0 =	seq.s32 s5, $0x0;
	s5 =	sld [smem:$0x3FAF]  }
0x2b: {  	s6 =	sld [smem:$0x3FB0]  }
0x2c: {  	s7 =	sld [smem:$0x3FB1]  }
0x2d: {  	s3 =	simm.s32 $0x108;
	s8 =	sld [smem:$0x3FB2]  }
0x2e: {  	s3 =	simm.s32 @!p0 $0x1082;
	s9 =	sld [smem:$0x3FB3]  }
0x2f: {  	lr =	sadd.s32 s0, s3;
	s0 =	sld [smem:$0x3FAA]  }
0x30: {  	s3 =	sld [smem:$0x3FAD]  }
0x31: {  	[smem:$0x3FB6] =	sst s10  }
0x32: {  	s10 =	sld [smem:$0x3FB4];
	_ =	sdelay $0x3  }
0x33: {  	p0 =	seq.s32 s10, $0x1;
	s10 =	sld [smem:$0x3FB6];
	_ =	sdelay $0x3  }
0x34: {  	[smem:$0x3FB6] =	sst s10  }
0x35: {  	s10 =	sld [smem:$0x3FB5];
	_ =	sdelay $0x3  }
0x36: {  	p1 =	seq.s32 s10, $0x1;
	s10 =	sld [smem:$0x3FB6];
	_ =	sdelay $0x3  }
0x37: {  	[smem:$0x3FB6] =	sst s10  }
0x38: {  	s10 =	sld [smem:$0x3FB7]  }
0x39: {  	_ = 	snop;
	(pc) =	sbr.ind lr, $3  }
0x3a: {  	_ = 	snop  }
0x3b: {  	_ = 	snop  }
0x3c: {  	p2 =	seq.s32 s10, $0x1;
	s10 =	sld [smem:$0x3FB6]  }
0x3d: {  	_ =	shalt  }
0x3e: {  	_ =	shalt  }
0x3f: {  	_ =	shalt  }
0x40: {  	_ =	shalt  }
0x41: {  	_ =	shalt  }
0x42: {  	_ =	shalt  }
0x43: {  	_ =	shalt  }
0x44: {  	_ =	shalt  }
0x45: {  	_ =	shalt  }
0x46: {  	_ =	shalt  }
0x47: {  	_ =	shalt  }
0x48: {  	_ =	shalt  }
0x49: {  	_ =	shalt  }
0x4a: {  	_ =	shalt  }
0x4b: {  	_ =	shalt  }
0x4c: {  	_ =	shalt  }
0x4d: {  	_ =	shalt  }
0x4e: {  	_ =	shalt  }
0x4f: {  	_ =	shalt  }
0x50: {  	_ =	shalt  }
0x51: {  	_ =	shalt  }
0x52: {  	_ =	shalt  }
0x53: {  	_ =	shalt  }
0x54: {  	_ =	shalt  }
0x55: {  	_ =	shalt  }
0x56: {  	_ =	shalt  }
0x57: {  	_ =	shalt  }
0x58: {  	_ =	shalt  }
0x59: {  	_ =	shalt  }
0x5a: {  	_ =	shalt  }
0x5b: {  	_ =	shalt  }
0x5c: {  	_ =	shalt  }
0x5d: {  	_ =	shalt  }
0x5e: {  	_ =	shalt  }
0x5f: {  	_ =	shalt  }
0x60: {  	_ =	shalt  }
0x61: {  	_ =	shalt  }
0x62: {  	_ =	shalt  }
0x63: {  	_ =	shalt  }
0x64: {  	_ =	shalt  }
0x65: {  	_ =	shalt  }
0x66: {  	_ =	shalt  }
0x67: {  	_ =	shalt  }
0x68: {  	_ =	shalt  }
0x69: {  	_ =	shalt  }
0x6a: {  	_ =	shalt  }
0x6b: {  	_ =	shalt  }
0x6c: {  	_ =	shalt  }
0x6d: {  	_ =	shalt  }
0x6e: {  	_ =	shalt  }
0x6f: {  	_ =	shalt  }
0x70: {  	_ =	shalt  }
0x71: {  	_ =	shalt  }
0x72: {  	_ =	shalt  }
0x73: {  	_ =	shalt  }
0x74: {  	_ =	shalt  }
0x75: {  	_ =	shalt  }
0x76: {  	_ =	shalt  }
0x77: {  	_ =	shalt  }
0x78: {  	_ =	shalt  }
0x79: {  	_ =	shalt  }
0x7a: {  	_ =	shalt  }
0x7b: {  	_ =	shalt  }
0x7c: {  	_ =	shalt  }
0x7d: {  	_ =	shalt  }
0x7e: {  	_ =	shalt  }
0x7f: {  	_ =	shalt  }
0x80: {  	_ =	shalt  }
0x81: {  	_ =	shalt  }
0x82: {  	_ =	shalt  }
0x83: {  	_ =	shalt  }
0x84: {  	_ =	shalt  }
0x85: {  	_ =	shalt  }
0x86: {  	_ =	shalt  }
0x87: {  	_ =	shalt  }
.Lfunc_end0:
.L_simem_size_0:
called_computation_lowered:
.L_overlay_start_0:
0x88: {  	s2 =	sld [smem:$0x3FD9]  }
0x89: {  	s3 =	sld [smem:$0x3FFE];
	_ =	sdelay $0x1  }
0x8a: {  	s1 =	srdreg.scid  }
0x8b: {  	s0 =	sand.u32 $0x1, s1  }
0x8c: {  	s17 =	sshll.u32 s0, $0xA;
	s2 =	sadd.s32 s3, s2  }
0x8d: {  	s2 =	sadd.s32 s2, s17  }
0x8e: {  	[smem:$0x3FC2] =	sst s2  }
0x8f: {  	_ = 	snop  }
0x90: {  	s2 =	sld [smem:$0x3FC9]  }
0x91: {  	s18 =	sld [smem:$0x3FC5];
	(tm) =	ssettm $0x1  }
0x92: {  	s4 =	sld [smem:$0x3FFB];
	_ =	sdelay $0x3  }
0x93: {  	_ =	strace s4  }
0x94: {  	s4 =	sld [smem:$0x3FFC];
	_ =	sdelay $0x3  }
0x95: {  	_ =	strace s4  }
0x96: {  	s4 =	sld [smem:$0x3FFD];
	_ =	sdelay $0x3  }
0x97: {  	_ =	strace s4  }
0x98: {  	_ =	strace $0x8FFFFFFF  }
0x99: {  	s19 =	sld [smem:$0x3FDB];
	_ =	sdelay $0x1  }
0x9a: {  	s5 =	simm.s32 $_scs_section_size  }
0x9b: {  	s6 =	simm.s32 $_size__tile_overlayer_lowered;
	s7 =	simm.s32 $_tile_overlayer_lowered  }
0x9c: {  	s22 =	simm.s32 $0x1BFF;
	s21 =	sshll.u32 s7, $0x1;
	s4 =	sadd.s32 s5, s19  }
0x9d: {  	s8 =	simm.s32 $0x0;
	s20 =	sshll.u32 s6, $0x1;
	s6 =	sadd.s32 s21, s4  }
0x9e: {  	[timem:s8], [sflag:s22] =	dma.local [hbm:s6], s20  }
0x9f: {  	_ =	swait.ge [sflag:s22], s20  }
0xa0: {  	s5 =	ssub.s32 $0x0, s20;
	[sflag:s22] =	ssyncset.done $0x0  }
0xa1: {  	[sflag:s22] =	ssyncadd.s32 s5;
	_ =	sdelay $0x1  }
0xa2: {  	s23 =	simm.s32 $0x1B8B  }
0xa3: {  	_ =	swait.ge [sflag:s23], $0x1  }
0xa4: {  	[sflag:s23] =	ssyncset.done $0x0  }
0xa5: {  	s25 =	simm.s32 $0x1B8E;
	s24 =	sld [smem:$0x3FFE];
	[sflag:s23] =	ssyncadd.s32 $0xFFFFFFFF  }
0xa6: {  	s26 =	simm.s32 $execute0_lowered;
	[smem:$0x3FD2] =	sst s25  }
0xa7: {  	s6 =	sshll.u32 s26, $0x1;
	_ =	strace $0x80000046;
	[dreg:$0x1] =	wrdreg $0xFFFFFFFF  }
0xa8: {  	s28 =	simm.s32 $_size_execute0_lowered;
	s4 =	sadd.s32 s4, s6;
	[dreg:$0x0] =	wrdreg $0x0  }
0xa9: {  	s6 =	sshll.u32 s28, $0x1;
	[dreg:$0x2] =	wrdreg s4  }
0xaa: {  	[dreg:$0x3] =	wrdreg s6  }
0xab: {  	[dreg:$0x4] =	wrdreg $0xC0  }
0xac: {  	_ =	task [dreg:s8], $0x5FFFF  }
0xad: {  	[dreg:$0x1] =	wrdreg $0xFFFFFFFF  }
0xae: {  	[dreg:$0x0] =	wrdreg $0x60  }
0xaf: {  	[dreg:$0x2] =	wrdreg s24  }
0xb0: {  	[dreg:$0x3] =	wrdreg s18  }
0xb1: {  	[dreg:$0x4] =	wrdreg s2  }
0xb2: {  	[dreg:$0x5] =	wrdreg $0x9  }
0xb3: {  	_ =	task.clear_ibuf [dreg:s8], $0x6FFFF;
	_ =	strace $0x90000046  }
0xb4: {  	s29 =	simm.s32 $0x9;
	_ =	strace $0x80000048  }
0xb5: {  	_ =	swait.ge [sflag:s29], $0x1  }
0xb6: {  	[sflag:s29] =	ssyncadd.s32 $0xFFFFFFFF  }
0xb7: {  	_ =	strace $0x90000048  }
0xb8: {  	_ =	sfence  }
0xb9: {  	s30 =	sld [smem:$0x0];
	_ =	sdelay $0x2  }
0xba: {  	s31 =	sshll.u32 s1, $0xD;
	s1 =	sshrl.u32 s1, $0x2  }
0xbb: {  	s3 =	sand.u32 $0x4000, s31;
	s1 =	sadd.s32 s1, s30  }
0xbc: {  	s0 =	sor.u32 s3, s0;
	s1 =	sshll.u32 s1, $0x11  }
0xbd: {  	s0 =	sor.u32 s1, s0  }
0xbe: {  	s0 =	sadd.s32 $0x8F2B, s0  }
0xbf: {  	[sflag:s0] =	ssyncadd.remote.s32 $0x1  }
0xc0: {  	_ =	sfence.sel $0xFFFF  }
0xc1: {  	[dreg:$0x0] =	wrdreg $0xFFFFFFFF;
	(pc) =	sbr.abs _section_cstart, $3  }
0xc2: {  	[dreg:$0x1] =	wrdreg $0xFFFFFFFF  }
0xc3: {  	_ =	task.clear_ibuf [dreg:s8], $0x2FFFF;
	_ =	strace $0x9FFFFFFF  }
0xc4: {  	(tm) =	ssettm $0x7FFFFFFF  }
0xc5: {  	_ =	shalt  }
tec
execute0_lowered:
.L_overlay_start_1:
0x0: {  	(tag) =	ssettag $0x1  }
0x1: {  	s10 =	rddreg [dreg:$0x0]  }
0x2: {  	s2 =	rddreg [dreg:$0x1]  }
0x3: {  	s1 =	srdreg.scid;
	s0 =	stileid.u32  }
0x4: {  	s3 =	rddreg [dreg:$0x2];
	s4 =	simm.s32 $0x0;
	s12 =	simm.s32 $0x5  }
0x5: {  	s13 =	simm.s32 $0x1B800;
	s14 =	simm.s32 $0x1C480;
	s15 =	simm.s32 $0x1  }
0x6: {  	s16 =	simm.s32 $0x2;
	s17 =	simm.s32 $0x1D100;
	s18 =	simm.s32 $0x1DD80  }
0x7: {  	s19 =	simm.s32 $0x3;
	s5 =	sand.u32 $0x1, s1;
	s1 =	rddreg [dreg:$0x3]  }
0x8: {  	s6 =	sshll.u32 s0, $0x1;
	[smem:$0x7FF] =	sst s4;
	s7 =	sadd.s32 $0xC36000, s10  }
0x9: {  	s8 =	sadd.s32 $0x1000, s10;
	s21 =	sor.u32 s5, s6;
	s5 =	ssub.s32 $0x2, s5  }
0xa: {  	_ =	strace $0x80000047;
	s20 =	smul.u32 $0x1B800, s21;
	s30 =	sshrl.u32 s5, $0x1  }
.Ltmp0:
0xb: {  	p0 =	seq.s32 s21, $0x1F;
	s21 =	simm.s32 $0x0;
	(pc) =	sbr.rel .LBB2_1-.Ltmp0, $4  }
0xc: {  	s11 =	ssub.s32 s5, s30;
	s22 =	sadd.s32 $0x370000, s20;
	s31 =	sshrl.u32 s20, $0x3  }
0xd: {  	s11 =	smax.u32 s11, $0x1;
	v0 =	vmov s20;
	s20 =	simm.s32 $0x4;
	s9 =	sshrl.u32 s22, $0x3  }
0xe: {  	s5 =	sadd.s32 s7, s31;
	s6 =	sadd.s32 s8, s31;
	s7 =	sadd.s32 s7, s9  }
0xf: {  	v1 =	vmov s22;
	s8 =	sadd.s32 s8, s9;
	s9 =	sadd.s32 $0xD0E900, s10;
	s10 =	sadd.s32 $0xD9900, s10  }
.LBB2_22:
0x10: {  	s21 =	sadd.s32 $0x1, s21  }
0x11: {  	p1 =	sne.s32 s21, s11  }
.Ltmp1:
0x12: {  	_ = 	snop;
	(pc) =	sbr.rel @!p1 .LBB2_23-.Ltmp1, $1  }
0x13: {  	_ =	sdelay $0x3  }
.LBB2_1:
0x14: {  	[tilespmem:s4], [sflag:$0x5] =	stream.linear.gather [hbm4b:s5+s4], $0x1B800, $0x38;
	[tilespmem:$0x1EA00] =	vst v63  }
0x15: {  	_ =	swait.ge [sflag:s12], $0x1B800  }
0x16: {  	[sflag:s12] =	ssyncset.done $0x0  }
0x17: {  	[sflag:s12] =	ssyncadd.s32 $0xFFFE4800  }
0x18: {  	[tilespmem:s13], [sflag:$0x1] =	stream.linear.gather [hbm4b:s2+s4], $0xC80, $0x38;
	[tilespmem:$0x1EA00] =	vst v63  }
0x19: {  	s22 =	simm.s32 $0x0  }
0x1a: {  	[tilespmem:s14], [sflag:$0x2] =	stream.linear.gather [hbm4b:s3+s4], $0xC80, $0x38;
	[tilespmem:$0x1EA00] =	vst v63  }
.LBB2_2:
0x1b: {  	_ =	swait.ge [sflag:s15], $0xC80  }
0x1c: {  	s23 =	smul.u32 $0x1900, s22;
	[sflag:s15] =	ssyncset.done $0x0  }
0x1d: {  	[sflag:s15] =	ssyncadd.s32 $0xFFFFF380  }
0x1e: {  	s24 =	sshrl.u32 s23, $0x3;
	_ =	swait.ge [sflag:s16], $0xC80  }
0x1f: {  	s25 =	sadd.s32 $0x190, s24;
	[sflag:s16] =	ssyncset.done $0x0  }
0x20: {  	s24 =	simm.s32 $0x0;
	s26 =	sadd.s32 s2, s25;
	[sflag:s16] =	ssyncadd.s32 $0xFFFFF380  }
0x21: {  	[tilespmem:s17], [sflag:$0x3] =	stream.linear.gather [hbm4b:s26+s24], $0xC80, $0x38;
	[tilespmem:$0x1EA00] =	vst v63  }
0x22: {  	s25 =	sadd.s32 s3, s25  }
0x23: {  	[tilespmem:s18], [sflag:$0x4] =	stream.linear.gather [hbm4b:s25+s24], $0xC80, $0x38;
	[tilespmem:$0x1EA00] =	vst v63  }
.LBB2_3:
0x24: {  	s25 =	sshra.s32 s24, $0x2  }
0x25: {  	v2 =	vld [tilespmem:s25+$0x1B800];
	_ =	sdelay $0x4  }
0x26: {  	v3 =	vsub.s32 v2, v0  }
0x27: {  	v2 =	vand.u32 $0x7F, v2;
	vm0 =	vlt.u32 v3, $0x1B800;
	v3 =	vand.u32 $0xFFFFFF80, v3  }
0x28: {  	v4 =	vld [tilespmem:s25+$0x1C480];
	v2 =	vor.u32 v2, v3;
	_ =	sdelay $0x4  }
0x29: {  	[tilespmem:v2+s4+$0x0] =	vst.idx.msk vm0, v4  }
0x2a: {  	v2 =	vld [tilespmem:s25+$0x1B810];
	_ =	sdelay $0x4  }
0x2b: {  	v3 =	vsub.s32 v2, v0  }
0x2c: {  	v2 =	vand.u32 $0x7F, v2;
	vm9 =	vlt.u32 v3, $0x1B800;
	v3 =	vand.u32 $0xFFFFFF80, v3  }
0x2d: {  	v4 =	vld [tilespmem:s25+$0x1C490];
	v2 =	vor.u32 v2, v3;
	_ =	sdelay $0x4  }
0x2e: {  	[tilespmem:v2+s4+$0x0] =	vst.idx.msk vm9, v4  }
0x2f: {  	v2 =	vld [tilespmem:s25+$0x1B820];
	_ =	sdelay $0x4  }
0x30: {  	v3 =	vsub.s32 v2, v0  }
0x31: {  	v2 =	vand.u32 $0x7F, v2;
	vm10 =	vlt.u32 v3, $0x1B800;
	v3 =	vand.u32 $0xFFFFFF80, v3  }
0x32: {  	v4 =	vld [tilespmem:s25+$0x1C4A0];
	v2 =	vor.u32 v2, v3;
	_ =	sdelay $0x4  }
0x33: {  	[tilespmem:v2+s4+$0x0] =	vst.idx.msk vm10, v4  }
0x34: {  	v2 =	vld [tilespmem:s25+$0x1B830];
	_ =	sdelay $0x4  }
0x35: {  	v3 =	vsub.s32 v2, v0  }
0x36: {  	v2 =	vand.u32 $0x7F, v2;
	vm11 =	vlt.u32 v3, $0x1B800;
	v3 =	vand.u32 $0xFFFFFF80, v3  }
0x37: {  	v4 =	vld [tilespmem:s25+$0x1C4B0];
	v2 =	vor.u32 v2, v3;
	_ =	sdelay $0x4  }
0x38: {  	[tilespmem:v2+s4+$0x0] =	vst.idx.msk vm11, v4  }
0x39: {  	v2 =	vld [tilespmem:s25+$0x1B840];
	_ =	sdelay $0x4  }
0x3a: {  	v3 =	vsub.s32 v2, v0  }
0x3b: {  	v2 =	vand.u32 $0x7F, v2;
	vm12 =	vlt.u32 v3, $0x1B800;
	v3 =	vand.u32 $0xFFFFFF80, v3  }
0x3c: {  	v4 =	vld [tilespmem:s25+$0x1C4C0];
	v2 =	vor.u32 v2, v3;
	_ =	sdelay $0x4  }
0x3d: {  	[tilespmem:v2+s4+$0x0] =	vst.idx.msk vm12, v4  }
0x3e: {  	v2 =	vld [tilespmem:s25+$0x1B850];
	_ =	sdelay $0x4  }
0x3f: {  	v3 =	vsub.s32 v2, v0  }
0x40: {  	v2 =	vand.u32 $0x7F, v2;
	vm13 =	vlt.u32 v3, $0x1B800;
	v3 =	vand.u32 $0xFFFFFF80, v3  }
0x41: {  	v4 =	vld [tilespmem:s25+$0x1C4D0];
	v2 =	vor.u32 v2, v3;
	_ =	sdelay $0x4  }
0x42: {  	[tilespmem:v2+s4+$0x0] =	vst.idx.msk vm13, v4  }
0x43: {  	v2 =	vld [tilespmem:s25+$0x1B860];
	_ =	sdelay $0x4  }
0x44: {  	v3 =	vsub.s32 v2, v0  }
0x45: {  	v2 =	vand.u32 $0x7F, v2;
	vm14 =	vlt.u32 v3, $0x1B800;
	v3 =	vand.u32 $0xFFFFFF80, v3  }
0x46: {  	v4 =	vld [tilespmem:s25+$0x1C4E0];
	v2 =	vor.u32 v2, v3;
	_ =	sdelay $0x4  }
0x47: {  	[tilespmem:v2+s4+$0x0] =	vst.idx.msk vm14, v4  }
0x48: {  	v2 =	vld [tilespmem:s25+$0x1B870];
	_ =	sdelay $0x4  }
0x49: {  	v3 =	vsub.s32 v2, v0  }
0x4a: {  	v2 =	vand.u32 $0x7F, v2;
	vm15 =	vlt.u32 v3, $0x1B800;
	v3 =	vand.u32 $0xFFFFFF80, v3  }
0x4b: {  	p1 =	sne.s32 s24, $0x3000;
	v4 =	vld [tilespmem:s25+$0x1C4F0];
	v2 =	vor.u32 v2, v3  }
.Ltmp2:
0x4c: {  	_ = 	snop;
	(pc) =	sbr.rel @p1 .LBB2_3-.Ltmp2, $2  }
0x4d: {  	_ =	sdelay $0x2  }
0x4e: {  	s24 =	sadd.s32 $0x200, s24;
	[tilespmem:v2+s4+$0x0] =	vst.idx.msk vm15, v4  }
0x4f: {  	_ =	swait.ge [sflag:s19], $0xC80  }
0x50: {  	[sflag:s19] =	ssyncset.done $0x0  }
0x51: {  	p1 =	seq.s32 s22, $0x176;
	[sflag:s19] =	ssyncadd.s32 $0xFFFFF380  }
0x52: {  	s23 =	sshrl.u32 @!p1 s23, $0x3;
	_ =	swait.ge [sflag:s20], $0xC80  }
0x53: {  	s25 =	simm.s32 @!p1 $0x0;
	s23 =	sadd.s32 @!p1 $0x320, s23;
	[sflag:s20] =	ssyncset.done $0x0  }
0x54: {  	s26 =	simm.s32 @!p1 $0x1B800;
	s24 =	sadd.s32 @!p1 s2, s23;
	[sflag:s20] =	ssyncadd.s32 $0xFFFFF380  }
0x55: {  	[tilespmem:s26], [sflag:$0x1] =	stream.linear.gather @!p1 [hbm4b:s24+s25], $0xC80, $0x38;
	[tilespmem:$0x1EA00] =	vst v63  }
0x56: {  	s23 =	sadd.s32 @!p1 s3, s23;
	s24 =	simm.s32 @!p1 $0x1C480  }
0x57: {  	[tilespmem:s24], [sflag:$0x2] =	stream.linear.gather @!p1 [hbm4b:s23+s25], $0xC80, $0x38;
	[tilespmem:$0x1EA00] =	vst v63  }
0x58: {  	s23 =	simm.s32 $0x0  }
.LBB2_5:
0x59: {  	s24 =	sshra.s32 s23, $0x2  }
0x5a: {  	v2 =	vld [tilespmem:s24+$0x1D100];
	_ =	sdelay $0x4  }
0x5b: {  	v3 =	vsub.s32 v2, v0  }
0x5c: {  	v2 =	vand.u32 $0x7F, v2;
	vm0 =	vlt.u32 v3, $0x1B800;
	v3 =	vand.u32 $0xFFFFFF80, v3  }
0x5d: {  	v4 =	vld [tilespmem:s24+$0x1DD80];
	v2 =	vor.u32 v2, v3;
	_ =	sdelay $0x4  }
0x5e: {  	[tilespmem:v2+s4+$0x0] =	vst.idx.msk vm0, v4  }
0x5f: {  	v2 =	vld [tilespmem:s24+$0x1D110];
	_ =	sdelay $0x4  }
0x60: {  	v3 =	vsub.s32 v2, v0  }
0x61: {  	v2 =	vand.u32 $0x7F, v2;
	vm9 =	vlt.u32 v3, $0x1B800;
	v3 =	vand.u32 $0xFFFFFF80, v3  }
0x62: {  	v4 =	vld [tilespmem:s24+$0x1DD90];
	v2 =	vor.u32 v2, v3;
	_ =	sdelay $0x4  }
0x63: {  	[tilespmem:v2+s4+$0x0] =	vst.idx.msk vm9, v4  }
0x64: {  	v2 =	vld [tilespmem:s24+$0x1D120];
	_ =	sdelay $0x4  }
0x65: {  	v3 =	vsub.s32 v2, v0  }
0x66: {  	v2 =	vand.u32 $0x7F, v2;
	vm10 =	vlt.u32 v3, $0x1B800;
	v3 =	vand.u32 $0xFFFFFF80, v3  }
0x67: {  	v4 =	vld [tilespmem:s24+$0x1DDA0];
	v2 =	vor.u32 v2, v3;
	_ =	sdelay $0x4  }
0x68: {  	[tilespmem:v2+s4+$0x0] =	vst.idx.msk vm10, v4  }
0x69: {  	v2 =	vld [tilespmem:s24+$0x1D130];
	_ =	sdelay $0x4  }
0x6a: {  	v3 =	vsub.s32 v2, v0  }
0x6b: {  	v2 =	vand.u32 $0x7F, v2;
	vm11 =	vlt.u32 v3, $0x1B800;
	v3 =	vand.u32 $0xFFFFFF80, v3  }
0x6c: {  	v4 =	vld [tilespmem:s24+$0x1DDB0];
	v2 =	vor.u32 v2, v3;
	_ =	sdelay $0x4  }
0x6d: {  	[tilespmem:v2+s4+$0x0] =	vst.idx.msk vm11, v4  }
0x6e: {  	v2 =	vld [tilespmem:s24+$0x1D140];
	_ =	sdelay $0x4  }
0x6f: {  	v3 =	vsub.s32 v2, v0  }
0x70: {  	v2 =	vand.u32 $0x7F, v2;
	vm12 =	vlt.u32 v3, $0x1B800;
	v3 =	vand.u32 $0xFFFFFF80, v3  }
0x71: {  	v4 =	vld [tilespmem:s24+$0x1DDC0];
	v2 =	vor.u32 v2, v3;
	_ =	sdelay $0x4  }
0x72: {  	[tilespmem:v2+s4+$0x0] =	vst.idx.msk vm12, v4  }
0x73: {  	v2 =	vld [tilespmem:s24+$0x1D150];
	_ =	sdelay $0x4  }
0x74: {  	v3 =	vsub.s32 v2, v0  }
0x75: {  	v2 =	vand.u32 $0x7F, v2;
	vm13 =	vlt.u32 v3, $0x1B800;
	v3 =	vand.u32 $0xFFFFFF80, v3  }
0x76: {  	v4 =	vld [tilespmem:s24+$0x1DDD0];
	v2 =	vor.u32 v2, v3;
	_ =	sdelay $0x4  }
0x77: {  	[tilespmem:v2+s4+$0x0] =	vst.idx.msk vm13, v4  }
0x78: {  	v2 =	vld [tilespmem:s24+$0x1D160];
	_ =	sdelay $0x4  }
0x79: {  	v3 =	vsub.s32 v2, v0  }
0x7a: {  	v2 =	vand.u32 $0x7F, v2;
	vm14 =	vlt.u32 v3, $0x1B800;
	v3 =	vand.u32 $0xFFFFFF80, v3  }
0x7b: {  	v4 =	vld [tilespmem:s24+$0x1DDE0];
	v2 =	vor.u32 v2, v3;
	_ =	sdelay $0x4  }
0x7c: {  	[tilespmem:v2+s4+$0x0] =	vst.idx.msk vm14, v4  }
0x7d: {  	v2 =	vld [tilespmem:s24+$0x1D170];
	_ =	sdelay $0x4  }
0x7e: {  	v3 =	vsub.s32 v2, v0  }
0x7f: {  	v2 =	vand.u32 $0x7F, v2;
	vm15 =	vlt.u32 v3, $0x1B800;
	v3 =	vand.u32 $0xFFFFFF80, v3  }
0x80: {  	p1 =	sne.s32 s23, $0x3000;
	v4 =	vld [tilespmem:s24+$0x1DDF0];
	v2 =	vor.u32 v2, v3  }
.Ltmp3:
0x81: {  	_ = 	snop;
	(pc) =	sbr.rel @p1 .LBB2_5-.Ltmp3, $2  }
0x82: {  	_ =	sdelay $0x2  }
0x83: {  	s23 =	sadd.s32 $0x200, s23;
	[tilespmem:v2+s4+$0x0] =	vst.idx.msk vm15, v4  }
0x84: {  	s22 =	sadd.s32 $0x1, s22  }
0x85: {  	p1 =	sne.s32 s22, $0x177  }
.Ltmp4:
0x86: {  	_ = 	snop;
	(pc) =	sbr.rel @p1 .LBB2_2-.Ltmp4, $1  }
0x87: {  	_ =	sdelay $0x3  }
.Ltmp5:
0x88: {  	(pc) =	sbr.rel @!p0 .LBB2_8-.Ltmp5, $4  }
0x89: {  	[hbm4b:s6+s4] =	stream.linear.scatter [tilespmem:s4], [sflag:$0x5], $0x1B800, $0x38;
	[tilespmem:$0x1EA00] =	vst v63  }
0x8a: {  	_ =	swait.ge [sflag:s12], $0x1B800  }
0x8b: {  	[sflag:s12] =	ssyncset.done $0x0  }
0x8c: {  	s22 =	simm.s32 $0x0;
	[sflag:s12] =	ssyncadd.s32 $0xFFFE4800  }
0x8d: {  	[tilespmem:s22], [sflag:$0x5] =	stream.linear.gather [hbm4b:s9+s22], $0x19500, $0x38;
	[tilespmem:$0x1EA00] =	vst v63  }
0x8e: {  	_ =	swait.ge [sflag:s12], $0x19500  }
0x8f: {  	[sflag:s12] =	ssyncset.done $0x0  }
0x90: {  	[sflag:s12] =	ssyncadd.s32 $0xFFFE6B00  }
0x91: {  	[tilespmem:s13], [sflag:$0x1] =	stream.linear.gather [hbm4b:s2+s22], $0xC80, $0x38;
	[tilespmem:$0x1EA00] =	vst v63  }
0x92: {  	s23 =	simm.s32 $0x0  }
0x93: {  	[tilespmem:s14], [sflag:$0x2] =	stream.linear.gather [hbm4b:s3+s22], $0xC80, $0x38;
	[tilespmem:$0x1EA00] =	vst v63  }
.LBB2_16:
0x94: {  	_ =	swait.ge [sflag:s15], $0xC80  }
0x95: {  	s24 =	smul.u32 $0x1900, s23;
	[sflag:s15] =	ssyncset.done $0x0  }
0x96: {  	[sflag:s15] =	ssyncadd.s32 $0xFFFFF380  }
0x97: {  	s25 =	sshrl.u32 s24, $0x3;
	_ =	swait.ge [sflag:s16], $0xC80  }
0x98: {  	s25 =	sadd.s32 $0x190, s25;
	[sflag:s16] =	ssyncset.done $0x0  }
0x99: {  	s26 =	sadd.s32 s2, s25;
	[sflag:s16] =	ssyncadd.s32 $0xFFFFF380  }
0x9a: {  	[tilespmem:s17], [sflag:$0x3] =	stream.linear.gather [hbm4b:s26+s22], $0xC80, $0x38;
	[tilespmem:$0x1EA00] =	vst v63  }
0x9b: {  	s25 =	sadd.s32 s3, s25  }
0x9c: {  	[tilespmem:s18], [sflag:$0x4] =	stream.linear.gather [hbm4b:s25+s22], $0xC80, $0x38;
	[tilespmem:$0x1EA00] =	vst v63  }
0x9d: {  	s25 =	simm.s32 $0x0  }
.LBB2_17:
0x9e: {  	s26 =	sshra.s32 s25, $0x2  }
0x9f: {  	v2 =	vld [tilespmem:s26+$0x1B800];
	_ =	sdelay $0x4  }
0xa0: {  	v3 =	vsub.s32 v2, v1  }
0xa1: {  	v2 =	vand.u32 $0x7F, v2;
	vm0 =	vlt.u32 v3, $0x1B800;
	v3 =	vand.u32 $0xFFFFFF80, v3  }
0xa2: {  	v4 =	vld [tilespmem:s26+$0x1C480];
	v2 =	vor.u32 v2, v3;
	_ =	sdelay $0x4  }
0xa3: {  	[tilespmem:v2+s4+$0x0] =	vst.idx.msk vm0, v4  }
0xa4: {  	v2 =	vld [tilespmem:s26+$0x1B810];
	_ =	sdelay $0x4  }
0xa5: {  	v3 =	vsub.s32 v2, v1  }
0xa6: {  	v2 =	vand.u32 $0x7F, v2;
	vm9 =	vlt.u32 v3, $0x1B800;
	v3 =	vand.u32 $0xFFFFFF80, v3  }
0xa7: {  	v4 =	vld [tilespmem:s26+$0x1C490];
	v2 =	vor.u32 v2, v3;
	_ =	sdelay $0x4  }
0xa8: {  	[tilespmem:v2+s4+$0x0] =	vst.idx.msk vm9, v4  }
0xa9: {  	v2 =	vld [tilespmem:s26+$0x1B820];
	_ =	sdelay $0x4  }
0xaa: {  	v3 =	vsub.s32 v2, v1  }
0xab: {  	v2 =	vand.u32 $0x7F, v2;
	vm10 =	vlt.u32 v3, $0x1B800;
	v3 =	vand.u32 $0xFFFFFF80, v3  }
0xac: {  	v4 =	vld [tilespmem:s26+$0x1C4A0];
	v2 =	vor.u32 v2, v3;
	_ =	sdelay $0x4  }
0xad: {  	[tilespmem:v2+s4+$0x0] =	vst.idx.msk vm10, v4  }
0xae: {  	v2 =	vld [tilespmem:s26+$0x1B830];
	_ =	sdelay $0x4  }
0xaf: {  	v3 =	vsub.s32 v2, v1  }
0xb0: {  	v2 =	vand.u32 $0x7F, v2;
	vm11 =	vlt.u32 v3, $0x1B800;
	v3 =	vand.u32 $0xFFFFFF80, v3  }
0xb1: {  	v4 =	vld [tilespmem:s26+$0x1C4B0];
	v2 =	vor.u32 v2, v3;
	_ =	sdelay $0x4  }
0xb2: {  	[tilespmem:v2+s4+$0x0] =	vst.idx.msk vm11, v4  }
0xb3: {  	v2 =	vld [tilespmem:s26+$0x1B840];
	_ =	sdelay $0x4  }
0xb4: {  	v3 =	vsub.s32 v2, v1  }
0xb5: {  	v2 =	vand.u32 $0x7F, v2;
	vm12 =	vlt.u32 v3, $0x1B800;
	v3 =	vand.u32 $0xFFFFFF80, v3  }
0xb6: {  	v4 =	vld [tilespmem:s26+$0x1C4C0];
	v2 =	vor.u32 v2, v3;
	_ =	sdelay $0x4  }
0xb7: {  	[tilespmem:v2+s4+$0x0] =	vst.idx.msk vm12, v4  }
0xb8: {  	v2 =	vld [tilespmem:s26+$0x1B850];
	_ =	sdelay $0x4  }
0xb9: {  	v3 =	vsub.s32 v2, v1  }
0xba: {  	v2 =	vand.u32 $0x7F, v2;
	vm13 =	vlt.u32 v3, $0x1B800;
	v3 =	vand.u32 $0xFFFFFF80, v3  }
0xbb: {  	v4 =	vld [tilespmem:s26+$0x1C4D0];
	v2 =	vor.u32 v2, v3;
	_ =	sdelay $0x4  }
0xbc: {  	[tilespmem:v2+s4+$0x0] =	vst.idx.msk vm13, v4  }
0xbd: {  	v2 =	vld [tilespmem:s26+$0x1B860];
	_ =	sdelay $0x4  }
0xbe: {  	v3 =	vsub.s32 v2, v1  }
0xbf: {  	v2 =	vand.u32 $0x7F, v2;
	vm14 =	vlt.u32 v3, $0x1B800;
	v3 =	vand.u32 $0xFFFFFF80, v3  }
0xc0: {  	v4 =	vld [tilespmem:s26+$0x1C4E0];
	v2 =	vor.u32 v2, v3;
	_ =	sdelay $0x4  }
0xc1: {  	[tilespmem:v2+s4+$0x0] =	vst.idx.msk vm14, v4  }
0xc2: {  	v2 =	vld [tilespmem:s26+$0x1B870];
	_ =	sdelay $0x4  }
0xc3: {  	v3 =	vsub.s32 v2, v1  }
0xc4: {  	v2 =	vand.u32 $0x7F, v2;
	vm15 =	vlt.u32 v3, $0x1B800;
	v3 =	vand.u32 $0xFFFFFF80, v3  }
0xc5: {  	p1 =	sne.s32 s25, $0x3000;
	v4 =	vld [tilespmem:s26+$0x1C4F0];
	v2 =	vor.u32 v2, v3  }
.Ltmp6:
0xc6: {  	_ = 	snop;
	(pc) =	sbr.rel @p1 .LBB2_17-.Ltmp6, $2  }
0xc7: {  	_ =	sdelay $0x2  }
0xc8: {  	s25 =	sadd.s32 $0x200, s25;
	[tilespmem:v2+s4+$0x0] =	vst.idx.msk vm15, v4  }
0xc9: {  	_ =	swait.ge [sflag:s19], $0xC80  }
0xca: {  	[sflag:s19] =	ssyncset.done $0x0  }
0xcb: {  	p1 =	seq.s32 s23, $0x176;
	[sflag:s19] =	ssyncadd.s32 $0xFFFFF380  }
0xcc: {  	s24 =	sshrl.u32 @!p1 s24, $0x3;
	_ =	swait.ge [sflag:s20], $0xC80  }
0xcd: {  	s26 =	simm.s32 @!p1 $0x0;
	s24 =	sadd.s32 @!p1 $0x320, s24;
	[sflag:s20] =	ssyncset.done $0x0  }
0xce: {  	s28 =	simm.s32 @!p1 $0x1B800;
	s25 =	sadd.s32 @!p1 s2, s24;
	[sflag:s20] =	ssyncadd.s32 $0xFFFFF380  }
0xcf: {  	[tilespmem:s28], [sflag:$0x1] =	stream.linear.gather @!p1 [hbm4b:s25+s26], $0xC80, $0x38;
	[tilespmem:$0x1EA00] =	vst v63  }
0xd0: {  	s24 =	sadd.s32 @!p1 s3, s24;
	s25 =	simm.s32 @!p1 $0x1C480  }
0xd1: {  	[tilespmem:s25], [sflag:$0x2] =	stream.linear.gather @!p1 [hbm4b:s24+s26], $0xC80, $0x38;
	[tilespmem:$0x1EA00] =	vst v63  }
0xd2: {  	s24 =	simm.s32 $0x0  }
.LBB2_19:
0xd3: {  	s25 =	sshra.s32 s24, $0x2  }
0xd4: {  	v2 =	vld [tilespmem:s25+$0x1D100];
	_ =	sdelay $0x4  }
0xd5: {  	v3 =	vsub.s32 v2, v1  }
0xd6: {  	v2 =	vand.u32 $0x7F, v2;
	vm0 =	vlt.u32 v3, $0x1B800;
	v3 =	vand.u32 $0xFFFFFF80, v3  }
0xd7: {  	v4 =	vld [tilespmem:s25+$0x1DD80];
	v2 =	vor.u32 v2, v3;
	_ =	sdelay $0x4  }
0xd8: {  	[tilespmem:v2+s4+$0x0] =	vst.idx.msk vm0, v4  }
0xd9: {  	v2 =	vld [tilespmem:s25+$0x1D110];
	_ =	sdelay $0x4  }
0xda: {  	v3 =	vsub.s32 v2, v1  }
0xdb: {  	v2 =	vand.u32 $0x7F, v2;
	vm9 =	vlt.u32 v3, $0x1B800;
	v3 =	vand.u32 $0xFFFFFF80, v3  }
0xdc: {  	v4 =	vld [tilespmem:s25+$0x1DD90];
	v2 =	vor.u32 v2, v3;
	_ =	sdelay $0x4  }
0xdd: {  	[tilespmem:v2+s4+$0x0] =	vst.idx.msk vm9, v4  }
0xde: {  	v2 =	vld [tilespmem:s25+$0x1D120];
	_ =	sdelay $0x4  }
0xdf: {  	v3 =	vsub.s32 v2, v1  }
0xe0: {  	v2 =	vand.u32 $0x7F, v2;
	vm10 =	vlt.u32 v3, $0x1B800;
	v3 =	vand.u32 $0xFFFFFF80, v3  }
0xe1: {  	v4 =	vld [tilespmem:s25+$0x1DDA0];
	v2 =	vor.u32 v2, v3;
	_ =	sdelay $0x4  }
0xe2: {  	[tilespmem:v2+s4+$0x0] =	vst.idx.msk vm10, v4  }
0xe3: {  	v2 =	vld [tilespmem:s25+$0x1D130];
	_ =	sdelay $0x4  }
0xe4: {  	v3 =	vsub.s32 v2, v1  }
0xe5: {  	v2 =	vand.u32 $0x7F, v2;
	vm11 =	vlt.u32 v3, $0x1B800;
	v3 =	vand.u32 $0xFFFFFF80, v3  }
0xe6: {  	v4 =	vld [tilespmem:s25+$0x1DDB0];
	v2 =	vor.u32 v2, v3;
	_ =	sdelay $0x4  }
0xe7: {  	[tilespmem:v2+s4+$0x0] =	vst.idx.msk vm11, v4  }
0xe8: {  	v2 =	vld [tilespmem:s25+$0x1D140];
	_ =	sdelay $0x4  }
0xe9: {  	v3 =	vsub.s32 v2, v1  }
0xea: {  	v2 =	vand.u32 $0x7F, v2;
	vm12 =	vlt.u32 v3, $0x1B800;
	v3 =	vand.u32 $0xFFFFFF80, v3  }
0xeb: {  	v4 =	vld [tilespmem:s25+$0x1DDC0];
	v2 =	vor.u32 v2, v3;
	_ =	sdelay $0x4  }
0xec: {  	[tilespmem:v2+s4+$0x0] =	vst.idx.msk vm12, v4  }
0xed: {  	v2 =	vld [tilespmem:s25+$0x1D150];
	_ =	sdelay $0x4  }
0xee: {  	v3 =	vsub.s32 v2, v1  }
0xef: {  	v2 =	vand.u32 $0x7F, v2;
	vm13 =	vlt.u32 v3, $0x1B800;
	v3 =	vand.u32 $0xFFFFFF80, v3  }
0xf0: {  	v4 =	vld [tilespmem:s25+$0x1DDD0];
	v2 =	vor.u32 v2, v3;
	_ =	sdelay $0x4  }
0xf1: {  	[tilespmem:v2+s4+$0x0] =	vst.idx.msk vm13, v4  }
0xf2: {  	v2 =	vld [tilespmem:s25+$0x1D160];
	_ =	sdelay $0x4  }
0xf3: {  	v3 =	vsub.s32 v2, v1  }
0xf4: {  	v2 =	vand.u32 $0x7F, v2;
	vm14 =	vlt.u32 v3, $0x1B800;
	v3 =	vand.u32 $0xFFFFFF80, v3  }
0xf5: {  	v4 =	vld [tilespmem:s25+$0x1DDE0];
	v2 =	vor.u32 v2, v3;
	_ =	sdelay $0x4  }
0xf6: {  	[tilespmem:v2+s4+$0x0] =	vst.idx.msk vm14, v4  }
0xf7: {  	v2 =	vld [tilespmem:s25+$0x1D170];
	_ =	sdelay $0x4  }
0xf8: {  	v3 =	vsub.s32 v2, v1  }
0xf9: {  	v2 =	vand.u32 $0x7F, v2;
	vm15 =	vlt.u32 v3, $0x1B800;
	v3 =	vand.u32 $0xFFFFFF80, v3  }
0xfa: {  	p1 =	sne.s32 s24, $0x3000;
	v4 =	vld [tilespmem:s25+$0x1DDF0];
	v2 =	vor.u32 v2, v3  }
.Ltmp7:
0xfb: {  	_ = 	snop;
	(pc) =	sbr.rel @p1 .LBB2_19-.Ltmp7, $2  }
0xfc: {  	_ =	sdelay $0x2  }
0xfd: {  	s24 =	sadd.s32 $0x200, s24;
	[tilespmem:v2+s4+$0x0] =	vst.idx.msk vm15, v4  }
0xfe: {  	s23 =	sadd.s32 $0x1, s23  }
0xff: {  	p1 =	sne.s32 s23, $0x177  }
.Ltmp8:
0x100: {  	_ = 	snop;
	(pc) =	sbr.rel @p1 .LBB2_16-.Ltmp8, $1  }
0x101: {  	_ =	sdelay $0x3  }
.Ltmp9:
0x102: {  	(pc) =	sbr.rel .LBB2_22-.Ltmp9, $4  }
0x103: {  	[hbm4b:s10+s4] =	stream.linear.scatter [tilespmem:s4], [sflag:$0x5], $0x19500, $0x38;
	[tilespmem:$0x1EA00] =	vst v63  }
0x104: {  	_ =	swait.ge [sflag:s12], $0x19500  }
0x105: {  	[sflag:s12] =	ssyncset.done $0x0  }
0x106: {  	[sflag:s12] =	ssyncadd.s32 $0xFFFE6B00  }
.LBB2_8:
0x107: {  	[tilespmem:s22], [sflag:$0x5] =	stream.linear.gather [hbm4b:s7+s22], $0x1B800, $0x38;
	[tilespmem:$0x1EA00] =	vst v63  }
0x108: {  	_ =	swait.ge [sflag:s12], $0x1B800  }
0x109: {  	[sflag:s12] =	ssyncset.done $0x0  }
0x10a: {  	[sflag:s12] =	ssyncadd.s32 $0xFFFE4800  }
0x10b: {  	[tilespmem:s13], [sflag:$0x1] =	stream.linear.gather [hbm4b:s2+s22], $0xC80, $0x38;
	[tilespmem:$0x1EA00] =	vst v63  }
0x10c: {  	s23 =	simm.s32 $0x0  }
0x10d: {  	[tilespmem:s14], [sflag:$0x2] =	stream.linear.gather [hbm4b:s3+s22], $0xC80, $0x38;
	[tilespmem:$0x1EA00] =	vst v63  }
.LBB2_9:
0x10e: {  	_ =	swait.ge [sflag:s15], $0xC80  }
0x10f: {  	s24 =	smul.u32 $0x1900, s23;
	[sflag:s15] =	ssyncset.done $0x0  }
0x110: {  	[sflag:s15] =	ssyncadd.s32 $0xFFFFF380  }
0x111: {  	s25 =	sshrl.u32 s24, $0x3;
	_ =	swait.ge [sflag:s16], $0xC80  }
0x112: {  	s25 =	sadd.s32 $0x190, s25;
	[sflag:s16] =	ssyncset.done $0x0  }
0x113: {  	s26 =	sadd.s32 s2, s25;
	[sflag:s16] =	ssyncadd.s32 $0xFFFFF380  }
0x114: {  	[tilespmem:s17], [sflag:$0x3] =	stream.linear.gather [hbm4b:s26+s22], $0xC80, $0x38;
	[tilespmem:$0x1EA00] =	vst v63  }
0x115: {  	s25 =	sadd.s32 s3, s25  }
0x116: {  	[tilespmem:s18], [sflag:$0x4] =	stream.linear.gather [hbm4b:s25+s22], $0xC80, $0x38;
	[tilespmem:$0x1EA00] =	vst v63  }
0x117: {  	s25 =	simm.s32 $0x0  }
.LBB2_10:
0x118: {  	s26 =	sshra.s32 s25, $0x2  }
0x119: {  	v2 =	vld [tilespmem:s26+$0x1B800];
	_ =	sdelay $0x4  }
0x11a: {  	v3 =	vsub.s32 v2, v1  }
0x11b: {  	v2 =	vand.u32 $0x7F, v2;
	vm0 =	vlt.u32 v3, $0x1B800;
	v3 =	vand.u32 $0xFFFFFF80, v3  }
0x11c: {  	v4 =	vld [tilespmem:s26+$0x1C480];
	v2 =	vor.u32 v2, v3;
	_ =	sdelay $0x4  }
0x11d: {  	[tilespmem:v2+s4+$0x0] =	vst.idx.msk vm0, v4  }
0x11e: {  	v2 =	vld [tilespmem:s26+$0x1B810];
	_ =	sdelay $0x4  }
0x11f: {  	v3 =	vsub.s32 v2, v1  }
0x120: {  	v2 =	vand.u32 $0x7F, v2;
	vm9 =	vlt.u32 v3, $0x1B800;
	v3 =	vand.u32 $0xFFFFFF80, v3  }
0x121: {  	v4 =	vld [tilespmem:s26+$0x1C490];
	v2 =	vor.u32 v2, v3;
	_ =	sdelay $0x4  }
0x122: {  	[tilespmem:v2+s4+$0x0] =	vst.idx.msk vm9, v4  }
0x123: {  	v2 =	vld [tilespmem:s26+$0x1B820];
	_ =	sdelay $0x4  }
0x124: {  	v3 =	vsub.s32 v2, v1  }
0x125: {  	v2 =	vand.u32 $0x7F, v2;
	vm10 =	vlt.u32 v3, $0x1B800;
	v3 =	vand.u32 $0xFFFFFF80, v3  }
0x126: {  	v4 =	vld [tilespmem:s26+$0x1C4A0];
	v2 =	vor.u32 v2, v3;
	_ =	sdelay $0x4  }
0x127: {  	[tilespmem:v2+s4+$0x0] =	vst.idx.msk vm10, v4  }
0x128: {  	v2 =	vld [tilespmem:s26+$0x1B830];
	_ =	sdelay $0x4  }
0x129: {  	v3 =	vsub.s32 v2, v1  }
0x12a: {  	v2 =	vand.u32 $0x7F, v2;
	vm11 =	vlt.u32 v3, $0x1B800;
	v3 =	vand.u32 $0xFFFFFF80, v3  }
0x12b: {  	v4 =	vld [tilespmem:s26+$0x1C4B0];
	v2 =	vor.u32 v2, v3;
	_ =	sdelay $0x4  }
0x12c: {  	[tilespmem:v2+s4+$0x0] =	vst.idx.msk vm11, v4  }
0x12d: {  	v2 =	vld [tilespmem:s26+$0x1B840];
	_ =	sdelay $0x4  }
0x12e: {  	v3 =	vsub.s32 v2, v1  }
0x12f: {  	v2 =	vand.u32 $0x7F, v2;
	vm12 =	vlt.u32 v3, $0x1B800;
	v3 =	vand.u32 $0xFFFFFF80, v3  }
0x130: {  	v4 =	vld [tilespmem:s26+$0x1C4C0];
	v2 =	vor.u32 v2, v3;
	_ =	sdelay $0x4  }
0x131: {  	[tilespmem:v2+s4+$0x0] =	vst.idx.msk vm12, v4  }
0x132: {  	v2 =	vld [tilespmem:s26+$0x1B850];
	_ =	sdelay $0x4  }
0x133: {  	v3 =	vsub.s32 v2, v1  }
0x134: {  	v2 =	vand.u32 $0x7F, v2;
	vm13 =	vlt.u32 v3, $0x1B800;
	v3 =	vand.u32 $0xFFFFFF80, v3  }
0x135: {  	v4 =	vld [tilespmem:s26+$0x1C4D0];
	v2 =	vor.u32 v2, v3;
	_ =	sdelay $0x4  }
0x136: {  	[tilespmem:v2+s4+$0x0] =	vst.idx.msk vm13, v4  }
0x137: {  	v2 =	vld [tilespmem:s26+$0x1B860];
	_ =	sdelay $0x4  }
0x138: {  	v3 =	vsub.s32 v2, v1  }
0x139: {  	v2 =	vand.u32 $0x7F, v2;
	vm14 =	vlt.u32 v3, $0x1B800;
	v3 =	vand.u32 $0xFFFFFF80, v3  }
0x13a: {  	v4 =	vld [tilespmem:s26+$0x1C4E0];
	v2 =	vor.u32 v2, v3;
	_ =	sdelay $0x4  }
0x13b: {  	[tilespmem:v2+s4+$0x0] =	vst.idx.msk vm14, v4  }
0x13c: {  	v2 =	vld [tilespmem:s26+$0x1B870];
	_ =	sdelay $0x4  }
0x13d: {  	v3 =	vsub.s32 v2, v1  }
0x13e: {  	v2 =	vand.u32 $0x7F, v2;
	vm15 =	vlt.u32 v3, $0x1B800;
	v3 =	vand.u32 $0xFFFFFF80, v3  }
0x13f: {  	p1 =	sne.s32 s25, $0x3000;
	v4 =	vld [tilespmem:s26+$0x1C4F0];
	v2 =	vor.u32 v2, v3  }
.Ltmp10:
0x140: {  	_ = 	snop;
	(pc) =	sbr.rel @p1 .LBB2_10-.Ltmp10, $2  }
0x141: {  	_ =	sdelay $0x2  }
0x142: {  	s25 =	sadd.s32 $0x200, s25;
	[tilespmem:v2+s4+$0x0] =	vst.idx.msk vm15, v4  }
0x143: {  	_ =	swait.ge [sflag:s19], $0xC80  }
0x144: {  	[sflag:s19] =	ssyncset.done $0x0  }
0x145: {  	p1 =	seq.s32 s23, $0x176;
	[sflag:s19] =	ssyncadd.s32 $0xFFFFF380  }
0x146: {  	s24 =	sshrl.u32 @!p1 s24, $0x3;
	_ =	swait.ge [sflag:s20], $0xC80  }
0x147: {  	s26 =	simm.s32 @!p1 $0x0;
	s24 =	sadd.s32 @!p1 $0x320, s24;
	[sflag:s20] =	ssyncset.done $0x0  }
0x148: {  	s28 =	simm.s32 @!p1 $0x1B800;
	s25 =	sadd.s32 @!p1 s2, s24;
	[sflag:s20] =	ssyncadd.s32 $0xFFFFF380  }
0x149: {  	[tilespmem:s28], [sflag:$0x1] =	stream.linear.gather @!p1 [hbm4b:s25+s26], $0xC80, $0x38;
	[tilespmem:$0x1EA00] =	vst v63  }
0x14a: {  	s24 =	sadd.s32 @!p1 s3, s24;
	s25 =	simm.s32 @!p1 $0x1C480  }
0x14b: {  	[tilespmem:s25], [sflag:$0x2] =	stream.linear.gather @!p1 [hbm4b:s24+s26], $0xC80, $0x38;
	[tilespmem:$0x1EA00] =	vst v63  }
0x14c: {  	s24 =	simm.s32 $0x0  }
.LBB2_12:
0x14d: {  	s25 =	sshra.s32 s24, $0x2  }
0x14e: {  	v2 =	vld [tilespmem:s25+$0x1D100];
	_ =	sdelay $0x4  }
0x14f: {  	v3 =	vsub.s32 v2, v1  }
0x150: {  	v2 =	vand.u32 $0x7F, v2;
	vm0 =	vlt.u32 v3, $0x1B800;
	v3 =	vand.u32 $0xFFFFFF80, v3  }
0x151: {  	v4 =	vld [tilespmem:s25+$0x1DD80];
	v2 =	vor.u32 v2, v3;
	_ =	sdelay $0x4  }
0x152: {  	[tilespmem:v2+s4+$0x0] =	vst.idx.msk vm0, v4  }
0x153: {  	v2 =	vld [tilespmem:s25+$0x1D110];
	_ =	sdelay $0x4  }
0x154: {  	v3 =	vsub.s32 v2, v1  }
0x155: {  	v2 =	vand.u32 $0x7F, v2;
	vm9 =	vlt.u32 v3, $0x1B800;
	v3 =	vand.u32 $0xFFFFFF80, v3  }
0x156: {  	v4 =	vld [tilespmem:s25+$0x1DD90];
	v2 =	vor.u32 v2, v3;
	_ =	sdelay $0x4  }
0x157: {  	[tilespmem:v2+s4+$0x0] =	vst.idx.msk vm9, v4  }
0x158: {  	v2 =	vld [tilespmem:s25+$0x1D120];
	_ =	sdelay $0x4  }
0x159: {  	v3 =	vsub.s32 v2, v1  }
0x15a: {  	v2 =	vand.u32 $0x7F, v2;
	vm10 =	vlt.u32 v3, $0x1B800;
	v3 =	vand.u32 $0xFFFFFF80, v3  }
0x15b: {  	v4 =	vld [tilespmem:s25+$0x1DDA0];
	v2 =	vor.u32 v2, v3;
	_ =	sdelay $0x4  }
0x15c: {  	[tilespmem:v2+s4+$0x0] =	vst.idx.msk vm10, v4  }
0x15d: {  	v2 =	vld [tilespmem:s25+$0x1D130];
	_ =	sdelay $0x4  }
0x15e: {  	v3 =	vsub.s32 v2, v1  }
0x15f: {  	v2 =	vand.u32 $0x7F, v2;
	vm11 =	vlt.u32 v3, $0x1B800;
	v3 =	vand.u32 $0xFFFFFF80, v3  }
0x160: {  	v4 =	vld [tilespmem:s25+$0x1DDB0];
	v2 =	vor.u32 v2, v3;
	_ =	sdelay $0x4  }
0x161: {  	[tilespmem:v2+s4+$0x0] =	vst.idx.msk vm11, v4  }
0x162: {  	v2 =	vld [tilespmem:s25+$0x1D140];
	_ =	sdelay $0x4  }
0x163: {  	v3 =	vsub.s32 v2, v1  }
0x164: {  	v2 =	vand.u32 $0x7F, v2;
	vm12 =	vlt.u32 v3, $0x1B800;
	v3 =	vand.u32 $0xFFFFFF80, v3  }
0x165: {  	v4 =	vld [tilespmem:s25+$0x1DDC0];
	v2 =	vor.u32 v2, v3;
	_ =	sdelay $0x4  }
0x166: {  	[tilespmem:v2+s4+$0x0] =	vst.idx.msk vm12, v4  }
0x167: {  	v2 =	vld [tilespmem:s25+$0x1D150];
	_ =	sdelay $0x4  }
0x168: {  	v3 =	vsub.s32 v2, v1  }
0x169: {  	v2 =	vand.u32 $0x7F, v2;
	vm13 =	vlt.u32 v3, $0x1B800;
	v3 =	vand.u32 $0xFFFFFF80, v3  }
0x16a: {  	v4 =	vld [tilespmem:s25+$0x1DDD0];
	v2 =	vor.u32 v2, v3;
	_ =	sdelay $0x4  }
0x16b: {  	[tilespmem:v2+s4+$0x0] =	vst.idx.msk vm13, v4  }
0x16c: {  	v2 =	vld [tilespmem:s25+$0x1D160];
	_ =	sdelay $0x4  }
0x16d: {  	v3 =	vsub.s32 v2, v1  }
0x16e: {  	v2 =	vand.u32 $0x7F, v2;
	vm14 =	vlt.u32 v3, $0x1B800;
	v3 =	vand.u32 $0xFFFFFF80, v3  }
0x16f: {  	v4 =	vld [tilespmem:s25+$0x1DDE0];
	v2 =	vor.u32 v2, v3;
	_ =	sdelay $0x4  }
0x170: {  	[tilespmem:v2+s4+$0x0] =	vst.idx.msk vm14, v4  }
0x171: {  	v2 =	vld [tilespmem:s25+$0x1D170];
	_ =	sdelay $0x4  }
0x172: {  	v3 =	vsub.s32 v2, v1  }
0x173: {  	v2 =	vand.u32 $0x7F, v2;
	vm15 =	vlt.u32 v3, $0x1B800;
	v3 =	vand.u32 $0xFFFFFF80, v3  }
0x174: {  	p1 =	sne.s32 s24, $0x3000;
	v4 =	vld [tilespmem:s25+$0x1DDF0];
	v2 =	vor.u32 v2, v3  }
.Ltmp11:
0x175: {  	_ = 	snop;
	(pc) =	sbr.rel @p1 .LBB2_12-.Ltmp11, $2  }
0x176: {  	_ =	sdelay $0x2  }
0x177: {  	s24 =	sadd.s32 $0x200, s24;
	[tilespmem:v2+s4+$0x0] =	vst.idx.msk vm15, v4  }
0x178: {  	s23 =	sadd.s32 $0x1, s23  }
0x179: {  	p1 =	sne.s32 s23, $0x177  }
.Ltmp12:
0x17a: {  	_ = 	snop;
	(pc) =	sbr.rel @p1 .LBB2_9-.Ltmp12, $1  }
0x17b: {  	_ =	sdelay $0x3  }
.Ltmp13:
0x17c: {  	(pc) =	sbr.rel .LBB2_22-.Ltmp13, $4  }
0x17d: {  	[hbm4b:s8+s4] =	stream.linear.scatter [tilespmem:s4], [sflag:$0x5], $0x1B800, $0x38;
	[tilespmem:$0x1EA00] =	vst v63  }
0x17e: {  	_ =	swait.ge [sflag:s12], $0x1B800  }
0x17f: {  	[sflag:s12] =	ssyncset.done $0x0  }
0x180: {  	[sflag:s12] =	ssyncadd.s32 $0xFFFE4800  }
.LBB2_23:
0x181: {  	_ =	sfence.sel $0x180000  }
0x182: {  	[bflag:$0x0] =	sbarrier.arrive $0xFFFF  }
0x183: {  	p0 =	sne.s32 s0, $0x0;
	_ =	strace $0x90000047  }
0x184: {  	s0 =	sadd.s32 @!p0 $0x100000, s1;
	[bflag:$0x2] =	sbarrier.arrive $0xFFFF  }
0x185: {  	[sflag:s0] =	ssyncadd.tile.s32 @!p0 $0x1;
	_ =	shalt  }
.Lfunc_end2:
_tile_overlayer_lowered:
.L_overlay_start_2:
0x186: {  	(tag) =	ssettag $0x2  }
0x187: {  	s0 =	rddreg [dreg:$0x0];
	s2 =	stileid.u32  }
0x188: {  	s1 =	rddreg [dreg:$0x1];
	p0 =	sne.s32 s2, $0x0  }
0x189: {  	s3 =	rddreg [dreg:$0x2];
	[bflag:$0x3] =	sbarrier.arrive $0xFFFF;
	s2 =	simm.s32 @!p0 $0x1C05  }
0x18a: {  	[timem:s3], [sflag:s2] =	dma.local @!p0 [hbm:s0], s1  }
0x18b: {  	s0 =	simm.s32 @!p0 $0x5  }
0x18c: {  	_ =	swait.ge @!p0 [sflag:s0], s1  }
0x18d: {  	s1 =	ssub.s32 @!p0 $0x0, s1;
	[sflag:s0] =	ssyncset.done @!p0 $0x0  }
0x18e: {  	[sflag:s0] =	ssyncadd.s32 @!p0 s1  }
0x18f: {  	[bflag:$0x3] =	sbarrier.arrive $0xFFFF  }
0x190: {  	_ =	shalt  }

// kernel: kernel.8.cloned.1.call-start
scs
__scs_entry_jumppad:
0x0: {  	(pc) =	sbr.rel $0x88, $3  }
0x1: {  	(tag) =	ssettag $0x0;
	lr =	simm.s32 $0x1  }
0x2: {  	[smem:$0x3F9B] =	sst lr;
	_ =	strace $0xD0000000  }
0x3: {  	_ = 	snop  }
0x4: {  	_ = 	snop  }
0x5: {  	_ = 	snop  }
0x6: {  	_ = 	snop  }
0x7: {  	_ = 	snop  }
__scs_overlays_trampoline_lowered:
0x8: {  	[smem:$0x3FAA] =	sst s0  }
0x9: {  	[smem:$0x3FAB] =	sst s1  }
0xa: {  	[smem:$0x3FAC] =	sst s2  }
0xb: {  	[smem:$0x3FAD] =	sst s3  }
0xc: {  	[smem:$0x3FAE] =	sst s4  }
0xd: {  	[smem:$0x3FAF] =	sst s5  }
0xe: {  	[smem:$0x3FB0] =	sst s6  }
0xf: {  	[smem:$0x3FB1] =	sst s7  }
0x10: {  	[smem:$0x3FB2] =	sst s8  }
0x11: {  	[smem:$0x3FB3] =	sst s9;
	s0 =	simm.s32 @!p0 $0x0  }
0x12: {  	s1 =	sld [smem:$0x3F99];
	s0 =	simm.s32 @p0 $0x1  }
0x13: {  	[smem:$0x3FB4] =	sst s0;
	s0 =	simm.s32 @!p1 $0x0  }
0x14: {  	s2 =	sld [smem:$0x3F98];
	s0 =	simm.s32 @p1 $0x1  }
0x15: {  	[smem:$0x3FB5] =	sst s0;
	s0 =	simm.s32 @!p2 $0x0  }
0x16: {  	s3 =	sld [smem:$0x3FDB];
	s0 =	simm.s32 @p2 $0x1  }
0x17: {  	s4 =	simm.s32 $0x1BF5;
	[smem:$0x3FB7] =	sst s0  }
0x18: {  	s0 =	sld [smem:$0x3F9A];
	_ =	swait.ge [sflag:s4], $0x0  }
0x19: {  	s7 =	sld [smem:$0x3F9B]  }
0x1a: {  	s8 =	sadd.s32 $0xFFFFE003, lr  }
0x1b: {  	s9 =	sadd.s32 $0xFFFFFEF7, lr;
	s5 =	simm.s32 $0xFFFFFFFF;
	p2 =	slt.u32 s8, $0xFFFFF086  }
0x1c: {  	p1 =	slt.u32 s9, $0xF7A;
	s5 =	simm.s32 @!p2 $0x0  }
0x1d: {  	s5 =	simm.s32 @p1 $0x1;
	p0 =	seq.s32 s7, s2  }
0x1e: {  	s7 =	smul.u32 @!p0 $0xF7A, s2;
	p2 =	seq.s32 @!p0 s5, $0x0  }
0x1f: {  	s9 =	smul.u32 $0xF7A, s1;
	s8 =	simm.s32 @!p0 $0x1BF5;
	p2 =	por !p2, p0  }
0x20: {  	[sflag:s8] =	ssyncset.s32 @!p0 $0xFFFFF086;
	s6 =	sadd.s32 @!p0 s3, s7;
	s7 =	simm.s32 @!p0 $0x108  }
0x21: {  	s3 =	sadd.s32 s3, s9;
	s6 =	sadd.s32 @!p0 $0x88, s6;
	s7 =	simm.s32 @p2 $0x1082  }
0x22: {  	[simem:s7], [sflag:s8] =	dma.local @!p0 [hbm:s6], $0xF7A  }
0x23: {  	s9 =	sor.u32 $0xD0000000, s2;
	s6 =	simm.s32 $0x108;
	_ =	swait.ge @!p0 [sflag:s8], $0x0  }
0x24: {  	s3 =	sadd.s32 $0x88, s3;
	s6 =	simm.s32 @!p1 $0x1082;
	[sflag:s4] =	ssyncset.s32 $0xFFFFF086  }
0x25: {  	[simem:s6], [sflag:s4] =	dma.local [hbm:s3], $0xF7A  }
0x26: {  	[smem:$0x3F9B] =	sst s1;
	(tag) =	ssettag s2;
	_ =	strace s9  }
0x27: {  	s1 =	sld [smem:$0x3FAB]  }
0x28: {  	s2 =	sld [smem:$0x3FAC]  }
0x29: {  	s4 =	sld [smem:$0x3FAE]  }
0x2a: {  	p0 =	seq.s32 s5, $0x0;
	s5 =	sld [smem:$0x3FAF]  }
0x2b: {  	s6 =	sld [smem:$0x3FB0]  }
0x2c: {  	s7 =	sld [smem:$0x3FB1]  }
0x2d: {  	s3 =	simm.s32 $0x108;
	s8 =	sld [smem:$0x3FB2]  }
0x2e: {  	s3 =	simm.s32 @!p0 $0x1082;
	s9 =	sld [smem:$0x3FB3]  }
0x2f: {  	lr =	sadd.s32 s0, s3;
	s0 =	sld [smem:$0x3FAA]  }
0x30: {  	s3 =	sld [smem:$0x3FAD]  }
0x31: {  	[smem:$0x3FB6] =	sst s10  }
0x32: {  	s10 =	sld [smem:$0x3FB4];
	_ =	sdelay $0x3  }
0x33: {  	p0 =	seq.s32 s10, $0x1;
	s10 =	sld [smem:$0x3FB6];
	_ =	sdelay $0x3  }
0x34: {  	[smem:$0x3FB6] =	sst s10  }
0x35: {  	s10 =	sld [smem:$0x3FB5];
	_ =	sdelay $0x3  }
0x36: {  	p1 =	seq.s32 s10, $0x1;
	s10 =	sld [smem:$0x3FB6];
	_ =	sdelay $0x3  }
0x37: {  	[smem:$0x3FB6] =	sst s10  }
0x38: {  	s10 =	sld [smem:$0x3FB7]  }
0x39: {  	_ = 	snop;
	(pc) =	sbr.ind lr, $3  }
0x3a: {  	_ = 	snop  }
0x3b: {  	_ = 	snop  }
0x3c: {  	p2 =	seq.s32 s10, $0x1;
	s10 =	sld [smem:$0x3FB6]  }
0x3d: {  	_ =	shalt  }
0x3e: {  	_ =	shalt  }
0x3f: {  	_ =	shalt  }
0x40: {  	_ =	shalt  }
0x41: {  	_ =	shalt  }
0x42: {  	_ =	shalt  }
0x43: {  	_ =	shalt  }
0x44: {  	_ =	shalt  }
0x45: {  	_ =	shalt  }
0x46: {  	_ =	shalt  }
0x47: {  	_ =	shalt  }
0x48: {  	_ =	shalt  }
0x49: {  	_ =	shalt  }
0x4a: {  	_ =	shalt  }
0x4b: {  	_ =	shalt  }
0x4c: {  	_ =	shalt  }
0x4d: {  	_ =	shalt  }
0x4e: {  	_ =	shalt  }
0x4f: {  	_ =	shalt  }
0x50: {  	_ =	shalt  }
0x51: {  	_ =	shalt  }
0x52: {  	_ =	shalt  }
0x53: {  	_ =	shalt  }
0x54: {  	_ =	shalt  }
0x55: {  	_ =	shalt  }
0x56: {  	_ =	shalt  }
0x57: {  	_ =	shalt  }
0x58: {  	_ =	shalt  }
0x59: {  	_ =	shalt  }
0x5a: {  	_ =	shalt  }
0x5b: {  	_ =	shalt  }
0x5c: {  	_ =	shalt  }
0x5d: {  	_ =	shalt  }
0x5e: {  	_ =	shalt  }
0x5f: {  	_ =	shalt  }
0x60: {  	_ =	shalt  }
0x61: {  	_ =	shalt  }
0x62: {  	_ =	shalt  }
0x63: {  	_ =	shalt  }
0x64: {  	_ =	shalt  }
0x65: {  	_ =	shalt  }
0x66: {  	_ =	shalt  }
0x67: {  	_ =	shalt  }
0x68: {  	_ =	shalt  }
0x69: {  	_ =	shalt  }
0x6a: {  	_ =	shalt  }
0x6b: {  	_ =	shalt  }
0x6c: {  	_ =	shalt  }
0x6d: {  	_ =	shalt  }
0x6e: {  	_ =	shalt  }
0x6f: {  	_ =	shalt  }
0x70: {  	_ =	shalt  }
0x71: {  	_ =	shalt  }
0x72: {  	_ =	shalt  }
0x73: {  	_ =	shalt  }
0x74: {  	_ =	shalt  }
0x75: {  	_ =	shalt  }
0x76: {  	_ =	shalt  }
0x77: {  	_ =	shalt  }
0x78: {  	_ =	shalt  }
0x79: {  	_ =	shalt  }
0x7a: {  	_ =	shalt  }
0x7b: {  	_ =	shalt  }
0x7c: {  	_ =	shalt  }
0x7d: {  	_ =	shalt  }
0x7e: {  	_ =	shalt  }
0x7f: {  	_ =	shalt  }
0x80: {  	_ =	shalt  }
0x81: {  	_ =	shalt  }
0x82: {  	_ =	shalt  }
0x83: {  	_ =	shalt  }
0x84: {  	_ =	shalt  }
0x85: {  	_ =	shalt  }
0x86: {  	_ =	shalt  }
0x87: {  	_ =	shalt  }
.Lfunc_end0:
.L_simem_size_0:
called_computation.1_lowered:
.L_overlay_start_0:
0x88: {  	s2 =	sld [smem:$0x3FD9]  }
0x89: {  	s3 =	sld [smem:$0x3FFE];
	_ =	sdelay $0x1  }
0x8a: {  	s1 =	srdreg.scid  }
0x8b: {  	s0 =	sand.u32 $0x1, s1  }
0x8c: {  	s17 =	sshll.u32 s0, $0xA;
	s2 =	sadd.s32 s3, s2  }
0x8d: {  	s2 =	sadd.s32 s2, s17  }
0x8e: {  	[smem:$0x3FC2] =	sst s2  }
0x8f: {  	_ = 	snop  }
0x90: {  	s2 =	sld [smem:$0x3FC4];
	(tm) =	ssettm $0x1  }
0x91: {  	s18 =	sld [smem:$0x3FFB];
	_ =	sdelay $0x3  }
0x92: {  	_ =	strace s18  }
0x93: {  	s3 =	sld [smem:$0x3FFC];
	_ =	sdelay $0x3  }
0x94: {  	_ =	strace s3  }
0x95: {  	s3 =	sld [smem:$0x3FFD];
	_ =	sdelay $0x3  }
0x96: {  	_ =	strace s3  }
0x97: {  	_ =	strace $0x8FFFFFFF  }
0x98: {  	s19 =	sld [smem:$0x3FDB];
	_ =	sdelay $0x1  }
0x99: {  	s4 =	simm.s32 $_scs_section_size  }
0x9a: {  	s5 =	simm.s32 $_size__tile_overlayer_lowered;
	s6 =	simm.s32 $_tile_overlayer_lowered  }
0x9b: {  	s22 =	simm.s32 $0x1BFF;
	s21 =	sshll.u32 s6, $0x1;
	s3 =	sadd.s32 s4, s19  }
0x9c: {  	s7 =	simm.s32 $0x0;
	s20 =	sshll.u32 s5, $0x1;
	s5 =	sadd.s32 s21, s3  }
0x9d: {  	[timem:s7], [sflag:s22] =	dma.local [hbm:s5], s20  }
0x9e: {  	_ =	swait.ge [sflag:s22], s20  }
0x9f: {  	s4 =	ssub.s32 $0x0, s20;
	[sflag:s22] =	ssyncset.done $0x0  }
0xa0: {  	[sflag:s22] =	ssyncadd.s32 s4;
	_ =	sdelay $0x1  }
0xa1: {  	s23 =	simm.s32 $0x1B8B  }
0xa2: {  	_ =	swait.ge [sflag:s23], $0x1  }
0xa3: {  	[sflag:s23] =	ssyncset.done $0x0  }
0xa4: {  	s25 =	simm.s32 $0x1B8E;
	s24 =	sld [smem:$0x3FFE];
	[sflag:s23] =	ssyncadd.s32 $0xFFFFFFFF  }
0xa5: {  	s26 =	simm.s32 $execute0_lowered;
	[smem:$0x3FD2] =	sst s25  }
0xa6: {  	s5 =	sshll.u32 s26, $0x1;
	_ =	strace $0x80000049;
	[dreg:$0x1] =	wrdreg $0xFFFFFFFF  }
0xa7: {  	s28 =	simm.s32 $_size_execute0_lowered;
	s3 =	sadd.s32 s3, s5;
	[dreg:$0x0] =	wrdreg $0x0  }
0xa8: {  	s5 =	sshll.u32 s28, $0x1;
	[dreg:$0x2] =	wrdreg s3  }
0xa9: {  	[dreg:$0x3] =	wrdreg s5  }
0xaa: {  	[dreg:$0x4] =	wrdreg $0xC0  }
0xab: {  	_ =	task [dreg:s7], $0x5FFFF  }
0xac: {  	[dreg:$0x1] =	wrdreg $0xFFFFFFFF  }
0xad: {  	[dreg:$0x0] =	wrdreg $0x60  }
0xae: {  	[dreg:$0x2] =	wrdreg s24  }
0xaf: {  	[dreg:$0x3] =	wrdreg s2  }
0xb0: {  	[dreg:$0x4] =	wrdreg $0x9  }
0xb1: {  	_ =	task.clear_ibuf [dreg:s7], $0x5FFFF;
	_ =	strace $0x90000049  }
0xb2: {  	s29 =	simm.s32 $0x9;
	_ =	strace $0x8000004B  }
0xb3: {  	_ =	swait.ge [sflag:s29], $0x1  }
0xb4: {  	[sflag:s29] =	ssyncadd.s32 $0xFFFFFFFF  }
0xb5: {  	_ =	strace $0x9000004B  }
0xb6: {  	_ =	sfence  }
0xb7: {  	s30 =	sld [smem:$0x0];
	_ =	sdelay $0x2  }
0xb8: {  	s31 =	sshll.u32 s1, $0xD;
	s1 =	sshrl.u32 s1, $0x2  }
0xb9: {  	s3 =	sand.u32 $0x4000, s31;
	s1 =	sadd.s32 s1, s30  }
0xba: {  	s0 =	sor.u32 s3, s0;
	s1 =	sshll.u32 s1, $0x11  }
0xbb: {  	s0 =	sor.u32 s1, s0  }
0xbc: {  	s0 =	sadd.s32 $0x8F2B, s0  }
0xbd: {  	[sflag:s0] =	ssyncadd.remote.s32 $0x1  }
0xbe: {  	_ =	sfence.sel $0xFFFF  }
0xbf: {  	[dreg:$0x0] =	wrdreg $0xFFFFFFFF;
	(pc) =	sbr.abs _section_cstart, $3  }
0xc0: {  	[dreg:$0x1] =	wrdreg $0xFFFFFFFF  }
0xc1: {  	_ =	task.clear_ibuf [dreg:s7], $0x2FFFF;
	_ =	strace $0x9FFFFFFF  }
0xc2: {  	(tm) =	ssettm $0x7FFFFFFF  }
0xc3: {  	_ =	shalt  }
tec
execute0_lowered:
.L_overlay_start_1:
0x0: {  	(tag) =	ssettag $0x1  }
0x1: {  	s7 =	rddreg [dreg:$0x0]  }
0x2: {  	s2 =	rddreg [dreg:$0x1]  }
0x3: {  	s0 =	rddreg [dreg:$0x2];
	s3 =	simm.s32 $0x0;
	s4 =	srdreg.scid  }
0x4: {  	s1 =	stileid.u32;
	s12 =	simm.s32 $0x13180;
	s13 =	simm.s32 $0x13E00  }
0x5: {  	s14 =	simm.s32 $0x14A80;
	s15 =	simm.s32 $0x1;
	s16 =	simm.s32 $0x15700  }
0x6: {  	s17 =	simm.s32 $0x16380;
	s18 =	simm.s32 $0x17000;
	s20 =	simm.s32 $0x2  }
0x7: {  	s21 =	simm.s32 $0x0;
	s5 =	sand.u32 $0x1, s4;
	s31 =	sshll.u32 s1, $0x1  }
0x8: {  	[smem:$0x7FF] =	sst s3;
	s4 =	sadd.s32 $0x1000, s7;
	s8 =	sor.u32 s5, s31  }
0x9: {  	s6 =	sadd.s32 $0x32000, s7;
	s10 =	ssub.s32 $0x2, s5;
	s9 =	smul.u32 $0x249F, s8  }
0xa: {  	_ =	strace $0x8000004A;
	s11 =	sshrl.u32 s10, $0x1;
	s19 =	smul.u32 $0x61A8, s8  }
0xb: {  	s5 =	sadd.s32 $0x19800, s7;
	s10 =	ssub.s32 s10, s11;
	s9 =	sadd.s32 s9, s7  }
0xc: {  	s11 =	simm.s32 $0x12500;
	v0 =	vmov s19;
	s19 =	simm.s32 $0x17C80;
	s7 =	sadd.s32 $0xDCC00, s9  }
0xd: {  	s8 =	sadd.s32 $0x4A800, s9;
	s9 =	smax.u32 s10, $0x1;
	s10 =	simm.s32 $0x3  }
.LBB2_1:
0xe: {  	[tilespmem:s3], [sflag:$0x3] =	stream.linear.gather [hbm4b:s7+s3], $0x124F8, $0x38;
	[tilespmem:$0x18900] =	vst v63  }
0xf: {  	_ =	swait.ge [sflag:s10], $0x124F8  }
0x10: {  	[sflag:s10] =	ssyncset.done $0x0  }
0x11: {  	[sflag:s10] =	ssyncadd.s32 $0xFFFEDB08  }
0x12: {  	[tilespmem:s11], [sflag:$0x1] =	stream.linear.gather [hbm4b:s2+s3], $0xC80, $0x38;
	[tilespmem:$0x18900] =	vst v63  }
0x13: {  	_ = 	snop  }
0x14: {  	[tilespmem:s12], [sflag:$0x1] =	stream.linear.gather [hbm4b:s4+s3], $0xC80, $0x38;
	[tilespmem:$0x18900] =	vst v63  }
0x15: {  	_ = 	snop  }
0x16: {  	[tilespmem:s13], [sflag:$0x1] =	stream.linear.gather [hbm4b:s5+s3], $0xC80, $0x38;
	[tilespmem:$0x18900] =	vst v63  }
0x17: {  	s22 =	simm.s32 $0x0  }
0x18: {  	[tilespmem:s14], [sflag:$0x1] =	stream.linear.gather [hbm4b:s6+s3], $0xC80, $0x38;
	[tilespmem:$0x18900] =	vst v63  }
.LBB2_2:
0x19: {  	_ =	swait.ge [sflag:s15], $0xC80  }
0x1a: {  	[sflag:s15] =	ssyncset.done $0x0  }
0x1b: {  	[sflag:s15] =	ssyncadd.s32 $0xFFFFF380  }
0x1c: {  	_ =	swait.ge [sflag:s15], $0xC80  }
0x1d: {  	[sflag:s15] =	ssyncset.done $0x0  }
0x1e: {  	[sflag:s15] =	ssyncadd.s32 $0xFFFFF380  }
0x1f: {  	_ =	swait.ge [sflag:s15], $0xC80  }
0x20: {  	s23 =	smul.u32 $0x1900, s22;
	[sflag:s15] =	ssyncset.done $0x0  }
0x21: {  	[sflag:s15] =	ssyncadd.s32 $0xFFFFF380  }
0x22: {  	s24 =	sshrl.u32 s23, $0x3;
	_ =	swait.ge [sflag:s15], $0xC80  }
0x23: {  	s25 =	sadd.s32 $0x190, s24;
	[sflag:s15] =	ssyncset.done $0x0  }
0x24: {  	s24 =	simm.s32 $0x0;
	s26 =	sadd.s32 s2, s25;
	[sflag:s15] =	ssyncadd.s32 $0xFFFFF380  }
0x25: {  	[tilespmem:s16], [sflag:$0x2] =	stream.linear.gather [hbm4b:s26+s24], $0xC80, $0x38;
	[tilespmem:$0x18900] =	vst v63  }
0x26: {  	s30 =	sadd.s32 s4, s25  }
0x27: {  	[tilespmem:s17], [sflag:$0x2] =	stream.linear.gather [hbm4b:s30+s24], $0xC80, $0x38;
	[tilespmem:$0x18900] =	vst v63  }
0x28: {  	s31 =	sadd.s32 s5, s25  }
0x29: {  	[tilespmem:s18], [sflag:$0x2] =	stream.linear.gather [hbm4b:s31+s24], $0xC80, $0x38;
	[tilespmem:$0x18900] =	vst v63  }
0x2a: {  	s25 =	sadd.s32 s6, s25  }
0x2b: {  	[tilespmem:s19], [sflag:$0x2] =	stream.linear.gather [hbm4b:s25+s24], $0xC80, $0x38;
	[tilespmem:$0x18900] =	vst v63  }
.LBB2_3:
0x2c: {  	s25 =	sshra.s32 s24, $0x2  }
0x2d: {  	v1 =	vld [tilespmem:s25+$0x12500];
	_ =	sdelay $0x4  }
0x2e: {  	v1 =	vsub.s32 v1, v0  }
0x2f: {  	vm0 =	vlt.u32 v1, $0x61A8;
	v1 =	vmul.u32 $0x3, v1  }
0x30: {  	v2 =	vld [tilespmem:s25+$0x13180];
	_ =	sdelay $0x4  }
0x31: {  	[tilespmem:v1+s3+$0x0] =	vst.idx.msk vm0, v2  }
0x32: {  	v2 =	vadd.s32 $0x1, v1;
	v3 =	vld [tilespmem:s25+$0x13E00];
	_ =	sdelay $0x4  }
0x33: {  	[tilespmem:v2+s3+$0x0] =	vst.idx.msk vm0, v3  }
0x34: {  	v1 =	vadd.s32 $0x2, v1;
	v2 =	vld [tilespmem:s25+$0x14A80];
	_ =	sdelay $0x4  }
0x35: {  	[tilespmem:v1+s3+$0x0] =	vst.idx.msk vm0, v2  }
0x36: {  	v1 =	vld [tilespmem:s25+$0x12510];
	_ =	sdelay $0x4  }
0x37: {  	v1 =	vsub.s32 v1, v0  }
0x38: {  	vm9 =	vlt.u32 v1, $0x61A8;
	v1 =	vmul.u32 $0x3, v1  }
0x39: {  	v2 =	vld [tilespmem:s25+$0x13190];
	_ =	sdelay $0x4  }
0x3a: {  	[tilespmem:v1+s3+$0x0] =	vst.idx.msk vm9, v2  }
0x3b: {  	v2 =	vadd.s32 $0x1, v1;
	v3 =	vld [tilespmem:s25+$0x13E10];
	_ =	sdelay $0x4  }
0x3c: {  	[tilespmem:v2+s3+$0x0] =	vst.idx.msk vm9, v3  }
0x3d: {  	v1 =	vadd.s32 $0x2, v1;
	v2 =	vld [tilespmem:s25+$0x14A90];
	_ =	sdelay $0x4  }
0x3e: {  	[tilespmem:v1+s3+$0x0] =	vst.idx.msk vm9, v2  }
0x3f: {  	v1 =	vld [tilespmem:s25+$0x12520];
	_ =	sdelay $0x4  }
0x40: {  	v1 =	vsub.s32 v1, v0  }
0x41: {  	vm10 =	vlt.u32 v1, $0x61A8;
	v1 =	vmul.u32 $0x3, v1  }
0x42: {  	v2 =	vld [tilespmem:s25+$0x131A0];
	_ =	sdelay $0x4  }
0x43: {  	[tilespmem:v1+s3+$0x0] =	vst.idx.msk vm10, v2  }
0x44: {  	v2 =	vadd.s32 $0x1, v1;
	v3 =	vld [tilespmem:s25+$0x13E20];
	_ =	sdelay $0x4  }
0x45: {  	[tilespmem:v2+s3+$0x0] =	vst.idx.msk vm10, v3  }
0x46: {  	v1 =	vadd.s32 $0x2, v1;
	v2 =	vld [tilespmem:s25+$0x14AA0];
	_ =	sdelay $0x4  }
0x47: {  	[tilespmem:v1+s3+$0x0] =	vst.idx.msk vm10, v2  }
0x48: {  	v1 =	vld [tilespmem:s25+$0x12530];
	_ =	sdelay $0x4  }
0x49: {  	v1 =	vsub.s32 v1, v0  }
0x4a: {  	vm11 =	vlt.u32 v1, $0x61A8;
	v1 =	vmul.u32 $0x3, v1  }
0x4b: {  	v2 =	vld [tilespmem:s25+$0x131B0];
	_ =	sdelay $0x4  }
0x4c: {  	[tilespmem:v1+s3+$0x0] =	vst.idx.msk vm11, v2  }
0x4d: {  	v2 =	vadd.s32 $0x1, v1;
	v3 =	vld [tilespmem:s25+$0x13E30];
	_ =	sdelay $0x4  }
0x4e: {  	[tilespmem:v2+s3+$0x0] =	vst.idx.msk vm11, v3  }
0x4f: {  	v1 =	vadd.s32 $0x2, v1;
	v2 =	vld [tilespmem:s25+$0x14AB0];
	_ =	sdelay $0x4  }
0x50: {  	[tilespmem:v1+s3+$0x0] =	vst.idx.msk vm11, v2  }
0x51: {  	v1 =	vld [tilespmem:s25+$0x12540];
	_ =	sdelay $0x4  }
0x52: {  	v1 =	vsub.s32 v1, v0  }
0x53: {  	vm12 =	vlt.u32 v1, $0x61A8;
	v1 =	vmul.u32 $0x3, v1  }
0x54: {  	v2 =	vld [tilespmem:s25+$0x131C0];
	_ =	sdelay $0x4  }
0x55: {  	[tilespmem:v1+s3+$0x0] =	vst.idx.msk vm12, v2  }
0x56: {  	v2 =	vadd.s32 $0x1, v1;
	v3 =	vld [tilespmem:s25+$0x13E40];
	_ =	sdelay $0x4  }
0x57: {  	[tilespmem:v2+s3+$0x0] =	vst.idx.msk vm12, v3  }
0x58: {  	v1 =	vadd.s32 $0x2, v1;
	v2 =	vld [tilespmem:s25+$0x14AC0];
	_ =	sdelay $0x4  }
0x59: {  	[tilespmem:v1+s3+$0x0] =	vst.idx.msk vm12, v2  }
0x5a: {  	v1 =	vld [tilespmem:s25+$0x12550];
	_ =	sdelay $0x4  }
0x5b: {  	v1 =	vsub.s32 v1, v0  }
0x5c: {  	vm13 =	vlt.u32 v1, $0x61A8;
	v1 =	vmul.u32 $0x3, v1  }
0x5d: {  	v2 =	vld [tilespmem:s25+$0x131D0];
	_ =	sdelay $0x4  }
0x5e: {  	[tilespmem:v1+s3+$0x0] =	vst.idx.msk vm13, v2  }
0x5f: {  	v2 =	vadd.s32 $0x1, v1;
	v3 =	vld [tilespmem:s25+$0x13E50];
	_ =	sdelay $0x4  }
0x60: {  	[tilespmem:v2+s3+$0x0] =	vst.idx.msk vm13, v3  }
0x61: {  	v1 =	vadd.s32 $0x2, v1;
	v2 =	vld [tilespmem:s25+$0x14AD0];
	_ =	sdelay $0x4  }
0x62: {  	[tilespmem:v1+s3+$0x0] =	vst.idx.msk vm13, v2  }
0x63: {  	v1 =	vld [tilespmem:s25+$0x12560];
	_ =	sdelay $0x4  }
0x64: {  	v1 =	vsub.s32 v1, v0  }
0x65: {  	vm14 =	vlt.u32 v1, $0x61A8;
	v1 =	vmul.u32 $0x3, v1  }
0x66: {  	v2 =	vld [tilespmem:s25+$0x131E0];
	_ =	sdelay $0x4  }
0x67: {  	[tilespmem:v1+s3+$0x0] =	vst.idx.msk vm14, v2  }
0x68: {  	v2 =	vadd.s32 $0x1, v1;
	v3 =	vld [tilespmem:s25+$0x13E60];
	_ =	sdelay $0x4  }
0x69: {  	[tilespmem:v2+s3+$0x0] =	vst.idx.msk vm14, v3  }
0x6a: {  	v1 =	vadd.s32 $0x2, v1;
	v2 =	vld [tilespmem:s25+$0x14AE0];
	_ =	sdelay $0x4  }
0x6b: {  	[tilespmem:v1+s3+$0x0] =	vst.idx.msk vm14, v2  }
0x6c: {  	v1 =	vld [tilespmem:s25+$0x12570];
	_ =	sdelay $0x4  }
0x6d: {  	v1 =	vsub.s32 v1, v0  }
0x6e: {  	vm15 =	vlt.u32 v1, $0x61A8;
	v1 =	vmul.u32 $0x3, v1  }
0x6f: {  	v2 =	vld [tilespmem:s25+$0x131F0];
	_ =	sdelay $0x4  }
0x70: {  	[tilespmem:v1+s3+$0x0] =	vst.idx.msk vm15, v2  }
0x71: {  	v2 =	vadd.s32 $0x1, v1;
	v3 =	vld [tilespmem:s25+$0x13E70];
	_ =	sdelay $0x4  }
0x72: {  	[tilespmem:v2+s3+$0x0] =	vst.idx.msk vm15, v3  }
0x73: {  	p0 =	sne.s32 s24, $0x3000;
	v1 =	vadd.s32 $0x2, v1;
	v2 =	vld [tilespmem:s25+$0x14AF0]  }
.Ltmp0:
0x74: {  	_ = 	snop;
	(pc) =	sbr.rel @p0 .LBB2_3-.Ltmp0, $2  }
0x75: {  	_ =	sdelay $0x2  }
0x76: {  	s24 =	sadd.s32 $0x200, s24;
	[tilespmem:v1+s3+$0x0] =	vst.idx.msk vm15, v2  }
0x77: {  	_ =	swait.ge [sflag:s20], $0xC80  }
0x78: {  	[sflag:s20] =	ssyncset.done $0x0  }
0x79: {  	[sflag:s20] =	ssyncadd.s32 $0xFFFFF380  }
0x7a: {  	_ =	swait.ge [sflag:s20], $0xC80  }
0x7b: {  	[sflag:s20] =	ssyncset.done $0x0  }
0x7c: {  	[sflag:s20] =	ssyncadd.s32 $0xFFFFF380  }
0x7d: {  	_ =	swait.ge [sflag:s20], $0xC80  }
0x7e: {  	[sflag:s20] =	ssyncset.done $0x0  }
0x7f: {  	p0 =	seq.s32 s22, $0x7C;
	[sflag:s20] =	ssyncadd.s32 $0xFFFFF380  }
0x80: {  	s23 =	sshrl.u32 @!p0 s23, $0x3;
	_ =	swait.ge [sflag:s20], $0xC80  }
0x81: {  	s25 =	simm.s32 @!p0 $0x0;
	s23 =	sadd.s32 @!p0 $0x320, s23;
	[sflag:s20] =	ssyncset.done $0x0  }
0x82: {  	s26 =	simm.s32 @!p0 $0x12500;
	s24 =	sadd.s32 @!p0 s2, s23;
	[sflag:s20] =	ssyncadd.s32 $0xFFFFF380  }
0x83: {  	[tilespmem:s26], [sflag:$0x1] =	stream.linear.gather @!p0 [hbm4b:s24+s25], $0xC80, $0x38;
	[tilespmem:$0x18900] =	vst v63  }
0x84: {  	s24 =	sadd.s32 @!p0 s4, s23;
	s26 =	simm.s32 @!p0 $0x13180  }
0x85: {  	[tilespmem:s26], [sflag:$0x1] =	stream.linear.gather @!p0 [hbm4b:s24+s25], $0xC80, $0x38;
	[tilespmem:$0x18900] =	vst v63  }
0x86: {  	s24 =	sadd.s32 @!p0 s5, s23;
	s26 =	simm.s32 @!p0 $0x13E00  }
0x87: {  	[tilespmem:s26], [sflag:$0x1] =	stream.linear.gather @!p0 [hbm4b:s24+s25], $0xC80, $0x38;
	[tilespmem:$0x18900] =	vst v63  }
0x88: {  	s23 =	sadd.s32 @!p0 s6, s23;
	s24 =	simm.s32 @!p0 $0x14A80  }
0x89: {  	[tilespmem:s24], [sflag:$0x1] =	stream.linear.gather @!p0 [hbm4b:s23+s25], $0xC80, $0x38;
	[tilespmem:$0x18900] =	vst v63  }
0x8a: {  	s23 =	simm.s32 $0x0  }
.LBB2_5:
0x8b: {  	s24 =	sshra.s32 s23, $0x2  }
0x8c: {  	v1 =	vld [tilespmem:s24+$0x15700];
	_ =	sdelay $0x4  }
0x8d: {  	v1 =	vsub.s32 v1, v0  }
0x8e: {  	vm0 =	vlt.u32 v1, $0x61A8;
	v1 =	vmul.u32 $0x3, v1  }
0x8f: {  	v2 =	vld [tilespmem:s24+$0x16380];
	_ =	sdelay $0x4  }
0x90: {  	[tilespmem:v1+s3+$0x0] =	vst.idx.msk vm0, v2  }
0x91: {  	v2 =	vadd.s32 $0x1, v1;
	v3 =	vld [tilespmem:s24+$0x17000];
	_ =	sdelay $0x4  }
0x92: {  	[tilespmem:v2+s3+$0x0] =	vst.idx.msk vm0, v3  }
0x93: {  	v1 =	vadd.s32 $0x2, v1;
	v2 =	vld [tilespmem:s24+$0x17C80];
	_ =	sdelay $0x4  }
0x94: {  	[tilespmem:v1+s3+$0x0] =	vst.idx.msk vm0, v2  }
0x95: {  	v1 =	vld [tilespmem:s24+$0x15710];
	_ =	sdelay $0x4  }
0x96: {  	v1 =	vsub.s32 v1, v0  }
0x97: {  	vm9 =	vlt.u32 v1, $0x61A8;
	v1 =	vmul.u32 $0x3, v1  }
0x98: {  	v2 =	vld [tilespmem:s24+$0x16390];
	_ =	sdelay $0x4  }
0x99: {  	[tilespmem:v1+s3+$0x0] =	vst.idx.msk vm9, v2  }
0x9a: {  	v2 =	vadd.s32 $0x1, v1;
	v3 =	vld [tilespmem:s24+$0x17010];
	_ =	sdelay $0x4  }
0x9b: {  	[tilespmem:v2+s3+$0x0] =	vst.idx.msk vm9, v3  }
0x9c: {  	v1 =	vadd.s32 $0x2, v1;
	v2 =	vld [tilespmem:s24+$0x17C90];
	_ =	sdelay $0x4  }
0x9d: {  	[tilespmem:v1+s3+$0x0] =	vst.idx.msk vm9, v2  }
0x9e: {  	v1 =	vld [tilespmem:s24+$0x15720];
	_ =	sdelay $0x4  }
0x9f: {  	v1 =	vsub.s32 v1, v0  }
0xa0: {  	vm10 =	vlt.u32 v1, $0x61A8;
	v1 =	vmul.u32 $0x3, v1  }
0xa1: {  	v2 =	vld [tilespmem:s24+$0x163A0];
	_ =	sdelay $0x4  }
0xa2: {  	[tilespmem:v1+s3+$0x0] =	vst.idx.msk vm10, v2  }
0xa3: {  	v2 =	vadd.s32 $0x1, v1;
	v3 =	vld [tilespmem:s24+$0x17020];
	_ =	sdelay $0x4  }
0xa4: {  	[tilespmem:v2+s3+$0x0] =	vst.idx.msk vm10, v3  }
0xa5: {  	v1 =	vadd.s32 $0x2, v1;
	v2 =	vld [tilespmem:s24+$0x17CA0];
	_ =	sdelay $0x4  }
0xa6: {  	[tilespmem:v1+s3+$0x0] =	vst.idx.msk vm10, v2  }
0xa7: {  	v1 =	vld [tilespmem:s24+$0x15730];
	_ =	sdelay $0x4  }
0xa8: {  	v1 =	vsub.s32 v1, v0  }
0xa9: {  	vm11 =	vlt.u32 v1, $0x61A8;
	v1 =	vmul.u32 $0x3, v1  }
0xaa: {  	v2 =	vld [tilespmem:s24+$0x163B0];
	_ =	sdelay $0x4  }
0xab: {  	[tilespmem:v1+s3+$0x0] =	vst.idx.msk vm11, v2  }
0xac: {  	v2 =	vadd.s32 $0x1, v1;
	v3 =	vld [tilespmem:s24+$0x17030];
	_ =	sdelay $0x4  }
0xad: {  	[tilespmem:v2+s3+$0x0] =	vst.idx.msk vm11, v3  }
0xae: {  	v1 =	vadd.s32 $0x2, v1;
	v2 =	vld [tilespmem:s24+$0x17CB0];
	_ =	sdelay $0x4  }
0xaf: {  	[tilespmem:v1+s3+$0x0] =	vst.idx.msk vm11, v2  }
0xb0: {  	v1 =	vld [tilespmem:s24+$0x15740];
	_ =	sdelay $0x4  }
0xb1: {  	v1 =	vsub.s32 v1, v0  }
0xb2: {  	vm12 =	vlt.u32 v1, $0x61A8;
	v1 =	vmul.u32 $0x3, v1  }
0xb3: {  	v2 =	vld [tilespmem:s24+$0x163C0];
	_ =	sdelay $0x4  }
0xb4: {  	[tilespmem:v1+s3+$0x0] =	vst.idx.msk vm12, v2  }
0xb5: {  	v2 =	vadd.s32 $0x1, v1;
	v3 =	vld [tilespmem:s24+$0x17040];
	_ =	sdelay $0x4  }
0xb6: {  	[tilespmem:v2+s3+$0x0] =	vst.idx.msk vm12, v3  }
0xb7: {  	v1 =	vadd.s32 $0x2, v1;
	v2 =	vld [tilespmem:s24+$0x17CC0];
	_ =	sdelay $0x4  }
0xb8: {  	[tilespmem:v1+s3+$0x0] =	vst.idx.msk vm12, v2  }
0xb9: {  	v1 =	vld [tilespmem:s24+$0x15750];
	_ =	sdelay $0x4  }
0xba: {  	v1 =	vsub.s32 v1, v0  }
0xbb: {  	vm13 =	vlt.u32 v1, $0x61A8;
	v1 =	vmul.u32 $0x3, v1  }
0xbc: {  	v2 =	vld [tilespmem:s24+$0x163D0];
	_ =	sdelay $0x4  }
0xbd: {  	[tilespmem:v1+s3+$0x0] =	vst.idx.msk vm13, v2  }
0xbe: {  	v2 =	vadd.s32 $0x1, v1;
	v3 =	vld [tilespmem:s24+$0x17050];
	_ =	sdelay $0x4  }
0xbf: {  	[tilespmem:v2+s3+$0x0] =	vst.idx.msk vm13, v3  }
0xc0: {  	v1 =	vadd.s32 $0x2, v1;
	v2 =	vld [tilespmem:s24+$0x17CD0];
	_ =	sdelay $0x4  }
0xc1: {  	[tilespmem:v1+s3+$0x0] =	vst.idx.msk vm13, v2  }
0xc2: {  	v1 =	vld [tilespmem:s24+$0x15760];
	_ =	sdelay $0x4  }
0xc3: {  	v1 =	vsub.s32 v1, v0  }
0xc4: {  	vm14 =	vlt.u32 v1, $0x61A8;
	v1 =	vmul.u32 $0x3, v1  }
0xc5: {  	v2 =	vld [tilespmem:s24+$0x163E0];
	_ =	sdelay $0x4  }
0xc6: {  	[tilespmem:v1+s3+$0x0] =	vst.idx.msk vm14, v2  }
0xc7: {  	v2 =	vadd.s32 $0x1, v1;
	v3 =	vld [tilespmem:s24+$0x17060];
	_ =	sdelay $0x4  }
0xc8: {  	[tilespmem:v2+s3+$0x0] =	vst.idx.msk vm14, v3  }
0xc9: {  	v1 =	vadd.s32 $0x2, v1;
	v2 =	vld [tilespmem:s24+$0x17CE0];
	_ =	sdelay $0x4  }
0xca: {  	[tilespmem:v1+s3+$0x0] =	vst.idx.msk vm14, v2  }
0xcb: {  	v1 =	vld [tilespmem:s24+$0x15770];
	_ =	sdelay $0x4  }
0xcc: {  	v1 =	vsub.s32 v1, v0  }
0xcd: {  	vm15 =	vlt.u32 v1, $0x61A8;
	v1 =	vmul.u32 $0x3, v1  }
0xce: {  	v2 =	vld [tilespmem:s24+$0x163F0];
	_ =	sdelay $0x4  }
0xcf: {  	[tilespmem:v1+s3+$0x0] =	vst.idx.msk vm15, v2  }
0xd0: {  	v2 =	vadd.s32 $0x1, v1;
	v3 =	vld [tilespmem:s24+$0x17070];
	_ =	sdelay $0x4  }
0xd1: {  	[tilespmem:v2+s3+$0x0] =	vst.idx.msk vm15, v3  }
0xd2: {  	p0 =	sne.s32 s23, $0x3000;
	v1 =	vadd.s32 $0x2, v1;
	v2 =	vld [tilespmem:s24+$0x17CF0]  }
.Ltmp1:
0xd3: {  	_ = 	snop;
	(pc) =	sbr.rel @p0 .LBB2_5-.Ltmp1, $2  }
0xd4: {  	_ =	sdelay $0x2  }
0xd5: {  	s23 =	sadd.s32 $0x200, s23;
	[tilespmem:v1+s3+$0x0] =	vst.idx.msk vm15, v2  }
0xd6: {  	s22 =	sadd.s32 $0x1, s22  }
0xd7: {  	p0 =	sne.s32 s22, $0x7D  }
.Ltmp2:
0xd8: {  	_ = 	snop;
	(pc) =	sbr.rel @p0 .LBB2_2-.Ltmp2, $1  }
0xd9: {  	_ =	sdelay $0x3  }
0xda: {  	s21 =	sadd.s32 $0x1, s21  }
0xdb: {  	p0 =	sne.s32 s21, s9  }
.Ltmp3:
0xdc: {  	_ = 	snop;
	(pc) =	sbr.rel @p0 .LBB2_1-.Ltmp3, $4  }
0xdd: {  	[hbm4b:s8+s3] =	stream.linear.scatter [tilespmem:s3], [sflag:$0x3], $0x124F8, $0x38;
	[tilespmem:$0x18900] =	vst v63  }
0xde: {  	_ =	swait.ge [sflag:s10], $0x124F8  }
0xdf: {  	[sflag:s10] =	ssyncset.done $0x0  }
0xe0: {  	[sflag:s10] =	ssyncadd.s32 $0xFFFEDB08  }
0xe1: {  	_ =	sfence.sel $0x180000  }
0xe2: {  	[bflag:$0x0] =	sbarrier.arrive $0xFFFF  }
0xe3: {  	p0 =	sne.s32 s1, $0x0;
	_ =	strace $0x9000004A  }
0xe4: {  	s0 =	sadd.s32 @!p0 $0x100000, s0;
	[bflag:$0x2] =	sbarrier.arrive $0xFFFF  }
0xe5: {  	[sflag:s0] =	ssyncadd.tile.s32 @!p0 $0x1;
	_ =	shalt  }
.Lfunc_end2:
_tile_overlayer_lowered:
.L_overlay_start_2:
0xe6: {  	(tag) =	ssettag $0x2  }
0xe7: {  	s0 =	rddreg [dreg:$0x0];
	s2 =	stileid.u32  }
0xe8: {  	s1 =	rddreg [dreg:$0x1];
	p0 =	sne.s32 s2, $0x0  }
0xe9: {  	s3 =	rddreg [dreg:$0x2];
	[bflag:$0x3] =	sbarrier.arrive $0xFFFF;
	s2 =	simm.s32 @!p0 $0x1C03  }
0xea: {  	[timem:s3], [sflag:s2] =	dma.local @!p0 [hbm:s0], s1  }
0xeb: {  	s0 =	simm.s32 @!p0 $0x3  }
0xec: {  	_ =	swait.ge @!p0 [sflag:s0], s1  }
0xed: {  	s1 =	ssub.s32 @!p0 $0x0, s1;
	[sflag:s0] =	ssyncset.done @!p0 $0x0  }
0xee: {  	[sflag:s0] =	ssyncadd.s32 @!p0 s1  }
0xef: {  	[bflag:$0x3] =	sbarrier.arrive $0xFFFF  }
0xf0: {  	_ =	shalt  }

</sc_bundles>
